<compile_context>
chip_gen: v7x
topology: tpu7x:2x2x1
jax: 0.10.2.dev20260603
libtpu: 0.0.44.dev20260713+nightly
codegen_flags: <defaults>
</compile_context>

<pallas_src>
import functools
import jax
import jax.numpy as jnp
from jax import lax
from jax.experimental import pallas as pl
from jax.experimental.pallas import tpu as pltpu
from jax.experimental.pallas import tpu_sc as plsc

_K = 64
_N = 32768
_ROWS = 128
_CHUNK = 32
_NCH = _ROWS // _CHUNK
_NW = 32
_RPT = _CHUNK // _NW
_NV = _N // 16


def _search_body(x_ref, t_ref, j_ref):
    x = x_ref[...]
    r = x.shape[0]
    xi = jax.lax.bitcast_convert_type(x, jnp.int32)
    z = xi ^ ((xi >> 31) & jnp.int32(0x7FFFFFFF))

    def count_ge(t):
        ind = jnp.where(z >= t, jnp.float32(1.0), jnp.float32(0.0))
        return jnp.sum(ind, axis=1, keepdims=True)

    kf = jnp.float32(_K)
    one = jnp.full((r, 1), 1, jnp.int32)
    c1 = count_ge(one)

    zc = jnp.max(z.reshape(r, _N // 128, 128), axis=1)
    zmax = jnp.max(zc, axis=1, keepdims=True)

    def countc_ge(t):
        ind = jnp.where(zc >= t, jnp.float32(1.0), jnp.float32(0.0))
        return jnp.sum(ind, axis=1, keepdims=True)

    hi0 = jnp.maximum(zmax + 1, one + 1)

    def s1body(i, st):
        lo, hi = st
        q = (hi - lo) // 4
        m1 = lo + q
        m2 = jnp.maximum(lo + 2 * q, lo + 1)
        m3 = jnp.maximum(lo + 3 * q, m2)
        cc1 = countc_ge(m1)
        cc2 = countc_ge(m2)
        cc3 = countc_ge(m3)
        lo = jnp.where(cc1 >= kf, m1, lo)
        lo = jnp.where(cc2 >= kf, m2, lo)
        lo = jnp.where(cc3 >= kf, m3, lo)
        hi = jnp.where(cc3 < kf, m3, hi)
        hi = jnp.where(cc2 < kf, m2, hi)
        hi = jnp.where(cc1 < kf, m1, hi)
        return lo, hi

    s1lo, _ = jax.lax.fori_loop(0, 9, s1body, (one, hi0))

    done0 = jnp.where(c1 <= kf, jnp.int32(1), jnp.int32(0))
    lo0 = jnp.maximum(s1lo, one)

    def cond(state):
        lo, hi, done = state
        return jnp.min(done) < 1

    def body(state):
        lo, hi, done = state
        q = (hi - lo) // 4
        m1 = lo + q
        m2 = jnp.maximum(lo + 2 * q, lo + 1)
        m3 = jnp.maximum(lo + 3 * q, m2)
        c1_ = count_ge(m1)
        c2_ = count_ge(m2)
        c3_ = count_ge(m3)
        nd = done < 1
        lo = jnp.where(jnp.logical_and(nd, c1_ >= kf), m1, lo)
        lo = jnp.where(jnp.logical_and(nd, c2_ >= kf), m2, lo)
        lo = jnp.where(jnp.logical_and(nd, c3_ >= kf), m3, lo)
        hi = jnp.where(jnp.logical_and(nd, c3_ < kf), m3, hi)
        hi = jnp.where(jnp.logical_and(nd, c2_ < kf), m2, hi)
        hi = jnp.where(jnp.logical_and(nd, c1_ < kf), m1, hi)
        lo = jnp.where(jnp.logical_and(nd, c1_ == kf), m1, lo)
        lo = jnp.where(jnp.logical_and(nd, c2_ == kf), m2, lo)
        lo = jnp.where(jnp.logical_and(nd, c3_ == kf), m3, lo)
        hit = jnp.logical_or(jnp.logical_or(c1_ == kf, c2_ == kf), c3_ == kf)
        fin = jnp.logical_or(hit, hi - lo <= 1)
        done = jnp.maximum(done, jnp.where(fin, jnp.int32(1), jnp.int32(0)))
        return lo, hi, done

    lo, _, _ = jax.lax.while_loop(cond, body, (lo0, hi0, done0))

    cnt = count_ge(lo)
    ties = jnp.any(cnt > kf)

    t_ref[...] = jax.lax.bitcast_convert_type(lo, jnp.float32)
    j_ref[...] = jnp.full((r, 1), _N, jnp.int32)

    @pl.when(ties)
    def _():
        surplus = cnt > kf
        cgt = count_ge(lo + 1)
        want = jnp.where(surplus, kf - cgt, jnp.float32(_N))
        tie = jnp.logical_and(z == lo, surplus)
        col = jax.lax.broadcasted_iota(jnp.int32, (r, _N), 1)

        def tcount(j):
            m = jnp.logical_and(tie, col < j)
            ind = jnp.where(m, jnp.float32(1.0), jnp.float32(0.0))
            return jnp.sum(ind, axis=1, keepdims=True)

        def tbody(i, st):
            tlo, thi = st
            mid = tlo + (thi - tlo) // 2
            c = tcount(mid)
            small = c <= want
            tlo = jnp.where(small, mid, tlo)
            thi = jnp.where(small, thi, mid)
            return tlo, thi

        jlo0 = jnp.zeros((r, 1), jnp.int32)
        jhi0 = jnp.full((r, 1), _N + 1, jnp.int32)
        jcut, _ = jax.lax.fori_loop(0, 16, tbody, (jlo0, jhi0))
        j_ref[...] = jnp.where(surplus, jcut, jnp.int32(_N))


def _tc_search_chunk(x, b):
    return pl.pallas_call(
        _search_body,
        grid=(1,),
        in_specs=[pl.BlockSpec((_CHUNK, _N), lambda i, b=b: (b, 0))],
        out_specs=[pl.BlockSpec((_CHUNK, 1), lambda i: (0, 0)),
                   pl.BlockSpec((_CHUNK, 1), lambda i: (0, 0))],
        out_shape=[jax.ShapeDtypeStruct((_CHUNK, 1), jnp.float32),
                   jax.ShapeDtypeStruct((_CHUNK, 1), jnp.int32)],
    )(x)


def _sc_mask_chunk(x, thr16, j16, b):
    mesh = plsc.VectorSubcoreMesh(core_axis_name="c", subcore_axis_name="s")

    @functools.partial(
        pl.kernel,
        mesh=mesh,
        out_type=jax.ShapeDtypeStruct((_CHUNK, _N), jnp.float32),
        scratch_types=[
            pltpu.VMEM((_N,), jnp.float32),
            pltpu.VMEM((_N,), jnp.float32),
            pltpu.VMEM((_CHUNK * 16,), jnp.float32),
            pltpu.VMEM((_CHUNK * 16,), jnp.int32),
        ],
    )
    def k(x_hbm, thr_hbm, j_hbm, out_hbm, row_v, orow_v, thr_v, j_v):
        wid = lax.axis_index("s") * 2 + lax.axis_index("c")
        pltpu.sync_copy(thr_hbm, thr_v)
        pltpu.sync_copy(j_hbm, j_v)
        iota16 = jax.lax.broadcasted_iota(jnp.int32, (16,), 0)
        step16 = jnp.full((16,), 16, jnp.int32)
        row = wid
        src = b * _CHUNK + row
        pltpu.sync_copy(x_hbm.at[src], row_v)
        tspl = thr_v[pl.ds(row * 16, 16)]
        jspl = j_v[pl.ds(row * 16, 16)]

        def body(i, col):
            v = row_v[pl.ds(i * 16, 16)]
            keep = jnp.logical_or(v > tspl,
                                  jnp.logical_and(v == tspl, col < jspl))
            orow_v[pl.ds(i * 16, 16)] = jnp.where(keep, v, jnp.float32(0.0))
            return col + step16

        jax.lax.fori_loop(0, _NV, body, iota16)
        pltpu.sync_copy(orow_v, out_hbm.at[row])

    return k(x, thr16, j16)


def kernel(x):
    outs = []
    for b in range(_NCH):
        thr, jcut = _tc_search_chunk(x, b)
        thr16 = jnp.broadcast_to(thr, (_CHUNK, 16)).reshape(_CHUNK * 16)
        j16 = jnp.broadcast_to(jcut, (_CHUNK, 16)).reshape(_CHUNK * 16)
        outs.append(_sc_mask_chunk(x, thr16, j16, b))
    return jnp.concatenate(outs, axis=0)

# --- scband reference (transcript-rebuilt; emitter-appended) ---
"""Pipeline reference for scband-top-k-30159260353107 (READ-ONLY COPY).

The authoritative reference and input builder live on the scoring server;
editing this copy changes nothing except your own understanding.
"""

import jax, jax.numpy as jnp
import numpy as np

K = 64

def setup_inputs(seed: int = 0) -> dict:
    key = jax.random.key(seed)
    x = jax.random.normal(key, (128, 32768), dtype=jnp.float32)
    return {"x": x}

def reference(x):
    # torch.topk(x, k, dim=-1, sorted=False) -> values, indices
    topk_values, topk_indices = jax.lax.top_k(x, K)
    # ReLU on the top-k values
    values = jnp.maximum(topk_values, 0.0)
    # use_sparse_activations=False path: dense zeros + scatter of relu'd values
    # result = zeros_like(x); result.scatter_(-1, topk_indices, values)
    M = x.shape[0]
    row_idx = jnp.arange(M)[:, None]
    result = jnp.zeros_like(x).at[row_idx, topk_indices].set(values)
    return result

if __name__ == "__main__":
    import jax
    _d = setup_inputs()
    print(jax.jit(kernel)(*tuple(_d.values())))

</pallas_src>

<mosaic_0001>
#map = affine_map<(d0, d1) -> (0, 0)>
#map1 = affine_map<(d0, d1) -> (0)>
module attributes {stable_mosaic.version = 14 : i64} {
  func.func @k(%arg0: i32, %arg1: i32, %arg2: memref<128x32768xf32, #tpu.memory_space<hbm>>, %arg3: memref<512xf32, #tpu.memory_space<hbm>>, %arg4: memref<512xi32, #tpu.memory_space<hbm>>, %arg5: memref<32x32768xf32, #tpu.memory_space<hbm>>, %arg6: memref<32768xf32, #tpu.memory_space<vmem>>, %arg7: memref<32768xf32, #tpu.memory_space<vmem>>, %arg8: memref<512xf32, #tpu.memory_space<vmem>>, %arg9: memref<512xi32, #tpu.memory_space<vmem>>) attributes {dimension_semantics = [#tpu.dimension_semantics<core_parallel>, #tpu.dimension_semantics<subcore_parallel>], iteration_bounds = array<i64: 2, 16>, scalar_prefetch = 0 : i64, scratch_operands = 4 : i64, tpu.core_type = #tpu.core_type<sc_vector_subcore>, window_params = [{transform_indices = #map}, {transform_indices = #map1}, {transform_indices = #map1}, {transform_indices = #map}]} {
    %mul3A = arith.constant 2 : i32
    %mul3A_0 = arith.muli %arg1, %mul3A : i32
    %add3A = arith.addi %mul3A_0, %arg0 : i32
    "tpu.region"() ({
      %run_scoped3A = tpu.sem_alloc : memref<!tpu.dma_semaphore, #tpu.memory_space<semaphore_mem>>
      tpu.enqueue_dma source(%arg3 : memref<512xf32, #tpu.memory_space<hbm>>) target(%arg8 : memref<512xf32, #tpu.memory_space<vmem>>) target_semaphore(%run_scoped3A : memref<!tpu.dma_semaphore, #tpu.memory_space<semaphore_mem>>)
      tpu.wait_dma2 semaphore(%run_scoped3A : memref<!tpu.dma_semaphore, #tpu.memory_space<semaphore_mem>>) src(%arg3 : memref<512xf32, #tpu.memory_space<hbm>>) dst(%arg8 : memref<512xf32, #tpu.memory_space<vmem>>)
      tpu.yield
    }) : () -> ()
    "tpu.region"() ({
      %run_scoped3A = tpu.sem_alloc : memref<!tpu.dma_semaphore, #tpu.memory_space<semaphore_mem>>
      tpu.enqueue_dma source(%arg4 : memref<512xi32, #tpu.memory_space<hbm>>) target(%arg9 : memref<512xi32, #tpu.memory_space<vmem>>) target_semaphore(%run_scoped3A : memref<!tpu.dma_semaphore, #tpu.memory_space<semaphore_mem>>)
      tpu.wait_dma2 semaphore(%run_scoped3A : memref<!tpu.dma_semaphore, #tpu.memory_space<semaphore_mem>>) src(%arg4 : memref<512xi32, #tpu.memory_space<hbm>>) dst(%arg9 : memref<512xi32, #tpu.memory_space<vmem>>)
      tpu.yield
    }) : () -> ()
    %iota3A = tpu.iota {dimensions = array<i32: 0>} : vector<16xi32>
    %broadcast_in_dim3A = arith.constant 16 : i32
    %broadcast_in_dim3A_1 = vector.broadcast %broadcast_in_dim3A : i32 to vector<16xi32>
    %add3A_2 = arith.constant 96 : i32
    %add3A_3 = arith.addi %add3A_2, %add3A : i32
    "tpu.region"() ({
      %run_scoped3A = tpu.sem_alloc : memref<!tpu.dma_semaphore, #tpu.memory_space<semaphore_mem>>
      %dma_start3A = arith.constant 0 : i32
      %dma_start3A_18 = tpu.memref_slice %arg2[%add3A_3, %dma_start3A] : memref<128x32768xf32, #tpu.memory_space<hbm>> -> memref<1x32768xf32, #tpu.memory_space<hbm>>
      %dma_start3A_19 = tpu.memref_squeeze %dma_start3A_18 : memref<1x32768xf32, #tpu.memory_space<hbm>> -> memref<32768xf32, #tpu.memory_space<hbm>>
      %dma_start3A_20 = arith.constant 0 : i32
      %dma_start3A_21 = tpu.memref_slice %arg2[%add3A_3, %dma_start3A_20] : memref<128x32768xf32, #tpu.memory_space<hbm>> -> memref<1x32768xf32, #tpu.memory_space<hbm>>
      %dma_start3A_22 = tpu.memref_squeeze %dma_start3A_21 : memref<1x32768xf32, #tpu.memory_space<hbm>> -> memref<32768xf32, #tpu.memory_space<hbm>>
      tpu.enqueue_dma source(%dma_start3A_22 : memref<32768xf32, #tpu.memory_space<hbm>>) target(%arg6 : memref<32768xf32, #tpu.memory_space<vmem>>) target_semaphore(%run_scoped3A : memref<!tpu.dma_semaphore, #tpu.memory_space<semaphore_mem>>)
      %dma_wait3A = arith.constant 0 : i32
      %dma_wait3A_23 = tpu.memref_slice %arg2[%add3A_3, %dma_wait3A] : memref<128x32768xf32, #tpu.memory_space<hbm>> -> memref<1x32768xf32, #tpu.memory_space<hbm>>
      %dma_wait3A_24 = tpu.memref_squeeze %dma_wait3A_23 : memref<1x32768xf32, #tpu.memory_space<hbm>> -> memref<32768xf32, #tpu.memory_space<hbm>>
      %dma_wait3A_25 = arith.constant 0 : i32
      %dma_wait3A_26 = tpu.memref_slice %arg2[%add3A_3, %dma_wait3A_25] : memref<128x32768xf32, #tpu.memory_space<hbm>> -> memref<1x32768xf32, #tpu.memory_space<hbm>>
      %dma_wait3A_27 = tpu.memref_squeeze %dma_wait3A_26 : memref<1x32768xf32, #tpu.memory_space<hbm>> -> memref<32768xf32, #tpu.memory_space<hbm>>
      tpu.wait_dma2 semaphore(%run_scoped3A : memref<!tpu.dma_semaphore, #tpu.memory_space<semaphore_mem>>) src(%dma_wait3A_27 : memref<32768xf32, #tpu.memory_space<hbm>>) dst(%arg6 : memref<32768xf32, #tpu.memory_space<vmem>>)
      tpu.yield
    }) : () -> ()
    %mul3A_4 = arith.constant 16 : i32
    %mul3A_5 = arith.muli %add3A, %mul3A_4 : i32
    %get3A = arith.index_cast %mul3A_5 : i32 to index
    %get3A_6 = tpu.vector_load %arg8[%get3A] {strides = array<i32>} : memref<512xf32, #tpu.memory_space<vmem>>, vector<16xf32>,
    %get3A_7 = vector.shape_cast %get3A_6 : vector<16xf32> to vector<16xf32>
    %mul3A_8 = arith.constant 16 : i32
    %mul3A_9 = arith.muli %add3A, %mul3A_8 : i32
    %get3A_10 = arith.index_cast %mul3A_9 : i32 to index
    %get3A_11 = tpu.vector_load %arg9[%get3A_10] {strides = array<i32>} : memref<512xi32, #tpu.memory_space<vmem>>, vector<16xi32>,
    %get3A_12 = vector.shape_cast %get3A_11 : vector<16xi32> to vector<16xi32>
    %scan3A = arith.constant 0 : i32
    %scan3A_13 = arith.constant 2048 : i32
    %scan3A_14 = arith.addi %scan3A, %scan3A_13 : i32
    %scan3A_15 = arith.constant 1 : i32
    %scan3A_16 = scf.for %scan3A_18 = %scan3A to %scan3A_14 step %scan3A_15 iter_args(%scan3A_19 = %iota3A) -> (vector<16xi32>)  : i32 {
      %mul3A_20 = arith.constant 16 : i32
      %mul3A_21 = arith.muli %scan3A_18, %mul3A_20 : i32
      %get3A_22 = arith.index_cast %mul3A_21 : i32 to index
      %get3A_23 = tpu.vector_load %arg6[%get3A_22] {strides = array<i32>} : memref<32768xf32, #tpu.memory_space<vmem>>, vector<16xf32>,
      %get3A_24 = vector.shape_cast %get3A_23 : vector<16xf32> to vector<16xf32>
      %gt3A = arith.cmpf ogt, %get3A_24, %get3A_7 : vector<16xf32>
      %eq3A = arith.cmpf oeq, %get3A_24, %get3A_7 : vector<16xf32>
      %lt3A = arith.cmpi slt, %scan3A_19, %get3A_12 : vector<16xi32>
      %and3A = arith.andi %eq3A, %lt3A : vector<16xi1>
      %or3A = arith.ori %gt3A, %and3A : vector<16xi1>
      %jit3A = arith.constant 0.000000e+00 : f32
      %broadcast_in_dim3A_25 = vector.broadcast %jit3A : f32 to vector<16xf32>
      %select_n3A = arith.select %or3A, %get3A_24, %broadcast_in_dim3A_25 : vector<16xi1>, vector<16xf32>
      %mul3A_26 = arith.constant 16 : i32
      %mul3A_27 = arith.muli %scan3A_18, %mul3A_26 : i32
      %swap3A = arith.index_cast %mul3A_27 : i32 to index
      %swap3A_28 = tpu.vector_load %arg7[%swap3A] {strides = array<i32>} : memref<32768xf32, #tpu.memory_space<vmem>>, vector<16xf32>,
      %swap3A_29 = vector.shape_cast %swap3A_28 : vector<16xf32> to vector<16xf32>
      %swap3A_30 = vector.shape_cast %select_n3A : vector<16xf32> to vector<16xf32>
      tpu.vector_store %arg7[%swap3A], %swap3A_30 {strides = array<i32>} : memref<32768xf32, #tpu.memory_space<vmem>>, vector<16xf32>,
      %add3A_31 = arith.addi %scan3A_19, %broadcast_in_dim3A_1 : vector<16xi32>
      scf.yield %add3A_31 : vector<16xi32>
    }
    %scan3A_17 = arith.constant 2048 : i32
    "tpu.region"() ({
      %run_scoped3A = tpu.sem_alloc : memref<!tpu.dma_semaphore, #tpu.memory_space<semaphore_mem>>
      %dma_start3A = arith.constant 0 : i32
      %dma_start3A_18 = tpu.memref_slice %arg5[%add3A, %dma_start3A] : memref<32x32768xf32, #tpu.memory_space<hbm>> -> memref<1x32768xf32, #tpu.memory_space<hbm>>
      %dma_start3A_19 = tpu.memref_squeeze %dma_start3A_18 : memref<1x32768xf32, #tpu.memory_space<hbm>> -> memref<32768xf32, #tpu.memory_space<hbm>>
      %dma_start3A_20 = arith.constant 0 : i32
      %dma_start3A_21 = tpu.memref_slice %arg5[%add3A, %dma_start3A_20] : memref<32x32768xf32, #tpu.memory_space<hbm>> -> memref<1x32768xf32, #tpu.memory_space<hbm>>
      %dma_start3A_22 = tpu.memref_squeeze %dma_start3A_21 : memref<1x32768xf32, #tpu.memory_space<hbm>> -> memref<32768xf32, #tpu.memory_space<hbm>>
      tpu.enqueue_dma source(%arg7 : memref<32768xf32, #tpu.memory_space<vmem>>) target(%dma_start3A_22 : memref<32768xf32, #tpu.memory_space<hbm>>) target_semaphore(%run_scoped3A : memref<!tpu.dma_semaphore, #tpu.memory_space<semaphore_mem>>)
      %dma_wait3A = arith.constant 0 : i32
      %dma_wait3A_23 = tpu.memref_slice %arg5[%add3A, %dma_wait3A] : memref<32x32768xf32, #tpu.memory_space<hbm>> -> memref<1x32768xf32, #tpu.memory_space<hbm>>
      %dma_wait3A_24 = tpu.memref_squeeze %dma_wait3A_23 : memref<1x32768xf32, #tpu.memory_space<hbm>> -> memref<32768xf32, #tpu.memory_space<hbm>>
      %dma_wait3A_25 = arith.constant 0 : i32
      %dma_wait3A_26 = tpu.memref_slice %arg5[%add3A, %dma_wait3A_25] : memref<32x32768xf32, #tpu.memory_space<hbm>> -> memref<1x32768xf32, #tpu.memory_space<hbm>>
      %dma_wait3A_27 = tpu.memref_squeeze %dma_wait3A_26 : memref<1x32768xf32, #tpu.memory_space<hbm>> -> memref<32768xf32, #tpu.memory_space<hbm>>
      tpu.wait_dma2 semaphore(%run_scoped3A : memref<!tpu.dma_semaphore, #tpu.memory_space<semaphore_mem>>) src(%arg7 : memref<32768xf32, #tpu.memory_space<vmem>>) dst(%dma_wait3A_27 : memref<32768xf32, #tpu.memory_space<hbm>>)
      tpu.yield
    }) : () -> ()
    return
  }
}

#map = affine_map<(d0, d1) -> (0, 0)>
#map1 = affine_map<(d0, d1) -> (0)>
module attributes {stable_mosaic.version = 14 : i64} {
  func.func @k(%arg0: i32, %arg1: i32, %arg2: memref<128x32768xf32, #tpu.memory_space<hbm>>, %arg3: memref<512xf32, #tpu.memory_space<hbm>>, %arg4: memref<512xi32, #tpu.memory_space<hbm>>, %arg5: memref<32x32768xf32, #tpu.memory_space<hbm>>, %arg6: memref<32768xf32, #tpu.memory_space<vmem>>, %arg7: memref<32768xf32, #tpu.memory_space<vmem>>, %arg8: memref<512xf32, #tpu.memory_space<vmem>>, %arg9: memref<512xi32, #tpu.memory_space<vmem>>) attributes {dimension_semantics = [#tpu.dimension_semantics<core_parallel>, #tpu.dimension_semantics<subcore_parallel>], iteration_bounds = array<i64: 2, 16>, scalar_prefetch = 0 : i64, scratch_operands = 4 : i64, tpu.core_type = #tpu.core_type<sc_vector_subcore>, window_params = [{transform_indices = #map}, {transform_indices = #map1}, {transform_indices = #map1}, {transform_indices = #map}]} {
    %mul3A = arith.constant 2 : i32
    %mul3A_0 = arith.muli %arg1, %mul3A : i32
    %add3A = arith.addi %mul3A_0, %arg0 : i32
    "tpu.region"() ({
      %run_scoped3A = tpu.sem_alloc : memref<!tpu.dma_semaphore, #tpu.memory_space<semaphore_mem>>
      tpu.enqueue_dma source(%arg3 : memref<512xf32, #tpu.memory_space<hbm>>) target(%arg8 : memref<512xf32, #tpu.memory_space<vmem>>) target_semaphore(%run_scoped3A : memref<!tpu.dma_semaphore, #tpu.memory_space<semaphore_mem>>)
      tpu.wait_dma2 semaphore(%run_scoped3A : memref<!tpu.dma_semaphore, #tpu.memory_space<semaphore_mem>>) src(%arg3 : memref<512xf32, #tpu.memory_space<hbm>>) dst(%arg8 : memref<512xf32, #tpu.memory_space<vmem>>)
      tpu.yield
    }) : () -> ()
    "tpu.region"() ({
      %run_scoped3A = tpu.sem_alloc : memref<!tpu.dma_semaphore, #tpu.memory_space<semaphore_mem>>
      tpu.enqueue_dma source(%arg4 : memref<512xi32, #tpu.memory_space<hbm>>) target(%arg9 : memref<512xi32, #tpu.memory_space<vmem>>) target_semaphore(%run_scoped3A : memref<!tpu.dma_semaphore, #tpu.memory_space<semaphore_mem>>)
      tpu.wait_dma2 semaphore(%run_scoped3A : memref<!tpu.dma_semaphore, #tpu.memory_space<semaphore_mem>>) src(%arg4 : memref<512xi32, #tpu.memory_space<hbm>>) dst(%arg9 : memref<512xi32, #tpu.memory_space<vmem>>)
      tpu.yield
    }) : () -> ()
    %iota3A = tpu.iota {dimensions = array<i32: 0>} : vector<16xi32>
    %broadcast_in_dim3A = arith.constant 16 : i32
    %broadcast_in_dim3A_1 = vector.broadcast %broadcast_in_dim3A : i32 to vector<16xi32>
    %add3A_2 = arith.constant 0 : i32
    %add3A_3 = arith.addi %add3A_2, %add3A : i32
    "tpu.region"() ({
      %run_scoped3A = tpu.sem_alloc : memref<!tpu.dma_semaphore, #tpu.memory_space<semaphore_mem>>
      %dma_start3A = arith.constant 0 : i32
      %dma_start3A_18 = tpu.memref_slice %arg2[%add3A_3, %dma_start3A] : memref<128x32768xf32, #tpu.memory_space<hbm>> -> memref<1x32768xf32, #tpu.memory_space<hbm>>
      %dma_start3A_19 = tpu.memref_squeeze %dma_start3A_18 : memref<1x32768xf32, #tpu.memory_space<hbm>> -> memref<32768xf32, #tpu.memory_space<hbm>>
      %dma_start3A_20 = arith.constant 0 : i32
      %dma_start3A_21 = tpu.memref_slice %arg2[%add3A_3, %dma_start3A_20] : memref<128x32768xf32, #tpu.memory_space<hbm>> -> memref<1x32768xf32, #tpu.memory_space<hbm>>
      %dma_start3A_22 = tpu.memref_squeeze %dma_start3A_21 : memref<1x32768xf32, #tpu.memory_space<hbm>> -> memref<32768xf32, #tpu.memory_space<hbm>>
      tpu.enqueue_dma source(%dma_start3A_22 : memref<32768xf32, #tpu.memory_space<hbm>>) target(%arg6 : memref<32768xf32, #tpu.memory_space<vmem>>) target_semaphore(%run_scoped3A : memref<!tpu.dma_semaphore, #tpu.memory_space<semaphore_mem>>)
      %dma_wait3A = arith.constant 0 : i32
      %dma_wait3A_23 = tpu.memref_slice %arg2[%add3A_3, %dma_wait3A] : memref<128x32768xf32, #tpu.memory_space<hbm>> -> memref<1x32768xf32, #tpu.memory_space<hbm>>
      %dma_wait3A_24 = tpu.memref_squeeze %dma_wait3A_23 : memref<1x32768xf32, #tpu.memory_space<hbm>> -> memref<32768xf32, #tpu.memory_space<hbm>>
      %dma_wait3A_25 = arith.constant 0 : i32
      %dma_wait3A_26 = tpu.memref_slice %arg2[%add3A_3, %dma_wait3A_25] : memref<128x32768xf32, #tpu.memory_space<hbm>> -> memref<1x32768xf32, #tpu.memory_space<hbm>>
      %dma_wait3A_27 = tpu.memref_squeeze %dma_wait3A_26 : memref<1x32768xf32, #tpu.memory_space<hbm>> -> memref<32768xf32, #tpu.memory_space<hbm>>
      tpu.wait_dma2 semaphore(%run_scoped3A : memref<!tpu.dma_semaphore, #tpu.memory_space<semaphore_mem>>) src(%dma_wait3A_27 : memref<32768xf32, #tpu.memory_space<hbm>>) dst(%arg6 : memref<32768xf32, #tpu.memory_space<vmem>>)
      tpu.yield
    }) : () -> ()
    %mul3A_4 = arith.constant 16 : i32
    %mul3A_5 = arith.muli %add3A, %mul3A_4 : i32
    %get3A = arith.index_cast %mul3A_5 : i32 to index
    %get3A_6 = tpu.vector_load %arg8[%get3A] {strides = array<i32>} : memref<512xf32, #tpu.memory_space<vmem>>, vector<16xf32>,
    %get3A_7 = vector.shape_cast %get3A_6 : vector<16xf32> to vector<16xf32>
    %mul3A_8 = arith.constant 16 : i32
    %mul3A_9 = arith.muli %add3A, %mul3A_8 : i32
    %get3A_10 = arith.index_cast %mul3A_9 : i32 to index
    %get3A_11 = tpu.vector_load %arg9[%get3A_10] {strides = array<i32>} : memref<512xi32, #tpu.memory_space<vmem>>, vector<16xi32>,
    %get3A_12 = vector.shape_cast %get3A_11 : vector<16xi32> to vector<16xi32>
    %scan3A = arith.constant 0 : i32
    %scan3A_13 = arith.constant 2048 : i32
    %scan3A_14 = arith.addi %scan3A, %scan3A_13 : i32
    %scan3A_15 = arith.constant 1 : i32
    %scan3A_16 = scf.for %scan3A_18 = %scan3A to %scan3A_14 step %scan3A_15 iter_args(%scan3A_19 = %iota3A) -> (vector<16xi32>)  : i32 {
      %mul3A_20 = arith.constant 16 : i32
      %mul3A_21 = arith.muli %scan3A_18, %mul3A_20 : i32
      %get3A_22 = arith.index_cast %mul3A_21 : i32 to index
      %get3A_23 = tpu.vector_load %arg6[%get3A_22] {strides = array<i32>} : memref<32768xf32, #tpu.memory_space<vmem>>, vector<16xf32>,
      %get3A_24 = vector.shape_cast %get3A_23 : vector<16xf32> to vector<16xf32>
      %gt3A = arith.cmpf ogt, %get3A_24, %get3A_7 : vector<16xf32>
      %eq3A = arith.cmpf oeq, %get3A_24, %get3A_7 : vector<16xf32>
      %lt3A = arith.cmpi slt, %scan3A_19, %get3A_12 : vector<16xi32>
      %and3A = arith.andi %eq3A, %lt3A : vector<16xi1>
      %or3A = arith.ori %gt3A, %and3A : vector<16xi1>
      %jit3A = arith.constant 0.000000e+00 : f32
      %broadcast_in_dim3A_25 = vector.broadcast %jit3A : f32 to vector<16xf32>
      %select_n3A = arith.select %or3A, %get3A_24, %broadcast_in_dim3A_25 : vector<16xi1>, vector<16xf32>
      %mul3A_26 = arith.constant 16 : i32
      %mul3A_27 = arith.muli %scan3A_18, %mul3A_26 : i32
      %swap3A = arith.index_cast %mul3A_27 : i32 to index
      %swap3A_28 = tpu.vector_load %arg7[%swap3A] {strides = array<i32>} : memref<32768xf32, #tpu.memory_space<vmem>>, vector<16xf32>,
      %swap3A_29 = vector.shape_cast %swap3A_28 : vector<16xf32> to vector<16xf32>
      %swap3A_30 = vector.shape_cast %select_n3A : vector<16xf32> to vector<16xf32>
      tpu.vector_store %arg7[%swap3A], %swap3A_30 {strides = array<i32>} : memref<32768xf32, #tpu.memory_space<vmem>>, vector<16xf32>,
      %add3A_31 = arith.addi %scan3A_19, %broadcast_in_dim3A_1 : vector<16xi32>
      scf.yield %add3A_31 : vector<16xi32>
    }
    %scan3A_17 = arith.constant 2048 : i32
    "tpu.region"() ({
      %run_scoped3A = tpu.sem_alloc : memref<!tpu.dma_semaphore, #tpu.memory_space<semaphore_mem>>
      %dma_start3A = arith.constant 0 : i32
      %dma_start3A_18 = tpu.memref_slice %arg5[%add3A, %dma_start3A] : memref<32x32768xf32, #tpu.memory_space<hbm>> -> memref<1x32768xf32, #tpu.memory_space<hbm>>
      %dma_start3A_19 = tpu.memref_squeeze %dma_start3A_18 : memref<1x32768xf32, #tpu.memory_space<hbm>> -> memref<32768xf32, #tpu.memory_space<hbm>>
      %dma_start3A_20 = arith.constant 0 : i32
      %dma_start3A_21 = tpu.memref_slice %arg5[%add3A, %dma_start3A_20] : memref<32x32768xf32, #tpu.memory_space<hbm>> -> memref<1x32768xf32, #tpu.memory_space<hbm>>
      %dma_start3A_22 = tpu.memref_squeeze %dma_start3A_21 : memref<1x32768xf32, #tpu.memory_space<hbm>> -> memref<32768xf32, #tpu.memory_space<hbm>>
      tpu.enqueue_dma source(%arg7 : memref<32768xf32, #tpu.memory_space<vmem>>) target(%dma_start3A_22 : memref<32768xf32, #tpu.memory_space<hbm>>) target_semaphore(%run_scoped3A : memref<!tpu.dma_semaphore, #tpu.memory_space<semaphore_mem>>)
      %dma_wait3A = arith.constant 0 : i32
      %dma_wait3A_23 = tpu.memref_slice %arg5[%add3A, %dma_wait3A] : memref<32x32768xf32, #tpu.memory_space<hbm>> -> memref<1x32768xf32, #tpu.memory_space<hbm>>
      %dma_wait3A_24 = tpu.memref_squeeze %dma_wait3A_23 : memref<1x32768xf32, #tpu.memory_space<hbm>> -> memref<32768xf32, #tpu.memory_space<hbm>>
      %dma_wait3A_25 = arith.constant 0 : i32
      %dma_wait3A_26 = tpu.memref_slice %arg5[%add3A, %dma_wait3A_25] : memref<32x32768xf32, #tpu.memory_space<hbm>> -> memref<1x32768xf32, #tpu.memory_space<hbm>>
      %dma_wait3A_27 = tpu.memref_squeeze %dma_wait3A_26 : memref<1x32768xf32, #tpu.memory_space<hbm>> -> memref<32768xf32, #tpu.memory_space<hbm>>
      tpu.wait_dma2 semaphore(%run_scoped3A : memref<!tpu.dma_semaphore, #tpu.memory_space<semaphore_mem>>) src(%arg7 : memref<32768xf32, #tpu.memory_space<vmem>>) dst(%dma_wait3A_27 : memref<32768xf32, #tpu.memory_space<hbm>>)
      tpu.yield
    }) : () -> ()
    return
  }
}

#map = affine_map<(d0, d1) -> (0, 0)>
#map1 = affine_map<(d0, d1) -> (0)>
module attributes {stable_mosaic.version = 14 : i64} {
  func.func @k(%arg0: i32, %arg1: i32, %arg2: memref<128x32768xf32, #tpu.memory_space<hbm>>, %arg3: memref<512xf32, #tpu.memory_space<hbm>>, %arg4: memref<512xi32, #tpu.memory_space<hbm>>, %arg5: memref<32x32768xf32, #tpu.memory_space<hbm>>, %arg6: memref<32768xf32, #tpu.memory_space<vmem>>, %arg7: memref<32768xf32, #tpu.memory_space<vmem>>, %arg8: memref<512xf32, #tpu.memory_space<vmem>>, %arg9: memref<512xi32, #tpu.memory_space<vmem>>) attributes {dimension_semantics = [#tpu.dimension_semantics<core_parallel>, #tpu.dimension_semantics<subcore_parallel>], iteration_bounds = array<i64: 2, 16>, scalar_prefetch = 0 : i64, scratch_operands = 4 : i64, tpu.core_type = #tpu.core_type<sc_vector_subcore>, window_params = [{transform_indices = #map}, {transform_indices = #map1}, {transform_indices = #map1}, {transform_indices = #map}]} {
    %mul3A = arith.constant 2 : i32
    %mul3A_0 = arith.muli %arg1, %mul3A : i32
    %add3A = arith.addi %mul3A_0, %arg0 : i32
    "tpu.region"() ({
      %run_scoped3A = tpu.sem_alloc : memref<!tpu.dma_semaphore, #tpu.memory_space<semaphore_mem>>
      tpu.enqueue_dma source(%arg3 : memref<512xf32, #tpu.memory_space<hbm>>) target(%arg8 : memref<512xf32, #tpu.memory_space<vmem>>) target_semaphore(%run_scoped3A : memref<!tpu.dma_semaphore, #tpu.memory_space<semaphore_mem>>)
      tpu.wait_dma2 semaphore(%run_scoped3A : memref<!tpu.dma_semaphore, #tpu.memory_space<semaphore_mem>>) src(%arg3 : memref<512xf32, #tpu.memory_space<hbm>>) dst(%arg8 : memref<512xf32, #tpu.memory_space<vmem>>)
      tpu.yield
    }) : () -> ()
    "tpu.region"() ({
      %run_scoped3A = tpu.sem_alloc : memref<!tpu.dma_semaphore, #tpu.memory_space<semaphore_mem>>
      tpu.enqueue_dma source(%arg4 : memref<512xi32, #tpu.memory_space<hbm>>) target(%arg9 : memref<512xi32, #tpu.memory_space<vmem>>) target_semaphore(%run_scoped3A : memref<!tpu.dma_semaphore, #tpu.memory_space<semaphore_mem>>)
      tpu.wait_dma2 semaphore(%run_scoped3A : memref<!tpu.dma_semaphore, #tpu.memory_space<semaphore_mem>>) src(%arg4 : memref<512xi32, #tpu.memory_space<hbm>>) dst(%arg9 : memref<512xi32, #tpu.memory_space<vmem>>)
      tpu.yield
    }) : () -> ()
    %iota3A = tpu.iota {dimensions = array<i32: 0>} : vector<16xi32>
    %broadcast_in_dim3A = arith.constant 16 : i32
    %broadcast_in_dim3A_1 = vector.broadcast %broadcast_in_dim3A : i32 to vector<16xi32>
    %add3A_2 = arith.constant 32 : i32
    %add3A_3 = arith.addi %add3A_2, %add3A : i32
    "tpu.region"() ({
      %run_scoped3A = tpu.sem_alloc : memref<!tpu.dma_semaphore, #tpu.memory_space<semaphore_mem>>
      %dma_start3A = arith.constant 0 : i32
      %dma_start3A_18 = tpu.memref_slice %arg2[%add3A_3, %dma_start3A] : memref<128x32768xf32, #tpu.memory_space<hbm>> -> memref<1x32768xf32, #tpu.memory_space<hbm>>
      %dma_start3A_19 = tpu.memref_squeeze %dma_start3A_18 : memref<1x32768xf32, #tpu.memory_space<hbm>> -> memref<32768xf32, #tpu.memory_space<hbm>>
      %dma_start3A_20 = arith.constant 0 : i32
      %dma_start3A_21 = tpu.memref_slice %arg2[%add3A_3, %dma_start3A_20] : memref<128x32768xf32, #tpu.memory_space<hbm>> -> memref<1x32768xf32, #tpu.memory_space<hbm>>
      %dma_start3A_22 = tpu.memref_squeeze %dma_start3A_21 : memref<1x32768xf32, #tpu.memory_space<hbm>> -> memref<32768xf32, #tpu.memory_space<hbm>>
      tpu.enqueue_dma source(%dma_start3A_22 : memref<32768xf32, #tpu.memory_space<hbm>>) target(%arg6 : memref<32768xf32, #tpu.memory_space<vmem>>) target_semaphore(%run_scoped3A : memref<!tpu.dma_semaphore, #tpu.memory_space<semaphore_mem>>)
      %dma_wait3A = arith.constant 0 : i32
      %dma_wait3A_23 = tpu.memref_slice %arg2[%add3A_3, %dma_wait3A] : memref<128x32768xf32, #tpu.memory_space<hbm>> -> memref<1x32768xf32, #tpu.memory_space<hbm>>
      %dma_wait3A_24 = tpu.memref_squeeze %dma_wait3A_23 : memref<1x32768xf32, #tpu.memory_space<hbm>> -> memref<32768xf32, #tpu.memory_space<hbm>>
      %dma_wait3A_25 = arith.constant 0 : i32
      %dma_wait3A_26 = tpu.memref_slice %arg2[%add3A_3, %dma_wait3A_25] : memref<128x32768xf32, #tpu.memory_space<hbm>> -> memref<1x32768xf32, #tpu.memory_space<hbm>>
      %dma_wait3A_27 = tpu.memref_squeeze %dma_wait3A_26 : memref<1x32768xf32, #tpu.memory_space<hbm>> -> memref<32768xf32, #tpu.memory_space<hbm>>
      tpu.wait_dma2 semaphore(%run_scoped3A : memref<!tpu.dma_semaphore, #tpu.memory_space<semaphore_mem>>) src(%dma_wait3A_27 : memref<32768xf32, #tpu.memory_space<hbm>>) dst(%arg6 : memref<32768xf32, #tpu.memory_space<vmem>>)
      tpu.yield
    }) : () -> ()
    %mul3A_4 = arith.constant 16 : i32
    %mul3A_5 = arith.muli %add3A, %mul3A_4 : i32
    %get3A = arith.index_cast %mul3A_5 : i32 to index
    %get3A_6 = tpu.vector_load %arg8[%get3A] {strides = array<i32>} : memref<512xf32, #tpu.memory_space<vmem>>, vector<16xf32>,
    %get3A_7 = vector.shape_cast %get3A_6 : vector<16xf32> to vector<16xf32>
    %mul3A_8 = arith.constant 16 : i32
    %mul3A_9 = arith.muli %add3A, %mul3A_8 : i32
    %get3A_10 = arith.index_cast %mul3A_9 : i32 to index
    %get3A_11 = tpu.vector_load %arg9[%get3A_10] {strides = array<i32>} : memref<512xi32, #tpu.memory_space<vmem>>, vector<16xi32>,
    %get3A_12 = vector.shape_cast %get3A_11 : vector<16xi32> to vector<16xi32>
    %scan3A = arith.constant 0 : i32
    %scan3A_13 = arith.constant 2048 : i32
    %scan3A_14 = arith.addi %scan3A, %scan3A_13 : i32
    %scan3A_15 = arith.constant 1 : i32
    %scan3A_16 = scf.for %scan3A_18 = %scan3A to %scan3A_14 step %scan3A_15 iter_args(%scan3A_19 = %iota3A) -> (vector<16xi32>)  : i32 {
      %mul3A_20 = arith.constant 16 : i32
      %mul3A_21 = arith.muli %scan3A_18, %mul3A_20 : i32
      %get3A_22 = arith.index_cast %mul3A_21 : i32 to index
      %get3A_23 = tpu.vector_load %arg6[%get3A_22] {strides = array<i32>} : memref<32768xf32, #tpu.memory_space<vmem>>, vector<16xf32>,
      %get3A_24 = vector.shape_cast %get3A_23 : vector<16xf32> to vector<16xf32>
      %gt3A = arith.cmpf ogt, %get3A_24, %get3A_7 : vector<16xf32>
      %eq3A = arith.cmpf oeq, %get3A_24, %get3A_7 : vector<16xf32>
      %lt3A = arith.cmpi slt, %scan3A_19, %get3A_12 : vector<16xi32>
      %and3A = arith.andi %eq3A, %lt3A : vector<16xi1>
      %or3A = arith.ori %gt3A, %and3A : vector<16xi1>
      %jit3A = arith.constant 0.000000e+00 : f32
      %broadcast_in_dim3A_25 = vector.broadcast %jit3A : f32 to vector<16xf32>
      %select_n3A = arith.select %or3A, %get3A_24, %broadcast_in_dim3A_25 : vector<16xi1>, vector<16xf32>
      %mul3A_26 = arith.constant 16 : i32
      %mul3A_27 = arith.muli %scan3A_18, %mul3A_26 : i32
      %swap3A = arith.index_cast %mul3A_27 : i32 to index
      %swap3A_28 = tpu.vector_load %arg7[%swap3A] {strides = array<i32>} : memref<32768xf32, #tpu.memory_space<vmem>>, vector<16xf32>,
      %swap3A_29 = vector.shape_cast %swap3A_28 : vector<16xf32> to vector<16xf32>
      %swap3A_30 = vector.shape_cast %select_n3A : vector<16xf32> to vector<16xf32>
      tpu.vector_store %arg7[%swap3A], %swap3A_30 {strides = array<i32>} : memref<32768xf32, #tpu.memory_space<vmem>>, vector<16xf32>,
      %add3A_31 = arith.addi %scan3A_19, %broadcast_in_dim3A_1 : vector<16xi32>
      scf.yield %add3A_31 : vector<16xi32>
    }
    %scan3A_17 = arith.constant 2048 : i32
    "tpu.region"() ({
      %run_scoped3A = tpu.sem_alloc : memref<!tpu.dma_semaphore, #tpu.memory_space<semaphore_mem>>
      %dma_start3A = arith.constant 0 : i32
      %dma_start3A_18 = tpu.memref_slice %arg5[%add3A, %dma_start3A] : memref<32x32768xf32, #tpu.memory_space<hbm>> -> memref<1x32768xf32, #tpu.memory_space<hbm>>
      %dma_start3A_19 = tpu.memref_squeeze %dma_start3A_18 : memref<1x32768xf32, #tpu.memory_space<hbm>> -> memref<32768xf32, #tpu.memory_space<hbm>>
      %dma_start3A_20 = arith.constant 0 : i32
      %dma_start3A_21 = tpu.memref_slice %arg5[%add3A, %dma_start3A_20] : memref<32x32768xf32, #tpu.memory_space<hbm>> -> memref<1x32768xf32, #tpu.memory_space<hbm>>
      %dma_start3A_22 = tpu.memref_squeeze %dma_start3A_21 : memref<1x32768xf32, #tpu.memory_space<hbm>> -> memref<32768xf32, #tpu.memory_space<hbm>>
      tpu.enqueue_dma source(%arg7 : memref<32768xf32, #tpu.memory_space<vmem>>) target(%dma_start3A_22 : memref<32768xf32, #tpu.memory_space<hbm>>) target_semaphore(%run_scoped3A : memref<!tpu.dma_semaphore, #tpu.memory_space<semaphore_mem>>)
      %dma_wait3A = arith.constant 0 : i32
      %dma_wait3A_23 = tpu.memref_slice %arg5[%add3A, %dma_wait3A] : memref<32x32768xf32, #tpu.memory_space<hbm>> -> memref<1x32768xf32, #tpu.memory_space<hbm>>
      %dma_wait3A_24 = tpu.memref_squeeze %dma_wait3A_23 : memref<1x32768xf32, #tpu.memory_space<hbm>> -> memref<32768xf32, #tpu.memory_space<hbm>>
      %dma_wait3A_25 = arith.constant 0 : i32
      %dma_wait3A_26 = tpu.memref_slice %arg5[%add3A, %dma_wait3A_25] : memref<32x32768xf32, #tpu.memory_space<hbm>> -> memref<1x32768xf32, #tpu.memory_space<hbm>>
      %dma_wait3A_27 = tpu.memref_squeeze %dma_wait3A_26 : memref<1x32768xf32, #tpu.memory_space<hbm>> -> memref<32768xf32, #tpu.memory_space<hbm>>
      tpu.wait_dma2 semaphore(%run_scoped3A : memref<!tpu.dma_semaphore, #tpu.memory_space<semaphore_mem>>) src(%arg7 : memref<32768xf32, #tpu.memory_space<vmem>>) dst(%dma_wait3A_27 : memref<32768xf32, #tpu.memory_space<hbm>>)
      tpu.yield
    }) : () -> ()
    return
  }
}

#map = affine_map<(d0, d1) -> (0, 0)>
#map1 = affine_map<(d0, d1) -> (0)>
module attributes {stable_mosaic.version = 14 : i64} {
  func.func @k(%arg0: i32, %arg1: i32, %arg2: memref<128x32768xf32, #tpu.memory_space<hbm>>, %arg3: memref<512xf32, #tpu.memory_space<hbm>>, %arg4: memref<512xi32, #tpu.memory_space<hbm>>, %arg5: memref<32x32768xf32, #tpu.memory_space<hbm>>, %arg6: memref<32768xf32, #tpu.memory_space<vmem>>, %arg7: memref<32768xf32, #tpu.memory_space<vmem>>, %arg8: memref<512xf32, #tpu.memory_space<vmem>>, %arg9: memref<512xi32, #tpu.memory_space<vmem>>) attributes {dimension_semantics = [#tpu.dimension_semantics<core_parallel>, #tpu.dimension_semantics<subcore_parallel>], iteration_bounds = array<i64: 2, 16>, scalar_prefetch = 0 : i64, scratch_operands = 4 : i64, tpu.core_type = #tpu.core_type<sc_vector_subcore>, window_params = [{transform_indices = #map}, {transform_indices = #map1}, {transform_indices = #map1}, {transform_indices = #map}]} {
    %mul3A = arith.constant 2 : i32
    %mul3A_0 = arith.muli %arg1, %mul3A : i32
    %add3A = arith.addi %mul3A_0, %arg0 : i32
    "tpu.region"() ({
      %run_scoped3A = tpu.sem_alloc : memref<!tpu.dma_semaphore, #tpu.memory_space<semaphore_mem>>
      tpu.enqueue_dma source(%arg3 : memref<512xf32, #tpu.memory_space<hbm>>) target(%arg8 : memref<512xf32, #tpu.memory_space<vmem>>) target_semaphore(%run_scoped3A : memref<!tpu.dma_semaphore, #tpu.memory_space<semaphore_mem>>)
      tpu.wait_dma2 semaphore(%run_scoped3A : memref<!tpu.dma_semaphore, #tpu.memory_space<semaphore_mem>>) src(%arg3 : memref<512xf32, #tpu.memory_space<hbm>>) dst(%arg8 : memref<512xf32, #tpu.memory_space<vmem>>)
      tpu.yield
    }) : () -> ()
    "tpu.region"() ({
      %run_scoped3A = tpu.sem_alloc : memref<!tpu.dma_semaphore, #tpu.memory_space<semaphore_mem>>
      tpu.enqueue_dma source(%arg4 : memref<512xi32, #tpu.memory_space<hbm>>) target(%arg9 : memref<512xi32, #tpu.memory_space<vmem>>) target_semaphore(%run_scoped3A : memref<!tpu.dma_semaphore, #tpu.memory_space<semaphore_mem>>)
      tpu.wait_dma2 semaphore(%run_scoped3A : memref<!tpu.dma_semaphore, #tpu.memory_space<semaphore_mem>>) src(%arg4 : memref<512xi32, #tpu.memory_space<hbm>>) dst(%arg9 : memref<512xi32, #tpu.memory_space<vmem>>)
      tpu.yield
    }) : () -> ()
    %iota3A = tpu.iota {dimensions = array<i32: 0>} : vector<16xi32>
    %broadcast_in_dim3A = arith.constant 16 : i32
    %broadcast_in_dim3A_1 = vector.broadcast %broadcast_in_dim3A : i32 to vector<16xi32>
    %add3A_2 = arith.constant 64 : i32
    %add3A_3 = arith.addi %add3A_2, %add3A : i32
    "tpu.region"() ({
      %run_scoped3A = tpu.sem_alloc : memref<!tpu.dma_semaphore, #tpu.memory_space<semaphore_mem>>
      %dma_start3A = arith.constant 0 : i32
      %dma_start3A_18 = tpu.memref_slice %arg2[%add3A_3, %dma_start3A] : memref<128x32768xf32, #tpu.memory_space<hbm>> -> memref<1x32768xf32, #tpu.memory_space<hbm>>
      %dma_start3A_19 = tpu.memref_squeeze %dma_start3A_18 : memref<1x32768xf32, #tpu.memory_space<hbm>> -> memref<32768xf32, #tpu.memory_space<hbm>>
      %dma_start3A_20 = arith.constant 0 : i32
      %dma_start3A_21 = tpu.memref_slice %arg2[%add3A_3, %dma_start3A_20] : memref<128x32768xf32, #tpu.memory_space<hbm>> -> memref<1x32768xf32, #tpu.memory_space<hbm>>
      %dma_start3A_22 = tpu.memref_squeeze %dma_start3A_21 : memref<1x32768xf32, #tpu.memory_space<hbm>> -> memref<32768xf32, #tpu.memory_space<hbm>>
      tpu.enqueue_dma source(%dma_start3A_22 : memref<32768xf32, #tpu.memory_space<hbm>>) target(%arg6 : memref<32768xf32, #tpu.memory_space<vmem>>) target_semaphore(%run_scoped3A : memref<!tpu.dma_semaphore, #tpu.memory_space<semaphore_mem>>)
      %dma_wait3A = arith.constant 0 : i32
      %dma_wait3A_23 = tpu.memref_slice %arg2[%add3A_3, %dma_wait3A] : memref<128x32768xf32, #tpu.memory_space<hbm>> -> memref<1x32768xf32, #tpu.memory_space<hbm>>
      %dma_wait3A_24 = tpu.memref_squeeze %dma_wait3A_23 : memref<1x32768xf32, #tpu.memory_space<hbm>> -> memref<32768xf32, #tpu.memory_space<hbm>>
      %dma_wait3A_25 = arith.constant 0 : i32
      %dma_wait3A_26 = tpu.memref_slice %arg2[%add3A_3, %dma_wait3A_25] : memref<128x32768xf32, #tpu.memory_space<hbm>> -> memref<1x32768xf32, #tpu.memory_space<hbm>>
      %dma_wait3A_27 = tpu.memref_squeeze %dma_wait3A_26 : memref<1x32768xf32, #tpu.memory_space<hbm>> -> memref<32768xf32, #tpu.memory_space<hbm>>
      tpu.wait_dma2 semaphore(%run_scoped3A : memref<!tpu.dma_semaphore, #tpu.memory_space<semaphore_mem>>) src(%dma_wait3A_27 : memref<32768xf32, #tpu.memory_space<hbm>>) dst(%arg6 : memref<32768xf32, #tpu.memory_space<vmem>>)
      tpu.yield
    }) : () -> ()
    %mul3A_4 = arith.constant 16 : i32
    %mul3A_5 = arith.muli %add3A, %mul3A_4 : i32
    %get3A = arith.index_cast %mul3A_5 : i32 to index
    %get3A_6 = tpu.vector_load %arg8[%get3A] {strides = array<i32>} : memref<512xf32, #tpu.memory_space<vmem>>, vector<16xf32>,
    %get3A_7 = vector.shape_cast %get3A_6 : vector<16xf32> to vector<16xf32>
    %mul3A_8 = arith.constant 16 : i32
    %mul3A_9 = arith.muli %add3A, %mul3A_8 : i32
    %get3A_10 = arith.index_cast %mul3A_9 : i32 to index
    %get3A_11 = tpu.vector_load %arg9[%get3A_10] {strides = array<i32>} : memref<512xi32, #tpu.memory_space<vmem>>, vector<16xi32>,
    %get3A_12 = vector.shape_cast %get3A_11 : vector<16xi32> to vector<16xi32>
    %scan3A = arith.constant 0 : i32
    %scan3A_13 = arith.constant 2048 : i32
    %scan3A_14 = arith.addi %scan3A, %scan3A_13 : i32
    %scan3A_15 = arith.constant 1 : i32
    %scan3A_16 = scf.for %scan3A_18 = %scan3A to %scan3A_14 step %scan3A_15 iter_args(%scan3A_19 = %iota3A) -> (vector<16xi32>)  : i32 {
      %mul3A_20 = arith.constant 16 : i32
      %mul3A_21 = arith.muli %scan3A_18, %mul3A_20 : i32
      %get3A_22 = arith.index_cast %mul3A_21 : i32 to index
      %get3A_23 = tpu.vector_load %arg6[%get3A_22] {strides = array<i32>} : memref<32768xf32, #tpu.memory_space<vmem>>, vector<16xf32>,
      %get3A_24 = vector.shape_cast %get3A_23 : vector<16xf32> to vector<16xf32>
      %gt3A = arith.cmpf ogt, %get3A_24, %get3A_7 : vector<16xf32>
      %eq3A = arith.cmpf oeq, %get3A_24, %get3A_7 : vector<16xf32>
      %lt3A = arith.cmpi slt, %scan3A_19, %get3A_12 : vector<16xi32>
      %and3A = arith.andi %eq3A, %lt3A : vector<16xi1>
      %or3A = arith.ori %gt3A, %and3A : vector<16xi1>
      %jit3A = arith.constant 0.000000e+00 : f32
      %broadcast_in_dim3A_25 = vector.broadcast %jit3A : f32 to vector<16xf32>
      %select_n3A = arith.select %or3A, %get3A_24, %broadcast_in_dim3A_25 : vector<16xi1>, vector<16xf32>
      %mul3A_26 = arith.constant 16 : i32
      %mul3A_27 = arith.muli %scan3A_18, %mul3A_26 : i32
      %swap3A = arith.index_cast %mul3A_27 : i32 to index
      %swap3A_28 = tpu.vector_load %arg7[%swap3A] {strides = array<i32>} : memref<32768xf32, #tpu.memory_space<vmem>>, vector<16xf32>,
      %swap3A_29 = vector.shape_cast %swap3A_28 : vector<16xf32> to vector<16xf32>
      %swap3A_30 = vector.shape_cast %select_n3A : vector<16xf32> to vector<16xf32>
      tpu.vector_store %arg7[%swap3A], %swap3A_30 {strides = array<i32>} : memref<32768xf32, #tpu.memory_space<vmem>>, vector<16xf32>,
      %add3A_31 = arith.addi %scan3A_19, %broadcast_in_dim3A_1 : vector<16xi32>
      scf.yield %add3A_31 : vector<16xi32>
    }
    %scan3A_17 = arith.constant 2048 : i32
    "tpu.region"() ({
      %run_scoped3A = tpu.sem_alloc : memref<!tpu.dma_semaphore, #tpu.memory_space<semaphore_mem>>
      %dma_start3A = arith.constant 0 : i32
      %dma_start3A_18 = tpu.memref_slice %arg5[%add3A, %dma_start3A] : memref<32x32768xf32, #tpu.memory_space<hbm>> -> memref<1x32768xf32, #tpu.memory_space<hbm>>
      %dma_start3A_19 = tpu.memref_squeeze %dma_start3A_18 : memref<1x32768xf32, #tpu.memory_space<hbm>> -> memref<32768xf32, #tpu.memory_space<hbm>>
      %dma_start3A_20 = arith.constant 0 : i32
      %dma_start3A_21 = tpu.memref_slice %arg5[%add3A, %dma_start3A_20] : memref<32x32768xf32, #tpu.memory_space<hbm>> -> memref<1x32768xf32, #tpu.memory_space<hbm>>
      %dma_start3A_22 = tpu.memref_squeeze %dma_start3A_21 : memref<1x32768xf32, #tpu.memory_space<hbm>> -> memref<32768xf32, #tpu.memory_space<hbm>>
      tpu.enqueue_dma source(%arg7 : memref<32768xf32, #tpu.memory_space<vmem>>) target(%dma_start3A_22 : memref<32768xf32, #tpu.memory_space<hbm>>) target_semaphore(%run_scoped3A : memref<!tpu.dma_semaphore, #tpu.memory_space<semaphore_mem>>)
      %dma_wait3A = arith.constant 0 : i32
      %dma_wait3A_23 = tpu.memref_slice %arg5[%add3A, %dma_wait3A] : memref<32x32768xf32, #tpu.memory_space<hbm>> -> memref<1x32768xf32, #tpu.memory_space<hbm>>
      %dma_wait3A_24 = tpu.memref_squeeze %dma_wait3A_23 : memref<1x32768xf32, #tpu.memory_space<hbm>> -> memref<32768xf32, #tpu.memory_space<hbm>>
      %dma_wait3A_25 = arith.constant 0 : i32
      %dma_wait3A_26 = tpu.memref_slice %arg5[%add3A, %dma_wait3A_25] : memref<32x32768xf32, #tpu.memory_space<hbm>> -> memref<1x32768xf32, #tpu.memory_space<hbm>>
      %dma_wait3A_27 = tpu.memref_squeeze %dma_wait3A_26 : memref<1x32768xf32, #tpu.memory_space<hbm>> -> memref<32768xf32, #tpu.memory_space<hbm>>
      tpu.wait_dma2 semaphore(%run_scoped3A : memref<!tpu.dma_semaphore, #tpu.memory_space<semaphore_mem>>) src(%arg7 : memref<32768xf32, #tpu.memory_space<vmem>>) dst(%dma_wait3A_27 : memref<32768xf32, #tpu.memory_space<hbm>>)
      tpu.yield
    }) : () -> ()
    return
  }
}

module attributes {stable_mosaic.version = 14 : i64} {
  func.func @_search_body(%arg0: i32, %arg1: memref<32x32768xf32, #tpu.memory_space<vmem>>, %arg2: memref<32x1xf32, #tpu.memory_space<vmem>>, %arg3: memref<32x1xi32, #tpu.memory_space<vmem>>) attributes {dimension_semantics = [#tpu.dimension_semantics<arbitrary>], iteration_bounds = array<i64: 1>, scalar_prefetch = 0 : i64, scratch_operands = 0 : i64, tpu.core_type = #tpu.core_type<tc>, window_params = [{transform_indices = @transform_0, window_bounds = array<i64: 32, 32768>}, {pipeline_mode = #tpu.pipeline_mode<synchronous>, transform_indices = @transform_1, window_bounds = array<i64: 32, 1>}, {pipeline_mode = #tpu.pipeline_mode<synchronous>, transform_indices = @transform_2, window_bounds = array<i64: 32, 1>}]} {
    %get3A = arith.constant 0 : index
    %get3A_0 = arith.constant 0 : index
    %get3A_1 = vector.load %arg1[%get3A, %get3A_0] : memref<32x32768xf32, #tpu.memory_space<vmem>>, vector<32x32768xf32>
    %bitcast_convert_type3A = tpu.bitcast %get3A_1 : vector<32x32768xf32> -> vector<32x32768xi32>
    %shift_right_arithmetic3A = arith.constant 31 : i32
    %shift_right_arithmetic3A_2 = vector.broadcast %shift_right_arithmetic3A : i32 to vector<32x32768xi32>
    %shift_right_arithmetic3A_3 = arith.shrsi %bitcast_convert_type3A, %shift_right_arithmetic3A_2 : vector<32x32768xi32>
    %and3A = arith.constant 2147483647 : i32
    %and3A_4 = vector.broadcast %and3A : i32 to vector<32x32768xi32>
    %and3A_5 = arith.andi %shift_right_arithmetic3A_3, %and3A_4 : vector<32x32768xi32>
    %xor3A = arith.xori %bitcast_convert_type3A, %and3A_5 : vector<32x32768xi32>
    %broadcast_in_dim3A = arith.constant 1 : i32
    %broadcast_in_dim3A_6 = vector.broadcast %broadcast_in_dim3A : i32 to vector<32x1xi32>
    %ge3A = vector.broadcast %broadcast_in_dim3A_6 : vector<32x1xi32> to vector<32x32768xi32>
    %ge3A_7 = arith.cmpi sge, %xor3A, %ge3A : vector<32x32768xi32>
    %jit3A = arith.constant 1.000000e+00 : f32
    %jit3A_8 = arith.constant 0.000000e+00 : f32
    %broadcast_in_dim3A_9 = vector.broadcast %jit3A : f32 to vector<32x32768xf32>
    %broadcast_in_dim3A_10 = vector.broadcast %jit3A_8 : f32 to vector<32x32768xf32>
    %select_n3A = arith.select %ge3A_7, %broadcast_in_dim3A_9, %broadcast_in_dim3A_10 : vector<32x32768xi1>, vector<32x32768xf32>
    %reduce_sum3A = arith.constant dense<0.000000e+00> : vector<32xf32>
    %reduce_sum3A_11 = vector.multi_reduction <add>, %select_n3A, %reduce_sum3A [1] : vector<32x32768xf32> to vector<32xf32>
    %broadcast_in_dim3A_12 = vector.shape_cast %reduce_sum3A_11 : vector<32xf32> to vector<32x1xf32>
    %reshape3A = vector.shape_cast %xor3A : vector<32x32768xi32> to vector<32x256x128xi32>
    %reduce_max3A = arith.constant dense<-2147483648> : vector<32x128xi32>
    %reduce_max3A_13 = vector.multi_reduction <maxsi>, %reshape3A, %reduce_max3A [1] : vector<32x256x128xi32> to vector<32x128xi32>
    %reduce_max3A_14 = arith.constant dense<-2147483648> : vector<32xi32>
    %reduce_max3A_15 = vector.multi_reduction <maxsi>, %reduce_max3A_13, %reduce_max3A_14 [1] : vector<32x128xi32> to vector<32xi32>
    %broadcast_in_dim3A_16 = vector.shape_cast %reduce_max3A_15 : vector<32xi32> to vector<32x1xi32>
    %add3A = arith.constant 1 : i32
    %add3A_17 = vector.broadcast %add3A : i32 to vector<32x1xi32>
    %add3A_18 = arith.addi %broadcast_in_dim3A_16, %add3A_17 : vector<32x1xi32>
    %add3A_19 = arith.constant 1 : i32
    %add3A_20 = vector.broadcast %add3A_19 : i32 to vector<32x1xi32>
    %add3A_21 = arith.addi %broadcast_in_dim3A_6, %add3A_20 : vector<32x1xi32>
    %max3A = arith.maxsi %add3A_18, %add3A_21 : vector<32x1xi32>
    %scan3A = arith.constant 6.400000e+01 : f32
    %scan3A_22 = arith.constant 0 : i32
    %scan3A_23 = arith.constant 9 : i32
    %scan3A_24 = arith.addi %scan3A_22, %scan3A_23 : i32
    %scan3A_25 = arith.constant 1 : i32
    %scan3A_26:2 = scf.for %scan3A_69 = %scan3A_22 to %scan3A_24 step %scan3A_25 iter_args(%scan3A_70 = %broadcast_in_dim3A_6, %scan3A_71 = %max3A) -> (vector<32x1xi32>, vector<32x1xi32>)  : i32 {
      %sub3A = arith.subi %scan3A_71, %scan3A_70 : vector<32x1xi32>
      %jit3A_72 = arith.constant 4 : i32
      %div3A = vector.broadcast %jit3A_72 : i32 to vector<32x1xi32>
      %div3A_73 = arith.divsi %sub3A, %div3A : vector<32x1xi32>
      %sign3A = arith.constant 0 : i32
      %sign3A_74 = vector.broadcast %sign3A : i32 to vector<32x1xi32>
      %sign3A_75 = arith.cmpi sgt, %sub3A, %sign3A_74 : vector<32x1xi32>
      %sign3A_76 = arith.extui %sign3A_75 : vector<32x1xi1> to vector<32x1xi32>
      %sign3A_77 = arith.constant 0 : i32
      %sign3A_78 = vector.broadcast %sign3A_77 : i32 to vector<32x1xi32>
      %sign3A_79 = arith.cmpi slt, %sub3A, %sign3A_78 : vector<32x1xi32>
      %sign3A_80 = arith.extui %sign3A_79 : vector<32x1xi1> to vector<32x1xi32>
      %sign3A_81 = arith.subi %sign3A_76, %sign3A_80 : vector<32x1xi32>
      %sign3A_82 = arith.constant 0 : i32
      %sign3A_83 = arith.cmpi sgt, %jit3A_72, %sign3A_82 : i32
      %sign3A_84 = arith.extui %sign3A_83 : i1 to i32
      %sign3A_85 = arith.constant 0 : i32
      %sign3A_86 = arith.cmpi slt, %jit3A_72, %sign3A_85 : i32
      %sign3A_87 = arith.extui %sign3A_86 : i1 to i32
      %sign3A_88 = arith.subi %sign3A_84, %sign3A_87 : i32
      %ne3A = vector.broadcast %sign3A_88 : i32 to vector<32x1xi32>
      %ne3A_89 = arith.cmpi ne, %sign3A_81, %ne3A : vector<32x1xi32>
      %rem3A = vector.broadcast %jit3A_72 : i32 to vector<32x1xi32>
      %rem3A_90 = arith.remsi %sub3A, %rem3A : vector<32x1xi32>
      %ne3A_91 = arith.constant 0 : i32
      %ne3A_92 = vector.broadcast %ne3A_91 : i32 to vector<32x1xi32>
      %ne3A_93 = arith.cmpi ne, %rem3A_90, %ne3A_92 : vector<32x1xi32>
      %and3A_94 = arith.andi %ne3A_89, %ne3A_93 : vector<32x1xi1>
      %sub3A_95 = arith.constant 1 : i32
      %sub3A_96 = vector.broadcast %sub3A_95 : i32 to vector<32x1xi32>
      %sub3A_97 = arith.subi %div3A_73, %sub3A_96 : vector<32x1xi32>
      %select_n3A_98 = arith.select %and3A_94, %sub3A_97, %div3A_73 : vector<32x1xi1>, vector<32x1xi32>
      %add3A_99 = arith.addi %scan3A_70, %select_n3A_98 : vector<32x1xi32>
      %mul3A = arith.constant 2 : i32
      %mul3A_100 = vector.broadcast %mul3A : i32 to vector<32x1xi32>
      %mul3A_101 = arith.muli %mul3A_100, %select_n3A_98 : vector<32x1xi32>
      %add3A_102 = arith.addi %scan3A_70, %mul3A_101 : vector<32x1xi32>
      %add3A_103 = arith.constant 1 : i32
      %add3A_104 = vector.broadcast %add3A_103 : i32 to vector<32x1xi32>
      %add3A_105 = arith.addi %scan3A_70, %add3A_104 : vector<32x1xi32>
      %max3A_106 = arith.maxsi %add3A_102, %add3A_105 : vector<32x1xi32>
      %mul3A_107 = arith.constant 3 : i32
      %mul3A_108 = vector.broadcast %mul3A_107 : i32 to vector<32x1xi32>
      %mul3A_109 = arith.muli %mul3A_108, %select_n3A_98 : vector<32x1xi32>
      %add3A_110 = arith.addi %scan3A_70, %mul3A_109 : vector<32x1xi32>
      %max3A_111 = arith.maxsi %add3A_110, %max3A_106 : vector<32x1xi32>
      %ge3A_112 = vector.broadcast %add3A_99 : vector<32x1xi32> to vector<32x128xi32>
      %ge3A_113 = arith.cmpi sge, %reduce_max3A_13, %ge3A_112 : vector<32x128xi32>
      %jit3A_114 = arith.constant 1.000000e+00 : f32
      %jit3A_115 = arith.constant 0.000000e+00 : f32
      %broadcast_in_dim3A_116 = vector.broadcast %jit3A_114 : f32 to vector<32x128xf32>
      %broadcast_in_dim3A_117 = vector.broadcast %jit3A_115 : f32 to vector<32x128xf32>
      %select_n3A_118 = arith.select %ge3A_113, %broadcast_in_dim3A_116, %broadcast_in_dim3A_117 : vector<32x128xi1>, vector<32x128xf32>
      %reduce_sum3A_119 = arith.constant dense<0.000000e+00> : vector<32xf32>
      %reduce_sum3A_120 = vector.multi_reduction <add>, %select_n3A_118, %reduce_sum3A_119 [1] : vector<32x128xf32> to vector<32xf32>
      %broadcast_in_dim3A_121 = vector.shape_cast %reduce_sum3A_120 : vector<32xf32> to vector<32x1xf32>
      %ge3A_122 = vector.broadcast %max3A_106 : vector<32x1xi32> to vector<32x128xi32>
      %ge3A_123 = arith.cmpi sge, %reduce_max3A_13, %ge3A_122 : vector<32x128xi32>
      %jit3A_124 = arith.constant 1.000000e+00 : f32
      %jit3A_125 = arith.constant 0.000000e+00 : f32
      %broadcast_in_dim3A_126 = vector.broadcast %jit3A_124 : f32 to vector<32x128xf32>
      %broadcast_in_dim3A_127 = vector.broadcast %jit3A_125 : f32 to vector<32x128xf32>
      %select_n3A_128 = arith.select %ge3A_123, %broadcast_in_dim3A_126, %broadcast_in_dim3A_127 : vector<32x128xi1>, vector<32x128xf32>
      %reduce_sum3A_129 = arith.constant dense<0.000000e+00> : vector<32xf32>
      %reduce_sum3A_130 = vector.multi_reduction <add>, %select_n3A_128, %reduce_sum3A_129 [1] : vector<32x128xf32> to vector<32xf32>
      %broadcast_in_dim3A_131 = vector.shape_cast %reduce_sum3A_130 : vector<32xf32> to vector<32x1xf32>
      %ge3A_132 = vector.broadcast %max3A_111 : vector<32x1xi32> to vector<32x128xi32>
      %ge3A_133 = arith.cmpi sge, %reduce_max3A_13, %ge3A_132 : vector<32x128xi32>
      %jit3A_134 = arith.constant 1.000000e+00 : f32
      %jit3A_135 = arith.constant 0.000000e+00 : f32
      %broadcast_in_dim3A_136 = vector.broadcast %jit3A_134 : f32 to vector<32x128xf32>
      %broadcast_in_dim3A_137 = vector.broadcast %jit3A_135 : f32 to vector<32x128xf32>
      %select_n3A_138 = arith.select %ge3A_133, %broadcast_in_dim3A_136, %broadcast_in_dim3A_137 : vector<32x128xi1>, vector<32x128xf32>
      %reduce_sum3A_139 = arith.constant dense<0.000000e+00> : vector<32xf32>
      %reduce_sum3A_140 = vector.multi_reduction <add>, %select_n3A_138, %reduce_sum3A_139 [1] : vector<32x128xf32> to vector<32xf32>
      %broadcast_in_dim3A_141 = vector.shape_cast %reduce_sum3A_140 : vector<32xf32> to vector<32x1xf32>
      %ge3A_142 = vector.broadcast %scan3A : f32 to vector<32x1xf32>
      %ge3A_143 = arith.cmpf oge, %broadcast_in_dim3A_121, %ge3A_142 : vector<32x1xf32>
      %select_n3A_144 = arith.select %ge3A_143, %add3A_99, %scan3A_70 : vector<32x1xi1>, vector<32x1xi32>
      %ge3A_145 = vector.broadcast %scan3A : f32 to vector<32x1xf32>
      %ge3A_146 = arith.cmpf oge, %broadcast_in_dim3A_131, %ge3A_145 : vector<32x1xf32>
      %select_n3A_147 = arith.select %ge3A_146, %max3A_106, %select_n3A_144 : vector<32x1xi1>, vector<32x1xi32>
      %ge3A_148 = vector.broadcast %scan3A : f32 to vector<32x1xf32>
      %ge3A_149 = arith.cmpf oge, %broadcast_in_dim3A_141, %ge3A_148 : vector<32x1xf32>
      %select_n3A_150 = arith.select %ge3A_149, %max3A_111, %select_n3A_147 : vector<32x1xi1>, vector<32x1xi32>
      %lt3A = vector.broadcast %scan3A : f32 to vector<32x1xf32>
      %lt3A_151 = arith.cmpf olt, %broadcast_in_dim3A_141, %lt3A : vector<32x1xf32>
      %select_n3A_152 = arith.select %lt3A_151, %max3A_111, %scan3A_71 : vector<32x1xi1>, vector<32x1xi32>
      %lt3A_153 = vector.broadcast %scan3A : f32 to vector<32x1xf32>
      %lt3A_154 = arith.cmpf olt, %broadcast_in_dim3A_131, %lt3A_153 : vector<32x1xf32>
      %select_n3A_155 = arith.select %lt3A_154, %max3A_106, %select_n3A_152 : vector<32x1xi1>, vector<32x1xi32>
      %lt3A_156 = vector.broadcast %scan3A : f32 to vector<32x1xf32>
      %lt3A_157 = arith.cmpf olt, %broadcast_in_dim3A_121, %lt3A_156 : vector<32x1xf32>
      %select_n3A_158 = arith.select %lt3A_157, %add3A_99, %select_n3A_155 : vector<32x1xi1>, vector<32x1xi32>
      scf.yield %select_n3A_150, %select_n3A_158 : vector<32x1xi32>, vector<32x1xi32>
    }
    %le3A = arith.constant 6.400000e+01 : f32
    %le3A_27 = vector.broadcast %le3A : f32 to vector<32x1xf32>
    %le3A_28 = arith.cmpf ole, %broadcast_in_dim3A_12, %le3A_27 : vector<32x1xf32>
    %jit3A_29 = arith.constant 1 : i32
    %jit3A_30 = arith.constant 0 : i32
    %broadcast_in_dim3A_31 = vector.broadcast %jit3A_29 : i32 to vector<32x1xi32>
    %broadcast_in_dim3A_32 = vector.broadcast %jit3A_30 : i32 to vector<32x1xi32>
    %select_n3A_33 = arith.select %le3A_28, %broadcast_in_dim3A_31, %broadcast_in_dim3A_32 : vector<32x1xi1>, vector<32x1xi32>
    %max3A_34 = arith.maxsi %scan3A_26#0, %broadcast_in_dim3A_6 : vector<32x1xi32>
    %while3A = arith.constant 6.400000e+01 : f32
    %while3A_35:3 = scf.while (%while3A_69 = %max3A_34, %while3A_70 = %max3A, %while3A_71 = %select_n3A_33) : (vector<32x1xi32>, vector<32x1xi32>, vector<32x1xi32>) -> (vector<32x1xi32>, vector<32x1xi32>, vector<32x1xi32>) {
      %reduce_min3A = vector.shape_cast %while3A_71 : vector<32x1xi32> to vector<1x32x1xi32>
      %reduce_min3A_72 = arith.constant dense<2147483647> : vector<1xi32>
      %reduce_min3A_73 = vector.multi_reduction <minsi>, %reduce_min3A, %reduce_min3A_72 [1, 2] : vector<1x32x1xi32> to vector<1xi32>
      %reduce_min3A_74 = vector.shape_cast %reduce_min3A_73 : vector<1xi32> to vector<1x1x1xi32>
      %reduce_min3A_75 = vector.extract %reduce_min3A_74[0, 0, 0] : i32 from vector<1x1x1xi32>
      %lt3A = arith.constant 1 : i32
      %lt3A_76 = arith.cmpi slt, %reduce_min3A_75, %lt3A : i32
      scf.condition(%lt3A_76) %while3A_69, %while3A_70, %while3A_71 : vector<32x1xi32>, vector<32x1xi32>, vector<32x1xi32>
    } do {
    ^bb0(%while3A_69: vector<32x1xi32>, %while3A_70: vector<32x1xi32>, %while3A_71: vector<32x1xi32>):
      %sub3A = arith.subi %while3A_70, %while3A_69 : vector<32x1xi32>
      %jit3A_72 = arith.constant 4 : i32
      %div3A = vector.broadcast %jit3A_72 : i32 to vector<32x1xi32>
      %div3A_73 = arith.divsi %sub3A, %div3A : vector<32x1xi32>
      %sign3A = arith.constant 0 : i32
      %sign3A_74 = vector.broadcast %sign3A : i32 to vector<32x1xi32>
      %sign3A_75 = arith.cmpi sgt, %sub3A, %sign3A_74 : vector<32x1xi32>
      %sign3A_76 = arith.extui %sign3A_75 : vector<32x1xi1> to vector<32x1xi32>
      %sign3A_77 = arith.constant 0 : i32
      %sign3A_78 = vector.broadcast %sign3A_77 : i32 to vector<32x1xi32>
      %sign3A_79 = arith.cmpi slt, %sub3A, %sign3A_78 : vector<32x1xi32>
      %sign3A_80 = arith.extui %sign3A_79 : vector<32x1xi1> to vector<32x1xi32>
      %sign3A_81 = arith.subi %sign3A_76, %sign3A_80 : vector<32x1xi32>
      %sign3A_82 = arith.constant 0 : i32
      %sign3A_83 = arith.cmpi sgt, %jit3A_72, %sign3A_82 : i32
      %sign3A_84 = arith.extui %sign3A_83 : i1 to i32
      %sign3A_85 = arith.constant 0 : i32
      %sign3A_86 = arith.cmpi slt, %jit3A_72, %sign3A_85 : i32
      %sign3A_87 = arith.extui %sign3A_86 : i1 to i32
      %sign3A_88 = arith.subi %sign3A_84, %sign3A_87 : i32
      %ne3A = vector.broadcast %sign3A_88 : i32 to vector<32x1xi32>
      %ne3A_89 = arith.cmpi ne, %sign3A_81, %ne3A : vector<32x1xi32>
      %rem3A = vector.broadcast %jit3A_72 : i32 to vector<32x1xi32>
      %rem3A_90 = arith.remsi %sub3A, %rem3A : vector<32x1xi32>
      %ne3A_91 = arith.constant 0 : i32
      %ne3A_92 = vector.broadcast %ne3A_91 : i32 to vector<32x1xi32>
      %ne3A_93 = arith.cmpi ne, %rem3A_90, %ne3A_92 : vector<32x1xi32>
      %and3A_94 = arith.andi %ne3A_89, %ne3A_93 : vector<32x1xi1>
      %sub3A_95 = arith.constant 1 : i32
      %sub3A_96 = vector.broadcast %sub3A_95 : i32 to vector<32x1xi32>
      %sub3A_97 = arith.subi %div3A_73, %sub3A_96 : vector<32x1xi32>
      %select_n3A_98 = arith.select %and3A_94, %sub3A_97, %div3A_73 : vector<32x1xi1>, vector<32x1xi32>
      %add3A_99 = arith.addi %while3A_69, %select_n3A_98 : vector<32x1xi32>
      %mul3A = arith.constant 2 : i32
      %mul3A_100 = vector.broadcast %mul3A : i32 to vector<32x1xi32>
      %mul3A_101 = arith.muli %mul3A_100, %select_n3A_98 : vector<32x1xi32>
      %add3A_102 = arith.addi %while3A_69, %mul3A_101 : vector<32x1xi32>
      %add3A_103 = arith.constant 1 : i32
      %add3A_104 = vector.broadcast %add3A_103 : i32 to vector<32x1xi32>
      %add3A_105 = arith.addi %while3A_69, %add3A_104 : vector<32x1xi32>
      %max3A_106 = arith.maxsi %add3A_102, %add3A_105 : vector<32x1xi32>
      %mul3A_107 = arith.constant 3 : i32
      %mul3A_108 = vector.broadcast %mul3A_107 : i32 to vector<32x1xi32>
      %mul3A_109 = arith.muli %mul3A_108, %select_n3A_98 : vector<32x1xi32>
      %add3A_110 = arith.addi %while3A_69, %mul3A_109 : vector<32x1xi32>
      %max3A_111 = arith.maxsi %add3A_110, %max3A_106 : vector<32x1xi32>
      %ge3A_112 = vector.broadcast %add3A_99 : vector<32x1xi32> to vector<32x32768xi32>
      %ge3A_113 = arith.cmpi sge, %xor3A, %ge3A_112 : vector<32x32768xi32>
      %jit3A_114 = arith.constant 1.000000e+00 : f32
      %jit3A_115 = arith.constant 0.000000e+00 : f32
      %broadcast_in_dim3A_116 = vector.broadcast %jit3A_114 : f32 to vector<32x32768xf32>
      %broadcast_in_dim3A_117 = vector.broadcast %jit3A_115 : f32 to vector<32x32768xf32>
      %select_n3A_118 = arith.select %ge3A_113, %broadcast_in_dim3A_116, %broadcast_in_dim3A_117 : vector<32x32768xi1>, vector<32x32768xf32>
      %reduce_sum3A_119 = arith.constant dense<0.000000e+00> : vector<32xf32>
      %reduce_sum3A_120 = vector.multi_reduction <add>, %select_n3A_118, %reduce_sum3A_119 [1] : vector<32x32768xf32> to vector<32xf32>
      %broadcast_in_dim3A_121 = vector.shape_cast %reduce_sum3A_120 : vector<32xf32> to vector<32x1xf32>
      %ge3A_122 = vector.broadcast %max3A_106 : vector<32x1xi32> to vector<32x32768xi32>
      %ge3A_123 = arith.cmpi sge, %xor3A, %ge3A_122 : vector<32x32768xi32>
      %jit3A_124 = arith.constant 1.000000e+00 : f32
      %jit3A_125 = arith.constant 0.000000e+00 : f32
      %broadcast_in_dim3A_126 = vector.broadcast %jit3A_124 : f32 to vector<32x32768xf32>
      %broadcast_in_dim3A_127 = vector.broadcast %jit3A_125 : f32 to vector<32x32768xf32>
      %select_n3A_128 = arith.select %ge3A_123, %broadcast_in_dim3A_126, %broadcast_in_dim3A_127 : vector<32x32768xi1>, vector<32x32768xf32>
      %reduce_sum3A_129 = arith.constant dense<0.000000e+00> : vector<32xf32>
      %reduce_sum3A_130 = vector.multi_reduction <add>, %select_n3A_128, %reduce_sum3A_129 [1] : vector<32x32768xf32> to vector<32xf32>
      %broadcast_in_dim3A_131 = vector.shape_cast %reduce_sum3A_130 : vector<32xf32> to vector<32x1xf32>
      %ge3A_132 = vector.broadcast %max3A_111 : vector<32x1xi32> to vector<32x32768xi32>
      %ge3A_133 = arith.cmpi sge, %xor3A, %ge3A_132 : vector<32x32768xi32>
      %jit3A_134 = arith.constant 1.000000e+00 : f32
      %jit3A_135 = arith.constant 0.000000e+00 : f32
      %broadcast_in_dim3A_136 = vector.broadcast %jit3A_134 : f32 to vector<32x32768xf32>
      %broadcast_in_dim3A_137 = vector.broadcast %jit3A_135 : f32 to vector<32x32768xf32>
      %select_n3A_138 = arith.select %ge3A_133, %broadcast_in_dim3A_136, %broadcast_in_dim3A_137 : vector<32x32768xi1>, vector<32x32768xf32>
      %reduce_sum3A_139 = arith.constant dense<0.000000e+00> : vector<32xf32>
      %reduce_sum3A_140 = vector.multi_reduction <add>, %select_n3A_138, %reduce_sum3A_139 [1] : vector<32x32768xf32> to vector<32xf32>
      %broadcast_in_dim3A_141 = vector.shape_cast %reduce_sum3A_140 : vector<32xf32> to vector<32x1xf32>
      %lt3A = arith.constant 1 : i32
      %lt3A_142 = vector.broadcast %lt3A : i32 to vector<32x1xi32>
      %lt3A_143 = arith.cmpi slt, %while3A_71, %lt3A_142 : vector<32x1xi32>
      %ge3A_144 = vector.broadcast %while3A : f32 to vector<32x1xf32>
      %ge3A_145 = arith.cmpf oge, %broadcast_in_dim3A_121, %ge3A_144 : vector<32x1xf32>
      %and3A_146 = arith.andi %lt3A_143, %ge3A_145 : vector<32x1xi1>
      %select_n3A_147 = arith.select %and3A_146, %add3A_99, %while3A_69 : vector<32x1xi1>, vector<32x1xi32>
      %ge3A_148 = vector.broadcast %while3A : f32 to vector<32x1xf32>
      %ge3A_149 = arith.cmpf oge, %broadcast_in_dim3A_131, %ge3A_148 : vector<32x1xf32>
      %and3A_150 = arith.andi %lt3A_143, %ge3A_149 : vector<32x1xi1>
      %select_n3A_151 = arith.select %and3A_150, %max3A_106, %select_n3A_147 : vector<32x1xi1>, vector<32x1xi32>
      %ge3A_152 = vector.broadcast %while3A : f32 to vector<32x1xf32>
      %ge3A_153 = arith.cmpf oge, %broadcast_in_dim3A_141, %ge3A_152 : vector<32x1xf32>
      %and3A_154 = arith.andi %lt3A_143, %ge3A_153 : vector<32x1xi1>
      %select_n3A_155 = arith.select %and3A_154, %max3A_111, %select_n3A_151 : vector<32x1xi1>, vector<32x1xi32>
      %lt3A_156 = vector.broadcast %while3A : f32 to vector<32x1xf32>
      %lt3A_157 = arith.cmpf olt, %broadcast_in_dim3A_141, %lt3A_156 : vector<32x1xf32>
      %and3A_158 = arith.andi %lt3A_143, %lt3A_157 : vector<32x1xi1>
      %select_n3A_159 = arith.select %and3A_158, %max3A_111, %while3A_70 : vector<32x1xi1>, vector<32x1xi32>
      %lt3A_160 = vector.broadcast %while3A : f32 to vector<32x1xf32>
      %lt3A_161 = arith.cmpf olt, %broadcast_in_dim3A_131, %lt3A_160 : vector<32x1xf32>
      %and3A_162 = arith.andi %lt3A_143, %lt3A_161 : vector<32x1xi1>
      %select_n3A_163 = arith.select %and3A_162, %max3A_106, %select_n3A_159 : vector<32x1xi1>, vector<32x1xi32>
      %lt3A_164 = vector.broadcast %while3A : f32 to vector<32x1xf32>
      %lt3A_165 = arith.cmpf olt, %broadcast_in_dim3A_121, %lt3A_164 : vector<32x1xf32>
      %and3A_166 = arith.andi %lt3A_143, %lt3A_165 : vector<32x1xi1>
      %select_n3A_167 = arith.select %and3A_166, %add3A_99, %select_n3A_163 : vector<32x1xi1>, vector<32x1xi32>
      %eq3A = vector.broadcast %while3A : f32 to vector<32x1xf32>
      %eq3A_168 = arith.cmpf oeq, %broadcast_in_dim3A_121, %eq3A : vector<32x1xf32>
      %and3A_169 = arith.andi %lt3A_143, %eq3A_168 : vector<32x1xi1>
      %select_n3A_170 = arith.select %and3A_169, %add3A_99, %select_n3A_155 : vector<32x1xi1>, vector<32x1xi32>
      %eq3A_171 = vector.broadcast %while3A : f32 to vector<32x1xf32>
      %eq3A_172 = arith.cmpf oeq, %broadcast_in_dim3A_131, %eq3A_171 : vector<32x1xf32>
      %and3A_173 = arith.andi %lt3A_143, %eq3A_172 : vector<32x1xi1>
      %select_n3A_174 = arith.select %and3A_173, %max3A_106, %select_n3A_170 : vector<32x1xi1>, vector<32x1xi32>
      %eq3A_175 = vector.broadcast %while3A : f32 to vector<32x1xf32>
      %eq3A_176 = arith.cmpf oeq, %broadcast_in_dim3A_141, %eq3A_175 : vector<32x1xf32>
      %and3A_177 = arith.andi %lt3A_143, %eq3A_176 : vector<32x1xi1>
      %select_n3A_178 = arith.select %and3A_177, %max3A_111, %select_n3A_174 : vector<32x1xi1>, vector<32x1xi32>
      %eq3A_179 = vector.broadcast %while3A : f32 to vector<32x1xf32>
      %eq3A_180 = arith.cmpf oeq, %broadcast_in_dim3A_121, %eq3A_179 : vector<32x1xf32>
      %eq3A_181 = vector.broadcast %while3A : f32 to vector<32x1xf32>
      %eq3A_182 = arith.cmpf oeq, %broadcast_in_dim3A_131, %eq3A_181 : vector<32x1xf32>
      %or3A = arith.ori %eq3A_180, %eq3A_182 : vector<32x1xi1>
      %eq3A_183 = vector.broadcast %while3A : f32 to vector<32x1xf32>
      %eq3A_184 = arith.cmpf oeq, %broadcast_in_dim3A_141, %eq3A_183 : vector<32x1xf32>
      %or3A_185 = arith.ori %or3A, %eq3A_184 : vector<32x1xi1>
      %sub3A_186 = arith.subi %select_n3A_167, %select_n3A_178 : vector<32x1xi32>
      %le3A_187 = arith.constant 1 : i32
      %le3A_188 = vector.broadcast %le3A_187 : i32 to vector<32x1xi32>
      %le3A_189 = arith.cmpi sle, %sub3A_186, %le3A_188 : vector<32x1xi32>
      %or3A_190 = arith.ori %or3A_185, %le3A_189 : vector<32x1xi1>
      %jit3A_191 = arith.constant 1 : i32
      %jit3A_192 = arith.constant 0 : i32
      %broadcast_in_dim3A_193 = vector.broadcast %jit3A_191 : i32 to vector<32x1xi32>
      %broadcast_in_dim3A_194 = vector.broadcast %jit3A_192 : i32 to vector<32x1xi32>
      %select_n3A_195 = arith.select %or3A_190, %broadcast_in_dim3A_193, %broadcast_in_dim3A_194 : vector<32x1xi1>, vector<32x1xi32>
      %max3A_196 = arith.maxsi %while3A_71, %select_n3A_195 : vector<32x1xi32>
      scf.yield %select_n3A_178, %select_n3A_167, %max3A_196 : vector<32x1xi32>, vector<32x1xi32>, vector<32x1xi32>
    }
    %ge3A_36 = vector.broadcast %while3A_35#0 : vector<32x1xi32> to vector<32x32768xi32>
    %ge3A_37 = arith.cmpi sge, %xor3A, %ge3A_36 : vector<32x32768xi32>
    %jit3A_38 = arith.constant 1.000000e+00 : f32
    %jit3A_39 = arith.constant 0.000000e+00 : f32
    %broadcast_in_dim3A_40 = vector.broadcast %jit3A_38 : f32 to vector<32x32768xf32>
    %broadcast_in_dim3A_41 = vector.broadcast %jit3A_39 : f32 to vector<32x32768xf32>
    %select_n3A_42 = arith.select %ge3A_37, %broadcast_in_dim3A_40, %broadcast_in_dim3A_41 : vector<32x32768xi1>, vector<32x32768xf32>
    %reduce_sum3A_43 = arith.constant dense<0.000000e+00> : vector<32xf32>
    %reduce_sum3A_44 = vector.multi_reduction <add>, %select_n3A_42, %reduce_sum3A_43 [1] : vector<32x32768xf32> to vector<32xf32>
    %broadcast_in_dim3A_45 = vector.shape_cast %reduce_sum3A_44 : vector<32xf32> to vector<32x1xf32>
    %gt3A = arith.constant 6.400000e+01 : f32
    %gt3A_46 = vector.broadcast %gt3A : f32 to vector<32x1xf32>
    %gt3A_47 = arith.cmpf ogt, %broadcast_in_dim3A_45, %gt3A_46 : vector<32x1xf32>
    %reduce_or3A = arith.constant 1.000000e+00 : f32
    %reduce_or3A_48 = arith.constant 0.000000e+00 : f32
    %reduce_or3A_49 = vector.broadcast %reduce_or3A : f32 to vector<32x1xf32>
    %reduce_or3A_50 = vector.broadcast %reduce_or3A_48 : f32 to vector<32x1xf32>
    %reduce_or3A_51 = arith.select %gt3A_47, %reduce_or3A_49, %reduce_or3A_50 : vector<32x1xi1>, vector<32x1xf32>
    %reduce_or3A_52 = vector.shape_cast %reduce_or3A_51 : vector<32x1xf32> to vector<1x32x1xf32>
    %reduce_or3A_53 = arith.constant dense<0xFF800000> : vector<1xf32>
    %reduce_or3A_54 = vector.multi_reduction <maximumf>, %reduce_or3A_52, %reduce_or3A_53 [1, 2] : vector<1x32x1xf32> to vector<1xf32>
    %reduce_or3A_55 = vector.shape_cast %reduce_or3A_54 : vector<1xf32> to vector<1x1x1xf32>
    %reduce_or3A_56 = vector.extract %reduce_or3A_55[0, 0, 0] : f32 from vector<1x1x1xf32>
    %reduce_or3A_57 = arith.constant 0.000000e+00 : f32
    %reduce_or3A_58 = arith.cmpf ogt, %reduce_or3A_56, %reduce_or3A_57 : f32
    %bitcast_convert_type3A_59 = tpu.bitcast %while3A_35#0 : vector<32x1xi32> -> vector<32x1xf32>
    %swap3A = arith.constant 0 : index
    %swap3A_60 = arith.constant 0 : index
    %swap3A_61 = vector.load %arg2[%swap3A, %swap3A_60] : memref<32x1xf32, #tpu.memory_space<vmem>>, vector<32x1xf32>
    tpu.vector_store %arg2[%swap3A, %swap3A_60], %bitcast_convert_type3A_59 {strides = array<i32>} : memref<32x1xf32, #tpu.memory_space<vmem>>, vector<32x1xf32>,
    %broadcast_in_dim3A_62 = arith.constant 32768 : i32
    %broadcast_in_dim3A_63 = vector.broadcast %broadcast_in_dim3A_62 : i32 to vector<32x1xi32>
    %swap3A_64 = arith.constant 0 : index
    %swap3A_65 = arith.constant 0 : index
    %swap3A_66 = vector.load %arg3[%swap3A_64, %swap3A_65] : memref<32x1xi32, #tpu.memory_space<vmem>>, vector<32x1xi32>
    tpu.vector_store %arg3[%swap3A_64, %swap3A_65], %broadcast_in_dim3A_63 {strides = array<i32>} : memref<32x1xi32, #tpu.memory_space<vmem>>, vector<32x1xi32>,
    %convert_element_type3A = arith.extui %reduce_or3A_58 : i1 to i32
    %cond3A = arith.constant 6.400000e+01 : f32
    %cond3A_67 = arith.constant 0 : i32
    %cond3A_68 = arith.cmpi ne, %convert_element_type3A, %cond3A_67 : i32
    scf.if %cond3A_68 {
      %gt3A_69 = vector.broadcast %cond3A : f32 to vector<32x1xf32>
      %gt3A_70 = arith.cmpf ogt, %broadcast_in_dim3A_45, %gt3A_69 : vector<32x1xf32>
      %add3A_71 = arith.constant 1 : i32
      %add3A_72 = vector.broadcast %add3A_71 : i32 to vector<32x1xi32>
      %add3A_73 = arith.addi %while3A_35#0, %add3A_72 : vector<32x1xi32>
      %ge3A_74 = vector.broadcast %add3A_73 : vector<32x1xi32> to vector<32x32768xi32>
      %ge3A_75 = arith.cmpi sge, %xor3A, %ge3A_74 : vector<32x32768xi32>
      %jit3A_76 = arith.constant 1.000000e+00 : f32
      %jit3A_77 = arith.constant 0.000000e+00 : f32
      %broadcast_in_dim3A_78 = vector.broadcast %jit3A_76 : f32 to vector<32x32768xf32>
      %broadcast_in_dim3A_79 = vector.broadcast %jit3A_77 : f32 to vector<32x32768xf32>
      %select_n3A_80 = arith.select %ge3A_75, %broadcast_in_dim3A_78, %broadcast_in_dim3A_79 : vector<32x32768xi1>, vector<32x32768xf32>
      %reduce_sum3A_81 = arith.constant dense<0.000000e+00> : vector<32xf32>
      %reduce_sum3A_82 = vector.multi_reduction <add>, %select_n3A_80, %reduce_sum3A_81 [1] : vector<32x32768xf32> to vector<32xf32>
      %broadcast_in_dim3A_83 = vector.shape_cast %reduce_sum3A_82 : vector<32xf32> to vector<32x1xf32>
      %sub3A = vector.broadcast %cond3A : f32 to vector<32x1xf32>
      %sub3A_84 = arith.subf %sub3A, %broadcast_in_dim3A_83 : vector<32x1xf32>
      %jit3A_85 = arith.constant 3.276800e+04 : f32
      %broadcast_in_dim3A_86 = vector.broadcast %jit3A_85 : f32 to vector<32x1xf32>
      %select_n3A_87 = arith.select %gt3A_70, %sub3A_84, %broadcast_in_dim3A_86 : vector<32x1xi1>, vector<32x1xf32>
      %eq3A = vector.broadcast %while3A_35#0 : vector<32x1xi32> to vector<32x32768xi32>
      %eq3A_88 = arith.cmpi eq, %xor3A, %eq3A : vector<32x32768xi32>
      %and3A_89 = vector.broadcast %gt3A_70 : vector<32x1xi1> to vector<32x32768xi1>
      %and3A_90 = arith.andi %eq3A_88, %and3A_89 : vector<32x32768xi1>
      %iota3A = tpu.iota {dimensions = array<i32: 1>} : vector<32x32768xi32>
      %broadcast_in_dim3A_91 = arith.constant 0 : i32
      %broadcast_in_dim3A_92 = vector.broadcast %broadcast_in_dim3A_91 : i32 to vector<32x1xi32>
      %broadcast_in_dim3A_93 = arith.constant 32769 : i32
      %broadcast_in_dim3A_94 = vector.broadcast %broadcast_in_dim3A_93 : i32 to vector<32x1xi32>
      %scan3A_95 = arith.constant 0 : i32
      %scan3A_96 = arith.constant 16 : i32
      %scan3A_97 = arith.addi %scan3A_95, %scan3A_96 : i32
      %scan3A_98 = arith.constant 1 : i32
      %scan3A_99:2 = scf.for %scan3A_106 = %scan3A_95 to %scan3A_97 step %scan3A_98 iter_args(%scan3A_107 = %broadcast_in_dim3A_92, %scan3A_108 = %broadcast_in_dim3A_94) -> (vector<32x1xi32>, vector<32x1xi32>)  : i32 {
        %sub3A_109 = arith.subi %scan3A_108, %scan3A_107 : vector<32x1xi32>
        %jit3A_110 = arith.constant 2 : i32
        %div3A = vector.broadcast %jit3A_110 : i32 to vector<32x1xi32>
        %div3A_111 = arith.divsi %sub3A_109, %div3A : vector<32x1xi32>
        %sign3A = arith.constant 0 : i32
        %sign3A_112 = vector.broadcast %sign3A : i32 to vector<32x1xi32>
        %sign3A_113 = arith.cmpi sgt, %sub3A_109, %sign3A_112 : vector<32x1xi32>
        %sign3A_114 = arith.extui %sign3A_113 : vector<32x1xi1> to vector<32x1xi32>
        %sign3A_115 = arith.constant 0 : i32
        %sign3A_116 = vector.broadcast %sign3A_115 : i32 to vector<32x1xi32>
        %sign3A_117 = arith.cmpi slt, %sub3A_109, %sign3A_116 : vector<32x1xi32>
        %sign3A_118 = arith.extui %sign3A_117 : vector<32x1xi1> to vector<32x1xi32>
        %sign3A_119 = arith.subi %sign3A_114, %sign3A_118 : vector<32x1xi32>
        %sign3A_120 = arith.constant 0 : i32
        %sign3A_121 = arith.cmpi sgt, %jit3A_110, %sign3A_120 : i32
        %sign3A_122 = arith.extui %sign3A_121 : i1 to i32
        %sign3A_123 = arith.constant 0 : i32
        %sign3A_124 = arith.cmpi slt, %jit3A_110, %sign3A_123 : i32
        %sign3A_125 = arith.extui %sign3A_124 : i1 to i32
        %sign3A_126 = arith.subi %sign3A_122, %sign3A_125 : i32
        %ne3A = vector.broadcast %sign3A_126 : i32 to vector<32x1xi32>
        %ne3A_127 = arith.cmpi ne, %sign3A_119, %ne3A : vector<32x1xi32>
        %rem3A = vector.broadcast %jit3A_110 : i32 to vector<32x1xi32>
        %rem3A_128 = arith.remsi %sub3A_109, %rem3A : vector<32x1xi32>
        %ne3A_129 = arith.constant 0 : i32
        %ne3A_130 = vector.broadcast %ne3A_129 : i32 to vector<32x1xi32>
        %ne3A_131 = arith.cmpi ne, %rem3A_128, %ne3A_130 : vector<32x1xi32>
        %and3A_132 = arith.andi %ne3A_127, %ne3A_131 : vector<32x1xi1>
        %sub3A_133 = arith.constant 1 : i32
        %sub3A_134 = vector.broadcast %sub3A_133 : i32 to vector<32x1xi32>
        %sub3A_135 = arith.subi %div3A_111, %sub3A_134 : vector<32x1xi32>
        %select_n3A_136 = arith.select %and3A_132, %sub3A_135, %div3A_111 : vector<32x1xi1>, vector<32x1xi32>
        %add3A_137 = arith.addi %scan3A_107, %select_n3A_136 : vector<32x1xi32>
        %lt3A = vector.broadcast %add3A_137 : vector<32x1xi32> to vector<32x32768xi32>
        %lt3A_138 = arith.cmpi slt, %iota3A, %lt3A : vector<32x32768xi32>
        %and3A_139 = arith.andi %and3A_90, %lt3A_138 : vector<32x32768xi1>
        %jit3A_140 = arith.constant 1.000000e+00 : f32
        %jit3A_141 = arith.constant 0.000000e+00 : f32
        %broadcast_in_dim3A_142 = vector.broadcast %jit3A_140 : f32 to vector<32x32768xf32>
        %broadcast_in_dim3A_143 = vector.broadcast %jit3A_141 : f32 to vector<32x32768xf32>
        %select_n3A_144 = arith.select %and3A_139, %broadcast_in_dim3A_142, %broadcast_in_dim3A_143 : vector<32x32768xi1>, vector<32x32768xf32>
        %reduce_sum3A_145 = arith.constant dense<0.000000e+00> : vector<32xf32>
        %reduce_sum3A_146 = vector.multi_reduction <add>, %select_n3A_144, %reduce_sum3A_145 [1] : vector<32x32768xf32> to vector<32xf32>
        %broadcast_in_dim3A_147 = vector.shape_cast %reduce_sum3A_146 : vector<32xf32> to vector<32x1xf32>
        %le3A_148 = arith.cmpf ole, %broadcast_in_dim3A_147, %select_n3A_87 : vector<32x1xf32>
        %select_n3A_149 = arith.select %le3A_148, %add3A_137, %scan3A_107 : vector<32x1xi1>, vector<32x1xi32>
        %select_n3A_150 = arith.select %le3A_148, %scan3A_108, %add3A_137 : vector<32x1xi1>, vector<32x1xi32>
        scf.yield %select_n3A_149, %select_n3A_150 : vector<32x1xi32>, vector<32x1xi32>
      }
      %jit3A_100 = arith.constant 32768 : i32
      %broadcast_in_dim3A_101 = vector.broadcast %jit3A_100 : i32 to vector<32x1xi32>
      %select_n3A_102 = arith.select %gt3A_70, %scan3A_99#0, %broadcast_in_dim3A_101 : vector<32x1xi1>, vector<32x1xi32>
      %swap3A_103 = arith.constant 0 : index
      %swap3A_104 = arith.constant 0 : index
      %swap3A_105 = vector.load %arg3[%swap3A_103, %swap3A_104] : memref<32x1xi32, #tpu.memory_space<vmem>>, vector<32x1xi32>
      tpu.vector_store %arg3[%swap3A_103, %swap3A_104], %select_n3A_102 {strides = array<i32>} : memref<32x1xi32, #tpu.memory_space<vmem>>, vector<32x1xi32>,
    } else {
    }
    return
  }
  func.func @transform_0(%arg0: i32) -> (i32, i32) {
    %c1_i32 = arith.constant 1 : i32
    %c0_i32 = arith.constant 0 : i32
    %c0_i32_0 = arith.constant 0 : i32
    return %c1_i32, %c0_i32 : i32, i32
  }
  func.func @transform_1(%arg0: i32) -> (i32, i32) {
    %c0_i32 = arith.constant 0 : i32
    %c0_i32_0 = arith.constant 0 : i32
    %c0_i32_1 = arith.constant 0 : i32
    return %c0_i32, %c0_i32_0 : i32, i32
  }
  func.func @transform_2(%arg0: i32) -> (i32, i32) {
    %c0_i32 = arith.constant 0 : i32
    %c0_i32_0 = arith.constant 0 : i32
    %c0_i32_1 = arith.constant 0 : i32
    return %c0_i32, %c0_i32_0 : i32, i32
  }
}

module attributes {stable_mosaic.version = 14 : i64} {
  func.func @_search_body(%arg0: i32, %arg1: memref<32x32768xf32, #tpu.memory_space<vmem>>, %arg2: memref<32x1xf32, #tpu.memory_space<vmem>>, %arg3: memref<32x1xi32, #tpu.memory_space<vmem>>) attributes {dimension_semantics = [#tpu.dimension_semantics<arbitrary>], iteration_bounds = array<i64: 1>, scalar_prefetch = 0 : i64, scratch_operands = 0 : i64, tpu.core_type = #tpu.core_type<tc>, window_params = [{transform_indices = @transform_0, window_bounds = array<i64: 32, 32768>}, {pipeline_mode = #tpu.pipeline_mode<synchronous>, transform_indices = @transform_1, window_bounds = array<i64: 32, 1>}, {pipeline_mode = #tpu.pipeline_mode<synchronous>, transform_indices = @transform_2, window_bounds = array<i64: 32, 1>}]} {
    %get3A = arith.constant 0 : index
    %get3A_0 = arith.constant 0 : index
    %get3A_1 = vector.load %arg1[%get3A, %get3A_0] : memref<32x32768xf32, #tpu.memory_space<vmem>>, vector<32x32768xf32>
    %bitcast_convert_type3A = tpu.bitcast %get3A_1 : vector<32x32768xf32> -> vector<32x32768xi32>
    %shift_right_arithmetic3A = arith.constant 31 : i32
    %shift_right_arithmetic3A_2 = vector.broadcast %shift_right_arithmetic3A : i32 to vector<32x32768xi32>
    %shift_right_arithmetic3A_3 = arith.shrsi %bitcast_convert_type3A, %shift_right_arithmetic3A_2 : vector<32x32768xi32>
    %and3A = arith.constant 2147483647 : i32
    %and3A_4 = vector.broadcast %and3A : i32 to vector<32x32768xi32>
    %and3A_5 = arith.andi %shift_right_arithmetic3A_3, %and3A_4 : vector<32x32768xi32>
    %xor3A = arith.xori %bitcast_convert_type3A, %and3A_5 : vector<32x32768xi32>
    %broadcast_in_dim3A = arith.constant 1 : i32
    %broadcast_in_dim3A_6 = vector.broadcast %broadcast_in_dim3A : i32 to vector<32x1xi32>
    %ge3A = vector.broadcast %broadcast_in_dim3A_6 : vector<32x1xi32> to vector<32x32768xi32>
    %ge3A_7 = arith.cmpi sge, %xor3A, %ge3A : vector<32x32768xi32>
    %jit3A = arith.constant 1.000000e+00 : f32
    %jit3A_8 = arith.constant 0.000000e+00 : f32
    %broadcast_in_dim3A_9 = vector.broadcast %jit3A : f32 to vector<32x32768xf32>
    %broadcast_in_dim3A_10 = vector.broadcast %jit3A_8 : f32 to vector<32x32768xf32>
    %select_n3A = arith.select %ge3A_7, %broadcast_in_dim3A_9, %broadcast_in_dim3A_10 : vector<32x32768xi1>, vector<32x32768xf32>
    %reduce_sum3A = arith.constant dense<0.000000e+00> : vector<32xf32>
    %reduce_sum3A_11 = vector.multi_reduction <add>, %select_n3A, %reduce_sum3A [1] : vector<32x32768xf32> to vector<32xf32>
    %broadcast_in_dim3A_12 = vector.shape_cast %reduce_sum3A_11 : vector<32xf32> to vector<32x1xf32>
    %reshape3A = vector.shape_cast %xor3A : vector<32x32768xi32> to vector<32x256x128xi32>
    %reduce_max3A = arith.constant dense<-2147483648> : vector<32x128xi32>
    %reduce_max3A_13 = vector.multi_reduction <maxsi>, %reshape3A, %reduce_max3A [1] : vector<32x256x128xi32> to vector<32x128xi32>
    %reduce_max3A_14 = arith.constant dense<-2147483648> : vector<32xi32>
    %reduce_max3A_15 = vector.multi_reduction <maxsi>, %reduce_max3A_13, %reduce_max3A_14 [1] : vector<32x128xi32> to vector<32xi32>
    %broadcast_in_dim3A_16 = vector.shape_cast %reduce_max3A_15 : vector<32xi32> to vector<32x1xi32>
    %add3A = arith.constant 1 : i32
    %add3A_17 = vector.broadcast %add3A : i32 to vector<32x1xi32>
    %add3A_18 = arith.addi %broadcast_in_dim3A_16, %add3A_17 : vector<32x1xi32>
    %add3A_19 = arith.constant 1 : i32
    %add3A_20 = vector.broadcast %add3A_19 : i32 to vector<32x1xi32>
    %add3A_21 = arith.addi %broadcast_in_dim3A_6, %add3A_20 : vector<32x1xi32>
    %max3A = arith.maxsi %add3A_18, %add3A_21 : vector<32x1xi32>
    %scan3A = arith.constant 6.400000e+01 : f32
    %scan3A_22 = arith.constant 0 : i32
    %scan3A_23 = arith.constant 9 : i32
    %scan3A_24 = arith.addi %scan3A_22, %scan3A_23 : i32
    %scan3A_25 = arith.constant 1 : i32
    %scan3A_26:2 = scf.for %scan3A_69 = %scan3A_22 to %scan3A_24 step %scan3A_25 iter_args(%scan3A_70 = %broadcast_in_dim3A_6, %scan3A_71 = %max3A) -> (vector<32x1xi32>, vector<32x1xi32>)  : i32 {
      %sub3A = arith.subi %scan3A_71, %scan3A_70 : vector<32x1xi32>
      %jit3A_72 = arith.constant 4 : i32
      %div3A = vector.broadcast %jit3A_72 : i32 to vector<32x1xi32>
      %div3A_73 = arith.divsi %sub3A, %div3A : vector<32x1xi32>
      %sign3A = arith.constant 0 : i32
      %sign3A_74 = vector.broadcast %sign3A : i32 to vector<32x1xi32>
      %sign3A_75 = arith.cmpi sgt, %sub3A, %sign3A_74 : vector<32x1xi32>
      %sign3A_76 = arith.extui %sign3A_75 : vector<32x1xi1> to vector<32x1xi32>
      %sign3A_77 = arith.constant 0 : i32
      %sign3A_78 = vector.broadcast %sign3A_77 : i32 to vector<32x1xi32>
      %sign3A_79 = arith.cmpi slt, %sub3A, %sign3A_78 : vector<32x1xi32>
      %sign3A_80 = arith.extui %sign3A_79 : vector<32x1xi1> to vector<32x1xi32>
      %sign3A_81 = arith.subi %sign3A_76, %sign3A_80 : vector<32x1xi32>
      %sign3A_82 = arith.constant 0 : i32
      %sign3A_83 = arith.cmpi sgt, %jit3A_72, %sign3A_82 : i32
      %sign3A_84 = arith.extui %sign3A_83 : i1 to i32
      %sign3A_85 = arith.constant 0 : i32
      %sign3A_86 = arith.cmpi slt, %jit3A_72, %sign3A_85 : i32
      %sign3A_87 = arith.extui %sign3A_86 : i1 to i32
      %sign3A_88 = arith.subi %sign3A_84, %sign3A_87 : i32
      %ne3A = vector.broadcast %sign3A_88 : i32 to vector<32x1xi32>
      %ne3A_89 = arith.cmpi ne, %sign3A_81, %ne3A : vector<32x1xi32>
      %rem3A = vector.broadcast %jit3A_72 : i32 to vector<32x1xi32>
      %rem3A_90 = arith.remsi %sub3A, %rem3A : vector<32x1xi32>
      %ne3A_91 = arith.constant 0 : i32
      %ne3A_92 = vector.broadcast %ne3A_91 : i32 to vector<32x1xi32>
      %ne3A_93 = arith.cmpi ne, %rem3A_90, %ne3A_92 : vector<32x1xi32>
      %and3A_94 = arith.andi %ne3A_89, %ne3A_93 : vector<32x1xi1>
      %sub3A_95 = arith.constant 1 : i32
      %sub3A_96 = vector.broadcast %sub3A_95 : i32 to vector<32x1xi32>
      %sub3A_97 = arith.subi %div3A_73, %sub3A_96 : vector<32x1xi32>
      %select_n3A_98 = arith.select %and3A_94, %sub3A_97, %div3A_73 : vector<32x1xi1>, vector<32x1xi32>
      %add3A_99 = arith.addi %scan3A_70, %select_n3A_98 : vector<32x1xi32>
      %mul3A = arith.constant 2 : i32
      %mul3A_100 = vector.broadcast %mul3A : i32 to vector<32x1xi32>
      %mul3A_101 = arith.muli %mul3A_100, %select_n3A_98 : vector<32x1xi32>
      %add3A_102 = arith.addi %scan3A_70, %mul3A_101 : vector<32x1xi32>
      %add3A_103 = arith.constant 1 : i32
      %add3A_104 = vector.broadcast %add3A_103 : i32 to vector<32x1xi32>
      %add3A_105 = arith.addi %scan3A_70, %add3A_104 : vector<32x1xi32>
      %max3A_106 = arith.maxsi %add3A_102, %add3A_105 : vector<32x1xi32>
      %mul3A_107 = arith.constant 3 : i32
      %mul3A_108 = vector.broadcast %mul3A_107 : i32 to vector<32x1xi32>
      %mul3A_109 = arith.muli %mul3A_108, %select_n3A_98 : vector<32x1xi32>
      %add3A_110 = arith.addi %scan3A_70, %mul3A_109 : vector<32x1xi32>
      %max3A_111 = arith.maxsi %add3A_110, %max3A_106 : vector<32x1xi32>
      %ge3A_112 = vector.broadcast %add3A_99 : vector<32x1xi32> to vector<32x128xi32>
      %ge3A_113 = arith.cmpi sge, %reduce_max3A_13, %ge3A_112 : vector<32x128xi32>
      %jit3A_114 = arith.constant 1.000000e+00 : f32
      %jit3A_115 = arith.constant 0.000000e+00 : f32
      %broadcast_in_dim3A_116 = vector.broadcast %jit3A_114 : f32 to vector<32x128xf32>
      %broadcast_in_dim3A_117 = vector.broadcast %jit3A_115 : f32 to vector<32x128xf32>
      %select_n3A_118 = arith.select %ge3A_113, %broadcast_in_dim3A_116, %broadcast_in_dim3A_117 : vector<32x128xi1>, vector<32x128xf32>
      %reduce_sum3A_119 = arith.constant dense<0.000000e+00> : vector<32xf32>
      %reduce_sum3A_120 = vector.multi_reduction <add>, %select_n3A_118, %reduce_sum3A_119 [1] : vector<32x128xf32> to vector<32xf32>
      %broadcast_in_dim3A_121 = vector.shape_cast %reduce_sum3A_120 : vector<32xf32> to vector<32x1xf32>
      %ge3A_122 = vector.broadcast %max3A_106 : vector<32x1xi32> to vector<32x128xi32>
      %ge3A_123 = arith.cmpi sge, %reduce_max3A_13, %ge3A_122 : vector<32x128xi32>
      %jit3A_124 = arith.constant 1.000000e+00 : f32
      %jit3A_125 = arith.constant 0.000000e+00 : f32
      %broadcast_in_dim3A_126 = vector.broadcast %jit3A_124 : f32 to vector<32x128xf32>
      %broadcast_in_dim3A_127 = vector.broadcast %jit3A_125 : f32 to vector<32x128xf32>
      %select_n3A_128 = arith.select %ge3A_123, %broadcast_in_dim3A_126, %broadcast_in_dim3A_127 : vector<32x128xi1>, vector<32x128xf32>
      %reduce_sum3A_129 = arith.constant dense<0.000000e+00> : vector<32xf32>
      %reduce_sum3A_130 = vector.multi_reduction <add>, %select_n3A_128, %reduce_sum3A_129 [1] : vector<32x128xf32> to vector<32xf32>
      %broadcast_in_dim3A_131 = vector.shape_cast %reduce_sum3A_130 : vector<32xf32> to vector<32x1xf32>
      %ge3A_132 = vector.broadcast %max3A_111 : vector<32x1xi32> to vector<32x128xi32>
      %ge3A_133 = arith.cmpi sge, %reduce_max3A_13, %ge3A_132 : vector<32x128xi32>
      %jit3A_134 = arith.constant 1.000000e+00 : f32
      %jit3A_135 = arith.constant 0.000000e+00 : f32
      %broadcast_in_dim3A_136 = vector.broadcast %jit3A_134 : f32 to vector<32x128xf32>
      %broadcast_in_dim3A_137 = vector.broadcast %jit3A_135 : f32 to vector<32x128xf32>
      %select_n3A_138 = arith.select %ge3A_133, %broadcast_in_dim3A_136, %broadcast_in_dim3A_137 : vector<32x128xi1>, vector<32x128xf32>
      %reduce_sum3A_139 = arith.constant dense<0.000000e+00> : vector<32xf32>
      %reduce_sum3A_140 = vector.multi_reduction <add>, %select_n3A_138, %reduce_sum3A_139 [1] : vector<32x128xf32> to vector<32xf32>
      %broadcast_in_dim3A_141 = vector.shape_cast %reduce_sum3A_140 : vector<32xf32> to vector<32x1xf32>
      %ge3A_142 = vector.broadcast %scan3A : f32 to vector<32x1xf32>
      %ge3A_143 = arith.cmpf oge, %broadcast_in_dim3A_121, %ge3A_142 : vector<32x1xf32>
      %select_n3A_144 = arith.select %ge3A_143, %add3A_99, %scan3A_70 : vector<32x1xi1>, vector<32x1xi32>
      %ge3A_145 = vector.broadcast %scan3A : f32 to vector<32x1xf32>
      %ge3A_146 = arith.cmpf oge, %broadcast_in_dim3A_131, %ge3A_145 : vector<32x1xf32>
      %select_n3A_147 = arith.select %ge3A_146, %max3A_106, %select_n3A_144 : vector<32x1xi1>, vector<32x1xi32>
      %ge3A_148 = vector.broadcast %scan3A : f32 to vector<32x1xf32>
      %ge3A_149 = arith.cmpf oge, %broadcast_in_dim3A_141, %ge3A_148 : vector<32x1xf32>
      %select_n3A_150 = arith.select %ge3A_149, %max3A_111, %select_n3A_147 : vector<32x1xi1>, vector<32x1xi32>
      %lt3A = vector.broadcast %scan3A : f32 to vector<32x1xf32>
      %lt3A_151 = arith.cmpf olt, %broadcast_in_dim3A_141, %lt3A : vector<32x1xf32>
      %select_n3A_152 = arith.select %lt3A_151, %max3A_111, %scan3A_71 : vector<32x1xi1>, vector<32x1xi32>
      %lt3A_153 = vector.broadcast %scan3A : f32 to vector<32x1xf32>
      %lt3A_154 = arith.cmpf olt, %broadcast_in_dim3A_131, %lt3A_153 : vector<32x1xf32>
      %select_n3A_155 = arith.select %lt3A_154, %max3A_106, %select_n3A_152 : vector<32x1xi1>, vector<32x1xi32>
      %lt3A_156 = vector.broadcast %scan3A : f32 to vector<32x1xf32>
      %lt3A_157 = arith.cmpf olt, %broadcast_in_dim3A_121, %lt3A_156 : vector<32x1xf32>
      %select_n3A_158 = arith.select %lt3A_157, %add3A_99, %select_n3A_155 : vector<32x1xi1>, vector<32x1xi32>
      scf.yield %select_n3A_150, %select_n3A_158 : vector<32x1xi32>, vector<32x1xi32>
    }
    %le3A = arith.constant 6.400000e+01 : f32
    %le3A_27 = vector.broadcast %le3A : f32 to vector<32x1xf32>
    %le3A_28 = arith.cmpf ole, %broadcast_in_dim3A_12, %le3A_27 : vector<32x1xf32>
    %jit3A_29 = arith.constant 1 : i32
    %jit3A_30 = arith.constant 0 : i32
    %broadcast_in_dim3A_31 = vector.broadcast %jit3A_29 : i32 to vector<32x1xi32>
    %broadcast_in_dim3A_32 = vector.broadcast %jit3A_30 : i32 to vector<32x1xi32>
    %select_n3A_33 = arith.select %le3A_28, %broadcast_in_dim3A_31, %broadcast_in_dim3A_32 : vector<32x1xi1>, vector<32x1xi32>
    %max3A_34 = arith.maxsi %scan3A_26#0, %broadcast_in_dim3A_6 : vector<32x1xi32>
    %while3A = arith.constant 6.400000e+01 : f32
    %while3A_35:3 = scf.while (%while3A_69 = %max3A_34, %while3A_70 = %max3A, %while3A_71 = %select_n3A_33) : (vector<32x1xi32>, vector<32x1xi32>, vector<32x1xi32>) -> (vector<32x1xi32>, vector<32x1xi32>, vector<32x1xi32>) {
      %reduce_min3A = vector.shape_cast %while3A_71 : vector<32x1xi32> to vector<1x32x1xi32>
      %reduce_min3A_72 = arith.constant dense<2147483647> : vector<1xi32>
      %reduce_min3A_73 = vector.multi_reduction <minsi>, %reduce_min3A, %reduce_min3A_72 [1, 2] : vector<1x32x1xi32> to vector<1xi32>
      %reduce_min3A_74 = vector.shape_cast %reduce_min3A_73 : vector<1xi32> to vector<1x1x1xi32>
      %reduce_min3A_75 = vector.extract %reduce_min3A_74[0, 0, 0] : i32 from vector<1x1x1xi32>
      %lt3A = arith.constant 1 : i32
      %lt3A_76 = arith.cmpi slt, %reduce_min3A_75, %lt3A : i32
      scf.condition(%lt3A_76) %while3A_69, %while3A_70, %while3A_71 : vector<32x1xi32>, vector<32x1xi32>, vector<32x1xi32>
    } do {
    ^bb0(%while3A_69: vector<32x1xi32>, %while3A_70: vector<32x1xi32>, %while3A_71: vector<32x1xi32>):
      %sub3A = arith.subi %while3A_70, %while3A_69 : vector<32x1xi32>
      %jit3A_72 = arith.constant 4 : i32
      %div3A = vector.broadcast %jit3A_72 : i32 to vector<32x1xi32>
      %div3A_73 = arith.divsi %sub3A, %div3A : vector<32x1xi32>
      %sign3A = arith.constant 0 : i32
      %sign3A_74 = vector.broadcast %sign3A : i32 to vector<32x1xi32>
      %sign3A_75 = arith.cmpi sgt, %sub3A, %sign3A_74 : vector<32x1xi32>
      %sign3A_76 = arith.extui %sign3A_75 : vector<32x1xi1> to vector<32x1xi32>
      %sign3A_77 = arith.constant 0 : i32
      %sign3A_78 = vector.broadcast %sign3A_77 : i32 to vector<32x1xi32>
      %sign3A_79 = arith.cmpi slt, %sub3A, %sign3A_78 : vector<32x1xi32>
      %sign3A_80 = arith.extui %sign3A_79 : vector<32x1xi1> to vector<32x1xi32>
      %sign3A_81 = arith.subi %sign3A_76, %sign3A_80 : vector<32x1xi32>
      %sign3A_82 = arith.constant 0 : i32
      %sign3A_83 = arith.cmpi sgt, %jit3A_72, %sign3A_82 : i32
      %sign3A_84 = arith.extui %sign3A_83 : i1 to i32
      %sign3A_85 = arith.constant 0 : i32
      %sign3A_86 = arith.cmpi slt, %jit3A_72, %sign3A_85 : i32
      %sign3A_87 = arith.extui %sign3A_86 : i1 to i32
      %sign3A_88 = arith.subi %sign3A_84, %sign3A_87 : i32
      %ne3A = vector.broadcast %sign3A_88 : i32 to vector<32x1xi32>
      %ne3A_89 = arith.cmpi ne, %sign3A_81, %ne3A : vector<32x1xi32>
      %rem3A = vector.broadcast %jit3A_72 : i32 to vector<32x1xi32>
      %rem3A_90 = arith.remsi %sub3A, %rem3A : vector<32x1xi32>
      %ne3A_91 = arith.constant 0 : i32
      %ne3A_92 = vector.broadcast %ne3A_91 : i32 to vector<32x1xi32>
      %ne3A_93 = arith.cmpi ne, %rem3A_90, %ne3A_92 : vector<32x1xi32>
      %and3A_94 = arith.andi %ne3A_89, %ne3A_93 : vector<32x1xi1>
      %sub3A_95 = arith.constant 1 : i32
      %sub3A_96 = vector.broadcast %sub3A_95 : i32 to vector<32x1xi32>
      %sub3A_97 = arith.subi %div3A_73, %sub3A_96 : vector<32x1xi32>
      %select_n3A_98 = arith.select %and3A_94, %sub3A_97, %div3A_73 : vector<32x1xi1>, vector<32x1xi32>
      %add3A_99 = arith.addi %while3A_69, %select_n3A_98 : vector<32x1xi32>
      %mul3A = arith.constant 2 : i32
      %mul3A_100 = vector.broadcast %mul3A : i32 to vector<32x1xi32>
      %mul3A_101 = arith.muli %mul3A_100, %select_n3A_98 : vector<32x1xi32>
      %add3A_102 = arith.addi %while3A_69, %mul3A_101 : vector<32x1xi32>
      %add3A_103 = arith.constant 1 : i32
      %add3A_104 = vector.broadcast %add3A_103 : i32 to vector<32x1xi32>
      %add3A_105 = arith.addi %while3A_69, %add3A_104 : vector<32x1xi32>
      %max3A_106 = arith.maxsi %add3A_102, %add3A_105 : vector<32x1xi32>
      %mul3A_107 = arith.constant 3 : i32
      %mul3A_108 = vector.broadcast %mul3A_107 : i32 to vector<32x1xi32>
      %mul3A_109 = arith.muli %mul3A_108, %select_n3A_98 : vector<32x1xi32>
      %add3A_110 = arith.addi %while3A_69, %mul3A_109 : vector<32x1xi32>
      %max3A_111 = arith.maxsi %add3A_110, %max3A_106 : vector<32x1xi32>
      %ge3A_112 = vector.broadcast %add3A_99 : vector<32x1xi32> to vector<32x32768xi32>
      %ge3A_113 = arith.cmpi sge, %xor3A, %ge3A_112 : vector<32x32768xi32>
      %jit3A_114 = arith.constant 1.000000e+00 : f32
      %jit3A_115 = arith.constant 0.000000e+00 : f32
      %broadcast_in_dim3A_116 = vector.broadcast %jit3A_114 : f32 to vector<32x32768xf32>
      %broadcast_in_dim3A_117 = vector.broadcast %jit3A_115 : f32 to vector<32x32768xf32>
      %select_n3A_118 = arith.select %ge3A_113, %broadcast_in_dim3A_116, %broadcast_in_dim3A_117 : vector<32x32768xi1>, vector<32x32768xf32>
      %reduce_sum3A_119 = arith.constant dense<0.000000e+00> : vector<32xf32>
      %reduce_sum3A_120 = vector.multi_reduction <add>, %select_n3A_118, %reduce_sum3A_119 [1] : vector<32x32768xf32> to vector<32xf32>
      %broadcast_in_dim3A_121 = vector.shape_cast %reduce_sum3A_120 : vector<32xf32> to vector<32x1xf32>
      %ge3A_122 = vector.broadcast %max3A_106 : vector<32x1xi32> to vector<32x32768xi32>
      %ge3A_123 = arith.cmpi sge, %xor3A, %ge3A_122 : vector<32x32768xi32>
      %jit3A_124 = arith.constant 1.000000e+00 : f32
      %jit3A_125 = arith.constant 0.000000e+00 : f32
      %broadcast_in_dim3A_126 = vector.broadcast %jit3A_124 : f32 to vector<32x32768xf32>
      %broadcast_in_dim3A_127 = vector.broadcast %jit3A_125 : f32 to vector<32x32768xf32>
      %select_n3A_128 = arith.select %ge3A_123, %broadcast_in_dim3A_126, %broadcast_in_dim3A_127 : vector<32x32768xi1>, vector<32x32768xf32>
      %reduce_sum3A_129 = arith.constant dense<0.000000e+00> : vector<32xf32>
      %reduce_sum3A_130 = vector.multi_reduction <add>, %select_n3A_128, %reduce_sum3A_129 [1] : vector<32x32768xf32> to vector<32xf32>
      %broadcast_in_dim3A_131 = vector.shape_cast %reduce_sum3A_130 : vector<32xf32> to vector<32x1xf32>
      %ge3A_132 = vector.broadcast %max3A_111 : vector<32x1xi32> to vector<32x32768xi32>
      %ge3A_133 = arith.cmpi sge, %xor3A, %ge3A_132 : vector<32x32768xi32>
      %jit3A_134 = arith.constant 1.000000e+00 : f32
      %jit3A_135 = arith.constant 0.000000e+00 : f32
      %broadcast_in_dim3A_136 = vector.broadcast %jit3A_134 : f32 to vector<32x32768xf32>
      %broadcast_in_dim3A_137 = vector.broadcast %jit3A_135 : f32 to vector<32x32768xf32>
      %select_n3A_138 = arith.select %ge3A_133, %broadcast_in_dim3A_136, %broadcast_in_dim3A_137 : vector<32x32768xi1>, vector<32x32768xf32>
      %reduce_sum3A_139 = arith.constant dense<0.000000e+00> : vector<32xf32>
      %reduce_sum3A_140 = vector.multi_reduction <add>, %select_n3A_138, %reduce_sum3A_139 [1] : vector<32x32768xf32> to vector<32xf32>
      %broadcast_in_dim3A_141 = vector.shape_cast %reduce_sum3A_140 : vector<32xf32> to vector<32x1xf32>
      %lt3A = arith.constant 1 : i32
      %lt3A_142 = vector.broadcast %lt3A : i32 to vector<32x1xi32>
      %lt3A_143 = arith.cmpi slt, %while3A_71, %lt3A_142 : vector<32x1xi32>
      %ge3A_144 = vector.broadcast %while3A : f32 to vector<32x1xf32>
      %ge3A_145 = arith.cmpf oge, %broadcast_in_dim3A_121, %ge3A_144 : vector<32x1xf32>
      %and3A_146 = arith.andi %lt3A_143, %ge3A_145 : vector<32x1xi1>
      %select_n3A_147 = arith.select %and3A_146, %add3A_99, %while3A_69 : vector<32x1xi1>, vector<32x1xi32>
      %ge3A_148 = vector.broadcast %while3A : f32 to vector<32x1xf32>
      %ge3A_149 = arith.cmpf oge, %broadcast_in_dim3A_131, %ge3A_148 : vector<32x1xf32>
      %and3A_150 = arith.andi %lt3A_143, %ge3A_149 : vector<32x1xi1>
      %select_n3A_151 = arith.select %and3A_150, %max3A_106, %select_n3A_147 : vector<32x1xi1>, vector<32x1xi32>
      %ge3A_152 = vector.broadcast %while3A : f32 to vector<32x1xf32>
      %ge3A_153 = arith.cmpf oge, %broadcast_in_dim3A_141, %ge3A_152 : vector<32x1xf32>
      %and3A_154 = arith.andi %lt3A_143, %ge3A_153 : vector<32x1xi1>
      %select_n3A_155 = arith.select %and3A_154, %max3A_111, %select_n3A_151 : vector<32x1xi1>, vector<32x1xi32>
      %lt3A_156 = vector.broadcast %while3A : f32 to vector<32x1xf32>
      %lt3A_157 = arith.cmpf olt, %broadcast_in_dim3A_141, %lt3A_156 : vector<32x1xf32>
      %and3A_158 = arith.andi %lt3A_143, %lt3A_157 : vector<32x1xi1>
      %select_n3A_159 = arith.select %and3A_158, %max3A_111, %while3A_70 : vector<32x1xi1>, vector<32x1xi32>
      %lt3A_160 = vector.broadcast %while3A : f32 to vector<32x1xf32>
      %lt3A_161 = arith.cmpf olt, %broadcast_in_dim3A_131, %lt3A_160 : vector<32x1xf32>
      %and3A_162 = arith.andi %lt3A_143, %lt3A_161 : vector<32x1xi1>
      %select_n3A_163 = arith.select %and3A_162, %max3A_106, %select_n3A_159 : vector<32x1xi1>, vector<32x1xi32>
      %lt3A_164 = vector.broadcast %while3A : f32 to vector<32x1xf32>
      %lt3A_165 = arith.cmpf olt, %broadcast_in_dim3A_121, %lt3A_164 : vector<32x1xf32>
      %and3A_166 = arith.andi %lt3A_143, %lt3A_165 : vector<32x1xi1>
      %select_n3A_167 = arith.select %and3A_166, %add3A_99, %select_n3A_163 : vector<32x1xi1>, vector<32x1xi32>
      %eq3A = vector.broadcast %while3A : f32 to vector<32x1xf32>
      %eq3A_168 = arith.cmpf oeq, %broadcast_in_dim3A_121, %eq3A : vector<32x1xf32>
      %and3A_169 = arith.andi %lt3A_143, %eq3A_168 : vector<32x1xi1>
      %select_n3A_170 = arith.select %and3A_169, %add3A_99, %select_n3A_155 : vector<32x1xi1>, vector<32x1xi32>
      %eq3A_171 = vector.broadcast %while3A : f32 to vector<32x1xf32>
      %eq3A_172 = arith.cmpf oeq, %broadcast_in_dim3A_131, %eq3A_171 : vector<32x1xf32>
      %and3A_173 = arith.andi %lt3A_143, %eq3A_172 : vector<32x1xi1>
      %select_n3A_174 = arith.select %and3A_173, %max3A_106, %select_n3A_170 : vector<32x1xi1>, vector<32x1xi32>
      %eq3A_175 = vector.broadcast %while3A : f32 to vector<32x1xf32>
      %eq3A_176 = arith.cmpf oeq, %broadcast_in_dim3A_141, %eq3A_175 : vector<32x1xf32>
      %and3A_177 = arith.andi %lt3A_143, %eq3A_176 : vector<32x1xi1>
      %select_n3A_178 = arith.select %and3A_177, %max3A_111, %select_n3A_174 : vector<32x1xi1>, vector<32x1xi32>
      %eq3A_179 = vector.broadcast %while3A : f32 to vector<32x1xf32>
      %eq3A_180 = arith.cmpf oeq, %broadcast_in_dim3A_121, %eq3A_179 : vector<32x1xf32>
      %eq3A_181 = vector.broadcast %while3A : f32 to vector<32x1xf32>
      %eq3A_182 = arith.cmpf oeq, %broadcast_in_dim3A_131, %eq3A_181 : vector<32x1xf32>
      %or3A = arith.ori %eq3A_180, %eq3A_182 : vector<32x1xi1>
      %eq3A_183 = vector.broadcast %while3A : f32 to vector<32x1xf32>
      %eq3A_184 = arith.cmpf oeq, %broadcast_in_dim3A_141, %eq3A_183 : vector<32x1xf32>
      %or3A_185 = arith.ori %or3A, %eq3A_184 : vector<32x1xi1>
      %sub3A_186 = arith.subi %select_n3A_167, %select_n3A_178 : vector<32x1xi32>
      %le3A_187 = arith.constant 1 : i32
      %le3A_188 = vector.broadcast %le3A_187 : i32 to vector<32x1xi32>
      %le3A_189 = arith.cmpi sle, %sub3A_186, %le3A_188 : vector<32x1xi32>
      %or3A_190 = arith.ori %or3A_185, %le3A_189 : vector<32x1xi1>
      %jit3A_191 = arith.constant 1 : i32
      %jit3A_192 = arith.constant 0 : i32
      %broadcast_in_dim3A_193 = vector.broadcast %jit3A_191 : i32 to vector<32x1xi32>
      %broadcast_in_dim3A_194 = vector.broadcast %jit3A_192 : i32 to vector<32x1xi32>
      %select_n3A_195 = arith.select %or3A_190, %broadcast_in_dim3A_193, %broadcast_in_dim3A_194 : vector<32x1xi1>, vector<32x1xi32>
      %max3A_196 = arith.maxsi %while3A_71, %select_n3A_195 : vector<32x1xi32>
      scf.yield %select_n3A_178, %select_n3A_167, %max3A_196 : vector<32x1xi32>, vector<32x1xi32>, vector<32x1xi32>
    }
    %ge3A_36 = vector.broadcast %while3A_35#0 : vector<32x1xi32> to vector<32x32768xi32>
    %ge3A_37 = arith.cmpi sge, %xor3A, %ge3A_36 : vector<32x32768xi32>
    %jit3A_38 = arith.constant 1.000000e+00 : f32
    %jit3A_39 = arith.constant 0.000000e+00 : f32
    %broadcast_in_dim3A_40 = vector.broadcast %jit3A_38 : f32 to vector<32x32768xf32>
    %broadcast_in_dim3A_41 = vector.broadcast %jit3A_39 : f32 to vector<32x32768xf32>
    %select_n3A_42 = arith.select %ge3A_37, %broadcast_in_dim3A_40, %broadcast_in_dim3A_41 : vector<32x32768xi1>, vector<32x32768xf32>
    %reduce_sum3A_43 = arith.constant dense<0.000000e+00> : vector<32xf32>
    %reduce_sum3A_44 = vector.multi_reduction <add>, %select_n3A_42, %reduce_sum3A_43 [1] : vector<32x32768xf32> to vector<32xf32>
    %broadcast_in_dim3A_45 = vector.shape_cast %reduce_sum3A_44 : vector<32xf32> to vector<32x1xf32>
    %gt3A = arith.constant 6.400000e+01 : f32
    %gt3A_46 = vector.broadcast %gt3A : f32 to vector<32x1xf32>
    %gt3A_47 = arith.cmpf ogt, %broadcast_in_dim3A_45, %gt3A_46 : vector<32x1xf32>
    %reduce_or3A = arith.constant 1.000000e+00 : f32
    %reduce_or3A_48 = arith.constant 0.000000e+00 : f32
    %reduce_or3A_49 = vector.broadcast %reduce_or3A : f32 to vector<32x1xf32>
    %reduce_or3A_50 = vector.broadcast %reduce_or3A_48 : f32 to vector<32x1xf32>
    %reduce_or3A_51 = arith.select %gt3A_47, %reduce_or3A_49, %reduce_or3A_50 : vector<32x1xi1>, vector<32x1xf32>
    %reduce_or3A_52 = vector.shape_cast %reduce_or3A_51 : vector<32x1xf32> to vector<1x32x1xf32>
    %reduce_or3A_53 = arith.constant dense<0xFF800000> : vector<1xf32>
    %reduce_or3A_54 = vector.multi_reduction <maximumf>, %reduce_or3A_52, %reduce_or3A_53 [1, 2] : vector<1x32x1xf32> to vector<1xf32>
    %reduce_or3A_55 = vector.shape_cast %reduce_or3A_54 : vector<1xf32> to vector<1x1x1xf32>
    %reduce_or3A_56 = vector.extract %reduce_or3A_55[0, 0, 0] : f32 from vector<1x1x1xf32>
    %reduce_or3A_57 = arith.constant 0.000000e+00 : f32
    %reduce_or3A_58 = arith.cmpf ogt, %reduce_or3A_56, %reduce_or3A_57 : f32
    %bitcast_convert_type3A_59 = tpu.bitcast %while3A_35#0 : vector<32x1xi32> -> vector<32x1xf32>
    %swap3A = arith.constant 0 : index
    %swap3A_60 = arith.constant 0 : index
    %swap3A_61 = vector.load %arg2[%swap3A, %swap3A_60] : memref<32x1xf32, #tpu.memory_space<vmem>>, vector<32x1xf32>
    tpu.vector_store %arg2[%swap3A, %swap3A_60], %bitcast_convert_type3A_59 {strides = array<i32>} : memref<32x1xf32, #tpu.memory_space<vmem>>, vector<32x1xf32>,
    %broadcast_in_dim3A_62 = arith.constant 32768 : i32
    %broadcast_in_dim3A_63 = vector.broadcast %broadcast_in_dim3A_62 : i32 to vector<32x1xi32>
    %swap3A_64 = arith.constant 0 : index
    %swap3A_65 = arith.constant 0 : index
    %swap3A_66 = vector.load %arg3[%swap3A_64, %swap3A_65] : memref<32x1xi32, #tpu.memory_space<vmem>>, vector<32x1xi32>
    tpu.vector_store %arg3[%swap3A_64, %swap3A_65], %broadcast_in_dim3A_63 {strides = array<i32>} : memref<32x1xi32, #tpu.memory_space<vmem>>, vector<32x1xi32>,
    %convert_element_type3A = arith.extui %reduce_or3A_58 : i1 to i32
    %cond3A = arith.constant 6.400000e+01 : f32
    %cond3A_67 = arith.constant 0 : i32
    %cond3A_68 = arith.cmpi ne, %convert_element_type3A, %cond3A_67 : i32
    scf.if %cond3A_68 {
      %gt3A_69 = vector.broadcast %cond3A : f32 to vector<32x1xf32>
      %gt3A_70 = arith.cmpf ogt, %broadcast_in_dim3A_45, %gt3A_69 : vector<32x1xf32>
      %add3A_71 = arith.constant 1 : i32
      %add3A_72 = vector.broadcast %add3A_71 : i32 to vector<32x1xi32>
      %add3A_73 = arith.addi %while3A_35#0, %add3A_72 : vector<32x1xi32>
      %ge3A_74 = vector.broadcast %add3A_73 : vector<32x1xi32> to vector<32x32768xi32>
      %ge3A_75 = arith.cmpi sge, %xor3A, %ge3A_74 : vector<32x32768xi32>
      %jit3A_76 = arith.constant 1.000000e+00 : f32
      %jit3A_77 = arith.constant 0.000000e+00 : f32
      %broadcast_in_dim3A_78 = vector.broadcast %jit3A_76 : f32 to vector<32x32768xf32>
      %broadcast_in_dim3A_79 = vector.broadcast %jit3A_77 : f32 to vector<32x32768xf32>
      %select_n3A_80 = arith.select %ge3A_75, %broadcast_in_dim3A_78, %broadcast_in_dim3A_79 : vector<32x32768xi1>, vector<32x32768xf32>
      %reduce_sum3A_81 = arith.constant dense<0.000000e+00> : vector<32xf32>
      %reduce_sum3A_82 = vector.multi_reduction <add>, %select_n3A_80, %reduce_sum3A_81 [1] : vector<32x32768xf32> to vector<32xf32>
      %broadcast_in_dim3A_83 = vector.shape_cast %reduce_sum3A_82 : vector<32xf32> to vector<32x1xf32>
      %sub3A = vector.broadcast %cond3A : f32 to vector<32x1xf32>
      %sub3A_84 = arith.subf %sub3A, %broadcast_in_dim3A_83 : vector<32x1xf32>
      %jit3A_85 = arith.constant 3.276800e+04 : f32
      %broadcast_in_dim3A_86 = vector.broadcast %jit3A_85 : f32 to vector<32x1xf32>
      %select_n3A_87 = arith.select %gt3A_70, %sub3A_84, %broadcast_in_dim3A_86 : vector<32x1xi1>, vector<32x1xf32>
      %eq3A = vector.broadcast %while3A_35#0 : vector<32x1xi32> to vector<32x32768xi32>
      %eq3A_88 = arith.cmpi eq, %xor3A, %eq3A : vector<32x32768xi32>
      %and3A_89 = vector.broadcast %gt3A_70 : vector<32x1xi1> to vector<32x32768xi1>
      %and3A_90 = arith.andi %eq3A_88, %and3A_89 : vector<32x32768xi1>
      %iota3A = tpu.iota {dimensions = array<i32: 1>} : vector<32x32768xi32>
      %broadcast_in_dim3A_91 = arith.constant 0 : i32
      %broadcast_in_dim3A_92 = vector.broadcast %broadcast_in_dim3A_91 : i32 to vector<32x1xi32>
      %broadcast_in_dim3A_93 = arith.constant 32769 : i32
      %broadcast_in_dim3A_94 = vector.broadcast %broadcast_in_dim3A_93 : i32 to vector<32x1xi32>
      %scan3A_95 = arith.constant 0 : i32
      %scan3A_96 = arith.constant 16 : i32
      %scan3A_97 = arith.addi %scan3A_95, %scan3A_96 : i32
      %scan3A_98 = arith.constant 1 : i32
      %scan3A_99:2 = scf.for %scan3A_106 = %scan3A_95 to %scan3A_97 step %scan3A_98 iter_args(%scan3A_107 = %broadcast_in_dim3A_92, %scan3A_108 = %broadcast_in_dim3A_94) -> (vector<32x1xi32>, vector<32x1xi32>)  : i32 {
        %sub3A_109 = arith.subi %scan3A_108, %scan3A_107 : vector<32x1xi32>
        %jit3A_110 = arith.constant 2 : i32
        %div3A = vector.broadcast %jit3A_110 : i32 to vector<32x1xi32>
        %div3A_111 = arith.divsi %sub3A_109, %div3A : vector<32x1xi32>
        %sign3A = arith.constant 0 : i32
        %sign3A_112 = vector.broadcast %sign3A : i32 to vector<32x1xi32>
        %sign3A_113 = arith.cmpi sgt, %sub3A_109, %sign3A_112 : vector<32x1xi32>
        %sign3A_114 = arith.extui %sign3A_113 : vector<32x1xi1> to vector<32x1xi32>
        %sign3A_115 = arith.constant 0 : i32
        %sign3A_116 = vector.broadcast %sign3A_115 : i32 to vector<32x1xi32>
        %sign3A_117 = arith.cmpi slt, %sub3A_109, %sign3A_116 : vector<32x1xi32>
        %sign3A_118 = arith.extui %sign3A_117 : vector<32x1xi1> to vector<32x1xi32>
        %sign3A_119 = arith.subi %sign3A_114, %sign3A_118 : vector<32x1xi32>
        %sign3A_120 = arith.constant 0 : i32
        %sign3A_121 = arith.cmpi sgt, %jit3A_110, %sign3A_120 : i32
        %sign3A_122 = arith.extui %sign3A_121 : i1 to i32
        %sign3A_123 = arith.constant 0 : i32
        %sign3A_124 = arith.cmpi slt, %jit3A_110, %sign3A_123 : i32
        %sign3A_125 = arith.extui %sign3A_124 : i1 to i32
        %sign3A_126 = arith.subi %sign3A_122, %sign3A_125 : i32
        %ne3A = vector.broadcast %sign3A_126 : i32 to vector<32x1xi32>
        %ne3A_127 = arith.cmpi ne, %sign3A_119, %ne3A : vector<32x1xi32>
        %rem3A = vector.broadcast %jit3A_110 : i32 to vector<32x1xi32>
        %rem3A_128 = arith.remsi %sub3A_109, %rem3A : vector<32x1xi32>
        %ne3A_129 = arith.constant 0 : i32
        %ne3A_130 = vector.broadcast %ne3A_129 : i32 to vector<32x1xi32>
        %ne3A_131 = arith.cmpi ne, %rem3A_128, %ne3A_130 : vector<32x1xi32>
        %and3A_132 = arith.andi %ne3A_127, %ne3A_131 : vector<32x1xi1>
        %sub3A_133 = arith.constant 1 : i32
        %sub3A_134 = vector.broadcast %sub3A_133 : i32 to vector<32x1xi32>
        %sub3A_135 = arith.subi %div3A_111, %sub3A_134 : vector<32x1xi32>
        %select_n3A_136 = arith.select %and3A_132, %sub3A_135, %div3A_111 : vector<32x1xi1>, vector<32x1xi32>
        %add3A_137 = arith.addi %scan3A_107, %select_n3A_136 : vector<32x1xi32>
        %lt3A = vector.broadcast %add3A_137 : vector<32x1xi32> to vector<32x32768xi32>
        %lt3A_138 = arith.cmpi slt, %iota3A, %lt3A : vector<32x32768xi32>
        %and3A_139 = arith.andi %and3A_90, %lt3A_138 : vector<32x32768xi1>
        %jit3A_140 = arith.constant 1.000000e+00 : f32
        %jit3A_141 = arith.constant 0.000000e+00 : f32
        %broadcast_in_dim3A_142 = vector.broadcast %jit3A_140 : f32 to vector<32x32768xf32>
        %broadcast_in_dim3A_143 = vector.broadcast %jit3A_141 : f32 to vector<32x32768xf32>
        %select_n3A_144 = arith.select %and3A_139, %broadcast_in_dim3A_142, %broadcast_in_dim3A_143 : vector<32x32768xi1>, vector<32x32768xf32>
        %reduce_sum3A_145 = arith.constant dense<0.000000e+00> : vector<32xf32>
        %reduce_sum3A_146 = vector.multi_reduction <add>, %select_n3A_144, %reduce_sum3A_145 [1] : vector<32x32768xf32> to vector<32xf32>
        %broadcast_in_dim3A_147 = vector.shape_cast %reduce_sum3A_146 : vector<32xf32> to vector<32x1xf32>
        %le3A_148 = arith.cmpf ole, %broadcast_in_dim3A_147, %select_n3A_87 : vector<32x1xf32>
        %select_n3A_149 = arith.select %le3A_148, %add3A_137, %scan3A_107 : vector<32x1xi1>, vector<32x1xi32>
        %select_n3A_150 = arith.select %le3A_148, %scan3A_108, %add3A_137 : vector<32x1xi1>, vector<32x1xi32>
        scf.yield %select_n3A_149, %select_n3A_150 : vector<32x1xi32>, vector<32x1xi32>
      }
      %jit3A_100 = arith.constant 32768 : i32
      %broadcast_in_dim3A_101 = vector.broadcast %jit3A_100 : i32 to vector<32x1xi32>
      %select_n3A_102 = arith.select %gt3A_70, %scan3A_99#0, %broadcast_in_dim3A_101 : vector<32x1xi1>, vector<32x1xi32>
      %swap3A_103 = arith.constant 0 : index
      %swap3A_104 = arith.constant 0 : index
      %swap3A_105 = vector.load %arg3[%swap3A_103, %swap3A_104] : memref<32x1xi32, #tpu.memory_space<vmem>>, vector<32x1xi32>
      tpu.vector_store %arg3[%swap3A_103, %swap3A_104], %select_n3A_102 {strides = array<i32>} : memref<32x1xi32, #tpu.memory_space<vmem>>, vector<32x1xi32>,
    } else {
    }
    return
  }
  func.func @transform_0(%arg0: i32) -> (i32, i32) {
    %c0_i32 = arith.constant 0 : i32
    %c0_i32_0 = arith.constant 0 : i32
    %c0_i32_1 = arith.constant 0 : i32
    return %c0_i32, %c0_i32_0 : i32, i32
  }
  func.func @transform_1(%arg0: i32) -> (i32, i32) {
    %c0_i32 = arith.constant 0 : i32
    %c0_i32_0 = arith.constant 0 : i32
    %c0_i32_1 = arith.constant 0 : i32
    return %c0_i32, %c0_i32_0 : i32, i32
  }
  func.func @transform_2(%arg0: i32) -> (i32, i32) {
    %c0_i32 = arith.constant 0 : i32
    %c0_i32_0 = arith.constant 0 : i32
    %c0_i32_1 = arith.constant 0 : i32
    return %c0_i32, %c0_i32_0 : i32, i32
  }
}

module attributes {stable_mosaic.version = 14 : i64} {
  func.func @_search_body(%arg0: i32, %arg1: memref<32x32768xf32, #tpu.memory_space<vmem>>, %arg2: memref<32x1xf32, #tpu.memory_space<vmem>>, %arg3: memref<32x1xi32, #tpu.memory_space<vmem>>) attributes {dimension_semantics = [#tpu.dimension_semantics<arbitrary>], iteration_bounds = array<i64: 1>, scalar_prefetch = 0 : i64, scratch_operands = 0 : i64, tpu.core_type = #tpu.core_type<tc>, window_params = [{transform_indices = @transform_0, window_bounds = array<i64: 32, 32768>}, {pipeline_mode = #tpu.pipeline_mode<synchronous>, transform_indices = @transform_1, window_bounds = array<i64: 32, 1>}, {pipeline_mode = #tpu.pipeline_mode<synchronous>, transform_indices = @transform_2, window_bounds = array<i64: 32, 1>}]} {
    %get3A = arith.constant 0 : index
    %get3A_0 = arith.constant 0 : index
    %get3A_1 = vector.load %arg1[%get3A, %get3A_0] : memref<32x32768xf32, #tpu.memory_space<vmem>>, vector<32x32768xf32>
    %bitcast_convert_type3A = tpu.bitcast %get3A_1 : vector<32x32768xf32> -> vector<32x32768xi32>
    %shift_right_arithmetic3A = arith.constant 31 : i32
    %shift_right_arithmetic3A_2 = vector.broadcast %shift_right_arithmetic3A : i32 to vector<32x32768xi32>
    %shift_right_arithmetic3A_3 = arith.shrsi %bitcast_convert_type3A, %shift_right_arithmetic3A_2 : vector<32x32768xi32>
    %and3A = arith.constant 2147483647 : i32
    %and3A_4 = vector.broadcast %and3A : i32 to vector<32x32768xi32>
    %and3A_5 = arith.andi %shift_right_arithmetic3A_3, %and3A_4 : vector<32x32768xi32>
    %xor3A = arith.xori %bitcast_convert_type3A, %and3A_5 : vector<32x32768xi32>
    %broadcast_in_dim3A = arith.constant 1 : i32
    %broadcast_in_dim3A_6 = vector.broadcast %broadcast_in_dim3A : i32 to vector<32x1xi32>
    %ge3A = vector.broadcast %broadcast_in_dim3A_6 : vector<32x1xi32> to vector<32x32768xi32>
    %ge3A_7 = arith.cmpi sge, %xor3A, %ge3A : vector<32x32768xi32>
    %jit3A = arith.constant 1.000000e+00 : f32
    %jit3A_8 = arith.constant 0.000000e+00 : f32
    %broadcast_in_dim3A_9 = vector.broadcast %jit3A : f32 to vector<32x32768xf32>
    %broadcast_in_dim3A_10 = vector.broadcast %jit3A_8 : f32 to vector<32x32768xf32>
    %select_n3A = arith.select %ge3A_7, %broadcast_in_dim3A_9, %broadcast_in_dim3A_10 : vector<32x32768xi1>, vector<32x32768xf32>
    %reduce_sum3A = arith.constant dense<0.000000e+00> : vector<32xf32>
    %reduce_sum3A_11 = vector.multi_reduction <add>, %select_n3A, %reduce_sum3A [1] : vector<32x32768xf32> to vector<32xf32>
    %broadcast_in_dim3A_12 = vector.shape_cast %reduce_sum3A_11 : vector<32xf32> to vector<32x1xf32>
    %reshape3A = vector.shape_cast %xor3A : vector<32x32768xi32> to vector<32x256x128xi32>
    %reduce_max3A = arith.constant dense<-2147483648> : vector<32x128xi32>
    %reduce_max3A_13 = vector.multi_reduction <maxsi>, %reshape3A, %reduce_max3A [1] : vector<32x256x128xi32> to vector<32x128xi32>
    %reduce_max3A_14 = arith.constant dense<-2147483648> : vector<32xi32>
    %reduce_max3A_15 = vector.multi_reduction <maxsi>, %reduce_max3A_13, %reduce_max3A_14 [1] : vector<32x128xi32> to vector<32xi32>
    %broadcast_in_dim3A_16 = vector.shape_cast %reduce_max3A_15 : vector<32xi32> to vector<32x1xi32>
    %add3A = arith.constant 1 : i32
    %add3A_17 = vector.broadcast %add3A : i32 to vector<32x1xi32>
    %add3A_18 = arith.addi %broadcast_in_dim3A_16, %add3A_17 : vector<32x1xi32>
    %add3A_19 = arith.constant 1 : i32
    %add3A_20 = vector.broadcast %add3A_19 : i32 to vector<32x1xi32>
    %add3A_21 = arith.addi %broadcast_in_dim3A_6, %add3A_20 : vector<32x1xi32>
    %max3A = arith.maxsi %add3A_18, %add3A_21 : vector<32x1xi32>
    %scan3A = arith.constant 6.400000e+01 : f32
    %scan3A_22 = arith.constant 0 : i32
    %scan3A_23 = arith.constant 9 : i32
    %scan3A_24 = arith.addi %scan3A_22, %scan3A_23 : i32
    %scan3A_25 = arith.constant 1 : i32
    %scan3A_26:2 = scf.for %scan3A_69 = %scan3A_22 to %scan3A_24 step %scan3A_25 iter_args(%scan3A_70 = %broadcast_in_dim3A_6, %scan3A_71 = %max3A) -> (vector<32x1xi32>, vector<32x1xi32>)  : i32 {
      %sub3A = arith.subi %scan3A_71, %scan3A_70 : vector<32x1xi32>
      %jit3A_72 = arith.constant 4 : i32
      %div3A = vector.broadcast %jit3A_72 : i32 to vector<32x1xi32>
      %div3A_73 = arith.divsi %sub3A, %div3A : vector<32x1xi32>
      %sign3A = arith.constant 0 : i32
      %sign3A_74 = vector.broadcast %sign3A : i32 to vector<32x1xi32>
      %sign3A_75 = arith.cmpi sgt, %sub3A, %sign3A_74 : vector<32x1xi32>
      %sign3A_76 = arith.extui %sign3A_75 : vector<32x1xi1> to vector<32x1xi32>
      %sign3A_77 = arith.constant 0 : i32
      %sign3A_78 = vector.broadcast %sign3A_77 : i32 to vector<32x1xi32>
      %sign3A_79 = arith.cmpi slt, %sub3A, %sign3A_78 : vector<32x1xi32>
      %sign3A_80 = arith.extui %sign3A_79 : vector<32x1xi1> to vector<32x1xi32>
      %sign3A_81 = arith.subi %sign3A_76, %sign3A_80 : vector<32x1xi32>
      %sign3A_82 = arith.constant 0 : i32
      %sign3A_83 = arith.cmpi sgt, %jit3A_72, %sign3A_82 : i32
      %sign3A_84 = arith.extui %sign3A_83 : i1 to i32
      %sign3A_85 = arith.constant 0 : i32
      %sign3A_86 = arith.cmpi slt, %jit3A_72, %sign3A_85 : i32
      %sign3A_87 = arith.extui %sign3A_86 : i1 to i32
      %sign3A_88 = arith.subi %sign3A_84, %sign3A_87 : i32
      %ne3A = vector.broadcast %sign3A_88 : i32 to vector<32x1xi32>
      %ne3A_89 = arith.cmpi ne, %sign3A_81, %ne3A : vector<32x1xi32>
      %rem3A = vector.broadcast %jit3A_72 : i32 to vector<32x1xi32>
      %rem3A_90 = arith.remsi %sub3A, %rem3A : vector<32x1xi32>
      %ne3A_91 = arith.constant 0 : i32
      %ne3A_92 = vector.broadcast %ne3A_91 : i32 to vector<32x1xi32>
      %ne3A_93 = arith.cmpi ne, %rem3A_90, %ne3A_92 : vector<32x1xi32>
      %and3A_94 = arith.andi %ne3A_89, %ne3A_93 : vector<32x1xi1>
      %sub3A_95 = arith.constant 1 : i32
      %sub3A_96 = vector.broadcast %sub3A_95 : i32 to vector<32x1xi32>
      %sub3A_97 = arith.subi %div3A_73, %sub3A_96 : vector<32x1xi32>
      %select_n3A_98 = arith.select %and3A_94, %sub3A_97, %div3A_73 : vector<32x1xi1>, vector<32x1xi32>
      %add3A_99 = arith.addi %scan3A_70, %select_n3A_98 : vector<32x1xi32>
      %mul3A = arith.constant 2 : i32
      %mul3A_100 = vector.broadcast %mul3A : i32 to vector<32x1xi32>
      %mul3A_101 = arith.muli %mul3A_100, %select_n3A_98 : vector<32x1xi32>
      %add3A_102 = arith.addi %scan3A_70, %mul3A_101 : vector<32x1xi32>
      %add3A_103 = arith.constant 1 : i32
      %add3A_104 = vector.broadcast %add3A_103 : i32 to vector<32x1xi32>
      %add3A_105 = arith.addi %scan3A_70, %add3A_104 : vector<32x1xi32>
      %max3A_106 = arith.maxsi %add3A_102, %add3A_105 : vector<32x1xi32>
      %mul3A_107 = arith.constant 3 : i32
      %mul3A_108 = vector.broadcast %mul3A_107 : i32 to vector<32x1xi32>
      %mul3A_109 = arith.muli %mul3A_108, %select_n3A_98 : vector<32x1xi32>
      %add3A_110 = arith.addi %scan3A_70, %mul3A_109 : vector<32x1xi32>
      %max3A_111 = arith.maxsi %add3A_110, %max3A_106 : vector<32x1xi32>
      %ge3A_112 = vector.broadcast %add3A_99 : vector<32x1xi32> to vector<32x128xi32>
      %ge3A_113 = arith.cmpi sge, %reduce_max3A_13, %ge3A_112 : vector<32x128xi32>
      %jit3A_114 = arith.constant 1.000000e+00 : f32
      %jit3A_115 = arith.constant 0.000000e+00 : f32
      %broadcast_in_dim3A_116 = vector.broadcast %jit3A_114 : f32 to vector<32x128xf32>
      %broadcast_in_dim3A_117 = vector.broadcast %jit3A_115 : f32 to vector<32x128xf32>
      %select_n3A_118 = arith.select %ge3A_113, %broadcast_in_dim3A_116, %broadcast_in_dim3A_117 : vector<32x128xi1>, vector<32x128xf32>
      %reduce_sum3A_119 = arith.constant dense<0.000000e+00> : vector<32xf32>
      %reduce_sum3A_120 = vector.multi_reduction <add>, %select_n3A_118, %reduce_sum3A_119 [1] : vector<32x128xf32> to vector<32xf32>
      %broadcast_in_dim3A_121 = vector.shape_cast %reduce_sum3A_120 : vector<32xf32> to vector<32x1xf32>
      %ge3A_122 = vector.broadcast %max3A_106 : vector<32x1xi32> to vector<32x128xi32>
      %ge3A_123 = arith.cmpi sge, %reduce_max3A_13, %ge3A_122 : vector<32x128xi32>
      %jit3A_124 = arith.constant 1.000000e+00 : f32
      %jit3A_125 = arith.constant 0.000000e+00 : f32
      %broadcast_in_dim3A_126 = vector.broadcast %jit3A_124 : f32 to vector<32x128xf32>
      %broadcast_in_dim3A_127 = vector.broadcast %jit3A_125 : f32 to vector<32x128xf32>
      %select_n3A_128 = arith.select %ge3A_123, %broadcast_in_dim3A_126, %broadcast_in_dim3A_127 : vector<32x128xi1>, vector<32x128xf32>
      %reduce_sum3A_129 = arith.constant dense<0.000000e+00> : vector<32xf32>
      %reduce_sum3A_130 = vector.multi_reduction <add>, %select_n3A_128, %reduce_sum3A_129 [1] : vector<32x128xf32> to vector<32xf32>
      %broadcast_in_dim3A_131 = vector.shape_cast %reduce_sum3A_130 : vector<32xf32> to vector<32x1xf32>
      %ge3A_132 = vector.broadcast %max3A_111 : vector<32x1xi32> to vector<32x128xi32>
      %ge3A_133 = arith.cmpi sge, %reduce_max3A_13, %ge3A_132 : vector<32x128xi32>
      %jit3A_134 = arith.constant 1.000000e+00 : f32
      %jit3A_135 = arith.constant 0.000000e+00 : f32
      %broadcast_in_dim3A_136 = vector.broadcast %jit3A_134 : f32 to vector<32x128xf32>
      %broadcast_in_dim3A_137 = vector.broadcast %jit3A_135 : f32 to vector<32x128xf32>
      %select_n3A_138 = arith.select %ge3A_133, %broadcast_in_dim3A_136, %broadcast_in_dim3A_137 : vector<32x128xi1>, vector<32x128xf32>
      %reduce_sum3A_139 = arith.constant dense<0.000000e+00> : vector<32xf32>
      %reduce_sum3A_140 = vector.multi_reduction <add>, %select_n3A_138, %reduce_sum3A_139 [1] : vector<32x128xf32> to vector<32xf32>
      %broadcast_in_dim3A_141 = vector.shape_cast %reduce_sum3A_140 : vector<32xf32> to vector<32x1xf32>
      %ge3A_142 = vector.broadcast %scan3A : f32 to vector<32x1xf32>
      %ge3A_143 = arith.cmpf oge, %broadcast_in_dim3A_121, %ge3A_142 : vector<32x1xf32>
      %select_n3A_144 = arith.select %ge3A_143, %add3A_99, %scan3A_70 : vector<32x1xi1>, vector<32x1xi32>
      %ge3A_145 = vector.broadcast %scan3A : f32 to vector<32x1xf32>
      %ge3A_146 = arith.cmpf oge, %broadcast_in_dim3A_131, %ge3A_145 : vector<32x1xf32>
      %select_n3A_147 = arith.select %ge3A_146, %max3A_106, %select_n3A_144 : vector<32x1xi1>, vector<32x1xi32>
      %ge3A_148 = vector.broadcast %scan3A : f32 to vector<32x1xf32>
      %ge3A_149 = arith.cmpf oge, %broadcast_in_dim3A_141, %ge3A_148 : vector<32x1xf32>
      %select_n3A_150 = arith.select %ge3A_149, %max3A_111, %select_n3A_147 : vector<32x1xi1>, vector<32x1xi32>
      %lt3A = vector.broadcast %scan3A : f32 to vector<32x1xf32>
      %lt3A_151 = arith.cmpf olt, %broadcast_in_dim3A_141, %lt3A : vector<32x1xf32>
      %select_n3A_152 = arith.select %lt3A_151, %max3A_111, %scan3A_71 : vector<32x1xi1>, vector<32x1xi32>
      %lt3A_153 = vector.broadcast %scan3A : f32 to vector<32x1xf32>
      %lt3A_154 = arith.cmpf olt, %broadcast_in_dim3A_131, %lt3A_153 : vector<32x1xf32>
      %select_n3A_155 = arith.select %lt3A_154, %max3A_106, %select_n3A_152 : vector<32x1xi1>, vector<32x1xi32>
      %lt3A_156 = vector.broadcast %scan3A : f32 to vector<32x1xf32>
      %lt3A_157 = arith.cmpf olt, %broadcast_in_dim3A_121, %lt3A_156 : vector<32x1xf32>
      %select_n3A_158 = arith.select %lt3A_157, %add3A_99, %select_n3A_155 : vector<32x1xi1>, vector<32x1xi32>
      scf.yield %select_n3A_150, %select_n3A_158 : vector<32x1xi32>, vector<32x1xi32>
    }
    %le3A = arith.constant 6.400000e+01 : f32
    %le3A_27 = vector.broadcast %le3A : f32 to vector<32x1xf32>
    %le3A_28 = arith.cmpf ole, %broadcast_in_dim3A_12, %le3A_27 : vector<32x1xf32>
    %jit3A_29 = arith.constant 1 : i32
    %jit3A_30 = arith.constant 0 : i32
    %broadcast_in_dim3A_31 = vector.broadcast %jit3A_29 : i32 to vector<32x1xi32>
    %broadcast_in_dim3A_32 = vector.broadcast %jit3A_30 : i32 to vector<32x1xi32>
    %select_n3A_33 = arith.select %le3A_28, %broadcast_in_dim3A_31, %broadcast_in_dim3A_32 : vector<32x1xi1>, vector<32x1xi32>
    %max3A_34 = arith.maxsi %scan3A_26#0, %broadcast_in_dim3A_6 : vector<32x1xi32>
    %while3A = arith.constant 6.400000e+01 : f32
    %while3A_35:3 = scf.while (%while3A_69 = %max3A_34, %while3A_70 = %max3A, %while3A_71 = %select_n3A_33) : (vector<32x1xi32>, vector<32x1xi32>, vector<32x1xi32>) -> (vector<32x1xi32>, vector<32x1xi32>, vector<32x1xi32>) {
      %reduce_min3A = vector.shape_cast %while3A_71 : vector<32x1xi32> to vector<1x32x1xi32>
      %reduce_min3A_72 = arith.constant dense<2147483647> : vector<1xi32>
      %reduce_min3A_73 = vector.multi_reduction <minsi>, %reduce_min3A, %reduce_min3A_72 [1, 2] : vector<1x32x1xi32> to vector<1xi32>
      %reduce_min3A_74 = vector.shape_cast %reduce_min3A_73 : vector<1xi32> to vector<1x1x1xi32>
      %reduce_min3A_75 = vector.extract %reduce_min3A_74[0, 0, 0] : i32 from vector<1x1x1xi32>
      %lt3A = arith.constant 1 : i32
      %lt3A_76 = arith.cmpi slt, %reduce_min3A_75, %lt3A : i32
      scf.condition(%lt3A_76) %while3A_69, %while3A_70, %while3A_71 : vector<32x1xi32>, vector<32x1xi32>, vector<32x1xi32>
    } do {
    ^bb0(%while3A_69: vector<32x1xi32>, %while3A_70: vector<32x1xi32>, %while3A_71: vector<32x1xi32>):
      %sub3A = arith.subi %while3A_70, %while3A_69 : vector<32x1xi32>
      %jit3A_72 = arith.constant 4 : i32
      %div3A = vector.broadcast %jit3A_72 : i32 to vector<32x1xi32>
      %div3A_73 = arith.divsi %sub3A, %div3A : vector<32x1xi32>
      %sign3A = arith.constant 0 : i32
      %sign3A_74 = vector.broadcast %sign3A : i32 to vector<32x1xi32>
      %sign3A_75 = arith.cmpi sgt, %sub3A, %sign3A_74 : vector<32x1xi32>
      %sign3A_76 = arith.extui %sign3A_75 : vector<32x1xi1> to vector<32x1xi32>
      %sign3A_77 = arith.constant 0 : i32
      %sign3A_78 = vector.broadcast %sign3A_77 : i32 to vector<32x1xi32>
      %sign3A_79 = arith.cmpi slt, %sub3A, %sign3A_78 : vector<32x1xi32>
      %sign3A_80 = arith.extui %sign3A_79 : vector<32x1xi1> to vector<32x1xi32>
      %sign3A_81 = arith.subi %sign3A_76, %sign3A_80 : vector<32x1xi32>
      %sign3A_82 = arith.constant 0 : i32
      %sign3A_83 = arith.cmpi sgt, %jit3A_72, %sign3A_82 : i32
      %sign3A_84 = arith.extui %sign3A_83 : i1 to i32
      %sign3A_85 = arith.constant 0 : i32
      %sign3A_86 = arith.cmpi slt, %jit3A_72, %sign3A_85 : i32
      %sign3A_87 = arith.extui %sign3A_86 : i1 to i32
      %sign3A_88 = arith.subi %sign3A_84, %sign3A_87 : i32
      %ne3A = vector.broadcast %sign3A_88 : i32 to vector<32x1xi32>
      %ne3A_89 = arith.cmpi ne, %sign3A_81, %ne3A : vector<32x1xi32>
      %rem3A = vector.broadcast %jit3A_72 : i32 to vector<32x1xi32>
      %rem3A_90 = arith.remsi %sub3A, %rem3A : vector<32x1xi32>
      %ne3A_91 = arith.constant 0 : i32
      %ne3A_92 = vector.broadcast %ne3A_91 : i32 to vector<32x1xi32>
      %ne3A_93 = arith.cmpi ne, %rem3A_90, %ne3A_92 : vector<32x1xi32>
      %and3A_94 = arith.andi %ne3A_89, %ne3A_93 : vector<32x1xi1>
      %sub3A_95 = arith.constant 1 : i32
      %sub3A_96 = vector.broadcast %sub3A_95 : i32 to vector<32x1xi32>
      %sub3A_97 = arith.subi %div3A_73, %sub3A_96 : vector<32x1xi32>
      %select_n3A_98 = arith.select %and3A_94, %sub3A_97, %div3A_73 : vector<32x1xi1>, vector<32x1xi32>
      %add3A_99 = arith.addi %while3A_69, %select_n3A_98 : vector<32x1xi32>
      %mul3A = arith.constant 2 : i32
      %mul3A_100 = vector.broadcast %mul3A : i32 to vector<32x1xi32>
      %mul3A_101 = arith.muli %mul3A_100, %select_n3A_98 : vector<32x1xi32>
      %add3A_102 = arith.addi %while3A_69, %mul3A_101 : vector<32x1xi32>
      %add3A_103 = arith.constant 1 : i32
      %add3A_104 = vector.broadcast %add3A_103 : i32 to vector<32x1xi32>
      %add3A_105 = arith.addi %while3A_69, %add3A_104 : vector<32x1xi32>
      %max3A_106 = arith.maxsi %add3A_102, %add3A_105 : vector<32x1xi32>
      %mul3A_107 = arith.constant 3 : i32
      %mul3A_108 = vector.broadcast %mul3A_107 : i32 to vector<32x1xi32>
      %mul3A_109 = arith.muli %mul3A_108, %select_n3A_98 : vector<32x1xi32>
      %add3A_110 = arith.addi %while3A_69, %mul3A_109 : vector<32x1xi32>
      %max3A_111 = arith.maxsi %add3A_110, %max3A_106 : vector<32x1xi32>
      %ge3A_112 = vector.broadcast %add3A_99 : vector<32x1xi32> to vector<32x32768xi32>
      %ge3A_113 = arith.cmpi sge, %xor3A, %ge3A_112 : vector<32x32768xi32>
      %jit3A_114 = arith.constant 1.000000e+00 : f32
      %jit3A_115 = arith.constant 0.000000e+00 : f32
      %broadcast_in_dim3A_116 = vector.broadcast %jit3A_114 : f32 to vector<32x32768xf32>
      %broadcast_in_dim3A_117 = vector.broadcast %jit3A_115 : f32 to vector<32x32768xf32>
      %select_n3A_118 = arith.select %ge3A_113, %broadcast_in_dim3A_116, %broadcast_in_dim3A_117 : vector<32x32768xi1>, vector<32x32768xf32>
      %reduce_sum3A_119 = arith.constant dense<0.000000e+00> : vector<32xf32>
      %reduce_sum3A_120 = vector.multi_reduction <add>, %select_n3A_118, %reduce_sum3A_119 [1] : vector<32x32768xf32> to vector<32xf32>
      %broadcast_in_dim3A_121 = vector.shape_cast %reduce_sum3A_120 : vector<32xf32> to vector<32x1xf32>
      %ge3A_122 = vector.broadcast %max3A_106 : vector<32x1xi32> to vector<32x32768xi32>
      %ge3A_123 = arith.cmpi sge, %xor3A, %ge3A_122 : vector<32x32768xi32>
      %jit3A_124 = arith.constant 1.000000e+00 : f32
      %jit3A_125 = arith.constant 0.000000e+00 : f32
      %broadcast_in_dim3A_126 = vector.broadcast %jit3A_124 : f32 to vector<32x32768xf32>
      %broadcast_in_dim3A_127 = vector.broadcast %jit3A_125 : f32 to vector<32x32768xf32>
      %select_n3A_128 = arith.select %ge3A_123, %broadcast_in_dim3A_126, %broadcast_in_dim3A_127 : vector<32x32768xi1>, vector<32x32768xf32>
      %reduce_sum3A_129 = arith.constant dense<0.000000e+00> : vector<32xf32>
      %reduce_sum3A_130 = vector.multi_reduction <add>, %select_n3A_128, %reduce_sum3A_129 [1] : vector<32x32768xf32> to vector<32xf32>
      %broadcast_in_dim3A_131 = vector.shape_cast %reduce_sum3A_130 : vector<32xf32> to vector<32x1xf32>
      %ge3A_132 = vector.broadcast %max3A_111 : vector<32x1xi32> to vector<32x32768xi32>
      %ge3A_133 = arith.cmpi sge, %xor3A, %ge3A_132 : vector<32x32768xi32>
      %jit3A_134 = arith.constant 1.000000e+00 : f32
      %jit3A_135 = arith.constant 0.000000e+00 : f32
      %broadcast_in_dim3A_136 = vector.broadcast %jit3A_134 : f32 to vector<32x32768xf32>
      %broadcast_in_dim3A_137 = vector.broadcast %jit3A_135 : f32 to vector<32x32768xf32>
      %select_n3A_138 = arith.select %ge3A_133, %broadcast_in_dim3A_136, %broadcast_in_dim3A_137 : vector<32x32768xi1>, vector<32x32768xf32>
      %reduce_sum3A_139 = arith.constant dense<0.000000e+00> : vector<32xf32>
      %reduce_sum3A_140 = vector.multi_reduction <add>, %select_n3A_138, %reduce_sum3A_139 [1] : vector<32x32768xf32> to vector<32xf32>
      %broadcast_in_dim3A_141 = vector.shape_cast %reduce_sum3A_140 : vector<32xf32> to vector<32x1xf32>
      %lt3A = arith.constant 1 : i32
      %lt3A_142 = vector.broadcast %lt3A : i32 to vector<32x1xi32>
      %lt3A_143 = arith.cmpi slt, %while3A_71, %lt3A_142 : vector<32x1xi32>
      %ge3A_144 = vector.broadcast %while3A : f32 to vector<32x1xf32>
      %ge3A_145 = arith.cmpf oge, %broadcast_in_dim3A_121, %ge3A_144 : vector<32x1xf32>
      %and3A_146 = arith.andi %lt3A_143, %ge3A_145 : vector<32x1xi1>
      %select_n3A_147 = arith.select %and3A_146, %add3A_99, %while3A_69 : vector<32x1xi1>, vector<32x1xi32>
      %ge3A_148 = vector.broadcast %while3A : f32 to vector<32x1xf32>
      %ge3A_149 = arith.cmpf oge, %broadcast_in_dim3A_131, %ge3A_148 : vector<32x1xf32>
      %and3A_150 = arith.andi %lt3A_143, %ge3A_149 : vector<32x1xi1>
      %select_n3A_151 = arith.select %and3A_150, %max3A_106, %select_n3A_147 : vector<32x1xi1>, vector<32x1xi32>
      %ge3A_152 = vector.broadcast %while3A : f32 to vector<32x1xf32>
      %ge3A_153 = arith.cmpf oge, %broadcast_in_dim3A_141, %ge3A_152 : vector<32x1xf32>
      %and3A_154 = arith.andi %lt3A_143, %ge3A_153 : vector<32x1xi1>
      %select_n3A_155 = arith.select %and3A_154, %max3A_111, %select_n3A_151 : vector<32x1xi1>, vector<32x1xi32>
      %lt3A_156 = vector.broadcast %while3A : f32 to vector<32x1xf32>
      %lt3A_157 = arith.cmpf olt, %broadcast_in_dim3A_141, %lt3A_156 : vector<32x1xf32>
      %and3A_158 = arith.andi %lt3A_143, %lt3A_157 : vector<32x1xi1>
      %select_n3A_159 = arith.select %and3A_158, %max3A_111, %while3A_70 : vector<32x1xi1>, vector<32x1xi32>
      %lt3A_160 = vector.broadcast %while3A : f32 to vector<32x1xf32>
      %lt3A_161 = arith.cmpf olt, %broadcast_in_dim3A_131, %lt3A_160 : vector<32x1xf32>
      %and3A_162 = arith.andi %lt3A_143, %lt3A_161 : vector<32x1xi1>
      %select_n3A_163 = arith.select %and3A_162, %max3A_106, %select_n3A_159 : vector<32x1xi1>, vector<32x1xi32>
      %lt3A_164 = vector.broadcast %while3A : f32 to vector<32x1xf32>
      %lt3A_165 = arith.cmpf olt, %broadcast_in_dim3A_121, %lt3A_164 : vector<32x1xf32>
      %and3A_166 = arith.andi %lt3A_143, %lt3A_165 : vector<32x1xi1>
      %select_n3A_167 = arith.select %and3A_166, %add3A_99, %select_n3A_163 : vector<32x1xi1>, vector<32x1xi32>
      %eq3A = vector.broadcast %while3A : f32 to vector<32x1xf32>
      %eq3A_168 = arith.cmpf oeq, %broadcast_in_dim3A_121, %eq3A : vector<32x1xf32>
      %and3A_169 = arith.andi %lt3A_143, %eq3A_168 : vector<32x1xi1>
      %select_n3A_170 = arith.select %and3A_169, %add3A_99, %select_n3A_155 : vector<32x1xi1>, vector<32x1xi32>
      %eq3A_171 = vector.broadcast %while3A : f32 to vector<32x1xf32>
      %eq3A_172 = arith.cmpf oeq, %broadcast_in_dim3A_131, %eq3A_171 : vector<32x1xf32>
      %and3A_173 = arith.andi %lt3A_143, %eq3A_172 : vector<32x1xi1>
      %select_n3A_174 = arith.select %and3A_173, %max3A_106, %select_n3A_170 : vector<32x1xi1>, vector<32x1xi32>
      %eq3A_175 = vector.broadcast %while3A : f32 to vector<32x1xf32>
      %eq3A_176 = arith.cmpf oeq, %broadcast_in_dim3A_141, %eq3A_175 : vector<32x1xf32>
      %and3A_177 = arith.andi %lt3A_143, %eq3A_176 : vector<32x1xi1>
      %select_n3A_178 = arith.select %and3A_177, %max3A_111, %select_n3A_174 : vector<32x1xi1>, vector<32x1xi32>
      %eq3A_179 = vector.broadcast %while3A : f32 to vector<32x1xf32>
      %eq3A_180 = arith.cmpf oeq, %broadcast_in_dim3A_121, %eq3A_179 : vector<32x1xf32>
      %eq3A_181 = vector.broadcast %while3A : f32 to vector<32x1xf32>
      %eq3A_182 = arith.cmpf oeq, %broadcast_in_dim3A_131, %eq3A_181 : vector<32x1xf32>
      %or3A = arith.ori %eq3A_180, %eq3A_182 : vector<32x1xi1>
      %eq3A_183 = vector.broadcast %while3A : f32 to vector<32x1xf32>
      %eq3A_184 = arith.cmpf oeq, %broadcast_in_dim3A_141, %eq3A_183 : vector<32x1xf32>
      %or3A_185 = arith.ori %or3A, %eq3A_184 : vector<32x1xi1>
      %sub3A_186 = arith.subi %select_n3A_167, %select_n3A_178 : vector<32x1xi32>
      %le3A_187 = arith.constant 1 : i32
      %le3A_188 = vector.broadcast %le3A_187 : i32 to vector<32x1xi32>
      %le3A_189 = arith.cmpi sle, %sub3A_186, %le3A_188 : vector<32x1xi32>
      %or3A_190 = arith.ori %or3A_185, %le3A_189 : vector<32x1xi1>
      %jit3A_191 = arith.constant 1 : i32
      %jit3A_192 = arith.constant 0 : i32
      %broadcast_in_dim3A_193 = vector.broadcast %jit3A_191 : i32 to vector<32x1xi32>
      %broadcast_in_dim3A_194 = vector.broadcast %jit3A_192 : i32 to vector<32x1xi32>
      %select_n3A_195 = arith.select %or3A_190, %broadcast_in_dim3A_193, %broadcast_in_dim3A_194 : vector<32x1xi1>, vector<32x1xi32>
      %max3A_196 = arith.maxsi %while3A_71, %select_n3A_195 : vector<32x1xi32>
      scf.yield %select_n3A_178, %select_n3A_167, %max3A_196 : vector<32x1xi32>, vector<32x1xi32>, vector<32x1xi32>
    }
    %ge3A_36 = vector.broadcast %while3A_35#0 : vector<32x1xi32> to vector<32x32768xi32>
    %ge3A_37 = arith.cmpi sge, %xor3A, %ge3A_36 : vector<32x32768xi32>
    %jit3A_38 = arith.constant 1.000000e+00 : f32
    %jit3A_39 = arith.constant 0.000000e+00 : f32
    %broadcast_in_dim3A_40 = vector.broadcast %jit3A_38 : f32 to vector<32x32768xf32>
    %broadcast_in_dim3A_41 = vector.broadcast %jit3A_39 : f32 to vector<32x32768xf32>
    %select_n3A_42 = arith.select %ge3A_37, %broadcast_in_dim3A_40, %broadcast_in_dim3A_41 : vector<32x32768xi1>, vector<32x32768xf32>
    %reduce_sum3A_43 = arith.constant dense<0.000000e+00> : vector<32xf32>
    %reduce_sum3A_44 = vector.multi_reduction <add>, %select_n3A_42, %reduce_sum3A_43 [1] : vector<32x32768xf32> to vector<32xf32>
    %broadcast_in_dim3A_45 = vector.shape_cast %reduce_sum3A_44 : vector<32xf32> to vector<32x1xf32>
    %gt3A = arith.constant 6.400000e+01 : f32
    %gt3A_46 = vector.broadcast %gt3A : f32 to vector<32x1xf32>
    %gt3A_47 = arith.cmpf ogt, %broadcast_in_dim3A_45, %gt3A_46 : vector<32x1xf32>
    %reduce_or3A = arith.constant 1.000000e+00 : f32
    %reduce_or3A_48 = arith.constant 0.000000e+00 : f32
    %reduce_or3A_49 = vector.broadcast %reduce_or3A : f32 to vector<32x1xf32>
    %reduce_or3A_50 = vector.broadcast %reduce_or3A_48 : f32 to vector<32x1xf32>
    %reduce_or3A_51 = arith.select %gt3A_47, %reduce_or3A_49, %reduce_or3A_50 : vector<32x1xi1>, vector<32x1xf32>
    %reduce_or3A_52 = vector.shape_cast %reduce_or3A_51 : vector<32x1xf32> to vector<1x32x1xf32>
    %reduce_or3A_53 = arith.constant dense<0xFF800000> : vector<1xf32>
    %reduce_or3A_54 = vector.multi_reduction <maximumf>, %reduce_or3A_52, %reduce_or3A_53 [1, 2] : vector<1x32x1xf32> to vector<1xf32>
    %reduce_or3A_55 = vector.shape_cast %reduce_or3A_54 : vector<1xf32> to vector<1x1x1xf32>
    %reduce_or3A_56 = vector.extract %reduce_or3A_55[0, 0, 0] : f32 from vector<1x1x1xf32>
    %reduce_or3A_57 = arith.constant 0.000000e+00 : f32
    %reduce_or3A_58 = arith.cmpf ogt, %reduce_or3A_56, %reduce_or3A_57 : f32
    %bitcast_convert_type3A_59 = tpu.bitcast %while3A_35#0 : vector<32x1xi32> -> vector<32x1xf32>
    %swap3A = arith.constant 0 : index
    %swap3A_60 = arith.constant 0 : index
    %swap3A_61 = vector.load %arg2[%swap3A, %swap3A_60] : memref<32x1xf32, #tpu.memory_space<vmem>>, vector<32x1xf32>
    tpu.vector_store %arg2[%swap3A, %swap3A_60], %bitcast_convert_type3A_59 {strides = array<i32>} : memref<32x1xf32, #tpu.memory_space<vmem>>, vector<32x1xf32>,
    %broadcast_in_dim3A_62 = arith.constant 32768 : i32
    %broadcast_in_dim3A_63 = vector.broadcast %broadcast_in_dim3A_62 : i32 to vector<32x1xi32>
    %swap3A_64 = arith.constant 0 : index
    %swap3A_65 = arith.constant 0 : index
    %swap3A_66 = vector.load %arg3[%swap3A_64, %swap3A_65] : memref<32x1xi32, #tpu.memory_space<vmem>>, vector<32x1xi32>
    tpu.vector_store %arg3[%swap3A_64, %swap3A_65], %broadcast_in_dim3A_63 {strides = array<i32>} : memref<32x1xi32, #tpu.memory_space<vmem>>, vector<32x1xi32>,
    %convert_element_type3A = arith.extui %reduce_or3A_58 : i1 to i32
    %cond3A = arith.constant 6.400000e+01 : f32
    %cond3A_67 = arith.constant 0 : i32
    %cond3A_68 = arith.cmpi ne, %convert_element_type3A, %cond3A_67 : i32
    scf.if %cond3A_68 {
      %gt3A_69 = vector.broadcast %cond3A : f32 to vector<32x1xf32>
      %gt3A_70 = arith.cmpf ogt, %broadcast_in_dim3A_45, %gt3A_69 : vector<32x1xf32>
      %add3A_71 = arith.constant 1 : i32
      %add3A_72 = vector.broadcast %add3A_71 : i32 to vector<32x1xi32>
      %add3A_73 = arith.addi %while3A_35#0, %add3A_72 : vector<32x1xi32>
      %ge3A_74 = vector.broadcast %add3A_73 : vector<32x1xi32> to vector<32x32768xi32>
      %ge3A_75 = arith.cmpi sge, %xor3A, %ge3A_74 : vector<32x32768xi32>
      %jit3A_76 = arith.constant 1.000000e+00 : f32
      %jit3A_77 = arith.constant 0.000000e+00 : f32
      %broadcast_in_dim3A_78 = vector.broadcast %jit3A_76 : f32 to vector<32x32768xf32>
      %broadcast_in_dim3A_79 = vector.broadcast %jit3A_77 : f32 to vector<32x32768xf32>
      %select_n3A_80 = arith.select %ge3A_75, %broadcast_in_dim3A_78, %broadcast_in_dim3A_79 : vector<32x32768xi1>, vector<32x32768xf32>
      %reduce_sum3A_81 = arith.constant dense<0.000000e+00> : vector<32xf32>
      %reduce_sum3A_82 = vector.multi_reduction <add>, %select_n3A_80, %reduce_sum3A_81 [1] : vector<32x32768xf32> to vector<32xf32>
      %broadcast_in_dim3A_83 = vector.shape_cast %reduce_sum3A_82 : vector<32xf32> to vector<32x1xf32>
      %sub3A = vector.broadcast %cond3A : f32 to vector<32x1xf32>
      %sub3A_84 = arith.subf %sub3A, %broadcast_in_dim3A_83 : vector<32x1xf32>
      %jit3A_85 = arith.constant 3.276800e+04 : f32
      %broadcast_in_dim3A_86 = vector.broadcast %jit3A_85 : f32 to vector<32x1xf32>
      %select_n3A_87 = arith.select %gt3A_70, %sub3A_84, %broadcast_in_dim3A_86 : vector<32x1xi1>, vector<32x1xf32>
      %eq3A = vector.broadcast %while3A_35#0 : vector<32x1xi32> to vector<32x32768xi32>
      %eq3A_88 = arith.cmpi eq, %xor3A, %eq3A : vector<32x32768xi32>
      %and3A_89 = vector.broadcast %gt3A_70 : vector<32x1xi1> to vector<32x32768xi1>
      %and3A_90 = arith.andi %eq3A_88, %and3A_89 : vector<32x32768xi1>
      %iota3A = tpu.iota {dimensions = array<i32: 1>} : vector<32x32768xi32>
      %broadcast_in_dim3A_91 = arith.constant 0 : i32
      %broadcast_in_dim3A_92 = vector.broadcast %broadcast_in_dim3A_91 : i32 to vector<32x1xi32>
      %broadcast_in_dim3A_93 = arith.constant 32769 : i32
      %broadcast_in_dim3A_94 = vector.broadcast %broadcast_in_dim3A_93 : i32 to vector<32x1xi32>
      %scan3A_95 = arith.constant 0 : i32
      %scan3A_96 = arith.constant 16 : i32
      %scan3A_97 = arith.addi %scan3A_95, %scan3A_96 : i32
      %scan3A_98 = arith.constant 1 : i32
      %scan3A_99:2 = scf.for %scan3A_106 = %scan3A_95 to %scan3A_97 step %scan3A_98 iter_args(%scan3A_107 = %broadcast_in_dim3A_92, %scan3A_108 = %broadcast_in_dim3A_94) -> (vector<32x1xi32>, vector<32x1xi32>)  : i32 {
        %sub3A_109 = arith.subi %scan3A_108, %scan3A_107 : vector<32x1xi32>
        %jit3A_110 = arith.constant 2 : i32
        %div3A = vector.broadcast %jit3A_110 : i32 to vector<32x1xi32>
        %div3A_111 = arith.divsi %sub3A_109, %div3A : vector<32x1xi32>
        %sign3A = arith.constant 0 : i32
        %sign3A_112 = vector.broadcast %sign3A : i32 to vector<32x1xi32>
        %sign3A_113 = arith.cmpi sgt, %sub3A_109, %sign3A_112 : vector<32x1xi32>
        %sign3A_114 = arith.extui %sign3A_113 : vector<32x1xi1> to vector<32x1xi32>
        %sign3A_115 = arith.constant 0 : i32
        %sign3A_116 = vector.broadcast %sign3A_115 : i32 to vector<32x1xi32>
        %sign3A_117 = arith.cmpi slt, %sub3A_109, %sign3A_116 : vector<32x1xi32>
        %sign3A_118 = arith.extui %sign3A_117 : vector<32x1xi1> to vector<32x1xi32>
        %sign3A_119 = arith.subi %sign3A_114, %sign3A_118 : vector<32x1xi32>
        %sign3A_120 = arith.constant 0 : i32
        %sign3A_121 = arith.cmpi sgt, %jit3A_110, %sign3A_120 : i32
        %sign3A_122 = arith.extui %sign3A_121 : i1 to i32
        %sign3A_123 = arith.constant 0 : i32
        %sign3A_124 = arith.cmpi slt, %jit3A_110, %sign3A_123 : i32
        %sign3A_125 = arith.extui %sign3A_124 : i1 to i32
        %sign3A_126 = arith.subi %sign3A_122, %sign3A_125 : i32
        %ne3A = vector.broadcast %sign3A_126 : i32 to vector<32x1xi32>
        %ne3A_127 = arith.cmpi ne, %sign3A_119, %ne3A : vector<32x1xi32>
        %rem3A = vector.broadcast %jit3A_110 : i32 to vector<32x1xi32>
        %rem3A_128 = arith.remsi %sub3A_109, %rem3A : vector<32x1xi32>
        %ne3A_129 = arith.constant 0 : i32
        %ne3A_130 = vector.broadcast %ne3A_129 : i32 to vector<32x1xi32>
        %ne3A_131 = arith.cmpi ne, %rem3A_128, %ne3A_130 : vector<32x1xi32>
        %and3A_132 = arith.andi %ne3A_127, %ne3A_131 : vector<32x1xi1>
        %sub3A_133 = arith.constant 1 : i32
        %sub3A_134 = vector.broadcast %sub3A_133 : i32 to vector<32x1xi32>
        %sub3A_135 = arith.subi %div3A_111, %sub3A_134 : vector<32x1xi32>
        %select_n3A_136 = arith.select %and3A_132, %sub3A_135, %div3A_111 : vector<32x1xi1>, vector<32x1xi32>
        %add3A_137 = arith.addi %scan3A_107, %select_n3A_136 : vector<32x1xi32>
        %lt3A = vector.broadcast %add3A_137 : vector<32x1xi32> to vector<32x32768xi32>
        %lt3A_138 = arith.cmpi slt, %iota3A, %lt3A : vector<32x32768xi32>
        %and3A_139 = arith.andi %and3A_90, %lt3A_138 : vector<32x32768xi1>
        %jit3A_140 = arith.constant 1.000000e+00 : f32
        %jit3A_141 = arith.constant 0.000000e+00 : f32
        %broadcast_in_dim3A_142 = vector.broadcast %jit3A_140 : f32 to vector<32x32768xf32>
        %broadcast_in_dim3A_143 = vector.broadcast %jit3A_141 : f32 to vector<32x32768xf32>
        %select_n3A_144 = arith.select %and3A_139, %broadcast_in_dim3A_142, %broadcast_in_dim3A_143 : vector<32x32768xi1>, vector<32x32768xf32>
        %reduce_sum3A_145 = arith.constant dense<0.000000e+00> : vector<32xf32>
        %reduce_sum3A_146 = vector.multi_reduction <add>, %select_n3A_144, %reduce_sum3A_145 [1] : vector<32x32768xf32> to vector<32xf32>
        %broadcast_in_dim3A_147 = vector.shape_cast %reduce_sum3A_146 : vector<32xf32> to vector<32x1xf32>
        %le3A_148 = arith.cmpf ole, %broadcast_in_dim3A_147, %select_n3A_87 : vector<32x1xf32>
        %select_n3A_149 = arith.select %le3A_148, %add3A_137, %scan3A_107 : vector<32x1xi1>, vector<32x1xi32>
        %select_n3A_150 = arith.select %le3A_148, %scan3A_108, %add3A_137 : vector<32x1xi1>, vector<32x1xi32>
        scf.yield %select_n3A_149, %select_n3A_150 : vector<32x1xi32>, vector<32x1xi32>
      }
      %jit3A_100 = arith.constant 32768 : i32
      %broadcast_in_dim3A_101 = vector.broadcast %jit3A_100 : i32 to vector<32x1xi32>
      %select_n3A_102 = arith.select %gt3A_70, %scan3A_99#0, %broadcast_in_dim3A_101 : vector<32x1xi1>, vector<32x1xi32>
      %swap3A_103 = arith.constant 0 : index
      %swap3A_104 = arith.constant 0 : index
      %swap3A_105 = vector.load %arg3[%swap3A_103, %swap3A_104] : memref<32x1xi32, #tpu.memory_space<vmem>>, vector<32x1xi32>
      tpu.vector_store %arg3[%swap3A_103, %swap3A_104], %select_n3A_102 {strides = array<i32>} : memref<32x1xi32, #tpu.memory_space<vmem>>, vector<32x1xi32>,
    } else {
    }
    return
  }
  func.func @transform_0(%arg0: i32) -> (i32, i32) {
    %c2_i32 = arith.constant 2 : i32
    %c0_i32 = arith.constant 0 : i32
    %c0_i32_0 = arith.constant 0 : i32
    return %c2_i32, %c0_i32 : i32, i32
  }
  func.func @transform_1(%arg0: i32) -> (i32, i32) {
    %c0_i32 = arith.constant 0 : i32
    %c0_i32_0 = arith.constant 0 : i32
    %c0_i32_1 = arith.constant 0 : i32
    return %c0_i32, %c0_i32_0 : i32, i32
  }
  func.func @transform_2(%arg0: i32) -> (i32, i32) {
    %c0_i32 = arith.constant 0 : i32
    %c0_i32_0 = arith.constant 0 : i32
    %c0_i32_1 = arith.constant 0 : i32
    return %c0_i32, %c0_i32_0 : i32, i32
  }
}

module attributes {stable_mosaic.version = 14 : i64} {
  func.func @_search_body(%arg0: i32, %arg1: memref<32x32768xf32, #tpu.memory_space<vmem>>, %arg2: memref<32x1xf32, #tpu.memory_space<vmem>>, %arg3: memref<32x1xi32, #tpu.memory_space<vmem>>) attributes {dimension_semantics = [#tpu.dimension_semantics<arbitrary>], iteration_bounds = array<i64: 1>, scalar_prefetch = 0 : i64, scratch_operands = 0 : i64, tpu.core_type = #tpu.core_type<tc>, window_params = [{transform_indices = @transform_0, window_bounds = array<i64: 32, 32768>}, {pipeline_mode = #tpu.pipeline_mode<synchronous>, transform_indices = @transform_1, window_bounds = array<i64: 32, 1>}, {pipeline_mode = #tpu.pipeline_mode<synchronous>, transform_indices = @transform_2, window_bounds = array<i64: 32, 1>}]} {
    %get3A = arith.constant 0 : index
    %get3A_0 = arith.constant 0 : index
    %get3A_1 = vector.load %arg1[%get3A, %get3A_0] : memref<32x32768xf32, #tpu.memory_space<vmem>>, vector<32x32768xf32>
    %bitcast_convert_type3A = tpu.bitcast %get3A_1 : vector<32x32768xf32> -> vector<32x32768xi32>
    %shift_right_arithmetic3A = arith.constant 31 : i32
    %shift_right_arithmetic3A_2 = vector.broadcast %shift_right_arithmetic3A : i32 to vector<32x32768xi32>
    %shift_right_arithmetic3A_3 = arith.shrsi %bitcast_convert_type3A, %shift_right_arithmetic3A_2 : vector<32x32768xi32>
    %and3A = arith.constant 2147483647 : i32
    %and3A_4 = vector.broadcast %and3A : i32 to vector<32x32768xi32>
    %and3A_5 = arith.andi %shift_right_arithmetic3A_3, %and3A_4 : vector<32x32768xi32>
    %xor3A = arith.xori %bitcast_convert_type3A, %and3A_5 : vector<32x32768xi32>
    %broadcast_in_dim3A = arith.constant 1 : i32
    %broadcast_in_dim3A_6 = vector.broadcast %broadcast_in_dim3A : i32 to vector<32x1xi32>
    %ge3A = vector.broadcast %broadcast_in_dim3A_6 : vector<32x1xi32> to vector<32x32768xi32>
    %ge3A_7 = arith.cmpi sge, %xor3A, %ge3A : vector<32x32768xi32>
    %jit3A = arith.constant 1.000000e+00 : f32
    %jit3A_8 = arith.constant 0.000000e+00 : f32
    %broadcast_in_dim3A_9 = vector.broadcast %jit3A : f32 to vector<32x32768xf32>
    %broadcast_in_dim3A_10 = vector.broadcast %jit3A_8 : f32 to vector<32x32768xf32>
    %select_n3A = arith.select %ge3A_7, %broadcast_in_dim3A_9, %broadcast_in_dim3A_10 : vector<32x32768xi1>, vector<32x32768xf32>
    %reduce_sum3A = arith.constant dense<0.000000e+00> : vector<32xf32>
    %reduce_sum3A_11 = vector.multi_reduction <add>, %select_n3A, %reduce_sum3A [1] : vector<32x32768xf32> to vector<32xf32>
    %broadcast_in_dim3A_12 = vector.shape_cast %reduce_sum3A_11 : vector<32xf32> to vector<32x1xf32>
    %reshape3A = vector.shape_cast %xor3A : vector<32x32768xi32> to vector<32x256x128xi32>
    %reduce_max3A = arith.constant dense<-2147483648> : vector<32x128xi32>
    %reduce_max3A_13 = vector.multi_reduction <maxsi>, %reshape3A, %reduce_max3A [1] : vector<32x256x128xi32> to vector<32x128xi32>
    %reduce_max3A_14 = arith.constant dense<-2147483648> : vector<32xi32>
    %reduce_max3A_15 = vector.multi_reduction <maxsi>, %reduce_max3A_13, %reduce_max3A_14 [1] : vector<32x128xi32> to vector<32xi32>
    %broadcast_in_dim3A_16 = vector.shape_cast %reduce_max3A_15 : vector<32xi32> to vector<32x1xi32>
    %add3A = arith.constant 1 : i32
    %add3A_17 = vector.broadcast %add3A : i32 to vector<32x1xi32>
    %add3A_18 = arith.addi %broadcast_in_dim3A_16, %add3A_17 : vector<32x1xi32>
    %add3A_19 = arith.constant 1 : i32
    %add3A_20 = vector.broadcast %add3A_19 : i32 to vector<32x1xi32>
    %add3A_21 = arith.addi %broadcast_in_dim3A_6, %add3A_20 : vector<32x1xi32>
    %max3A = arith.maxsi %add3A_18, %add3A_21 : vector<32x1xi32>
    %scan3A = arith.constant 6.400000e+01 : f32
    %scan3A_22 = arith.constant 0 : i32
    %scan3A_23 = arith.constant 9 : i32
    %scan3A_24 = arith.addi %scan3A_22, %scan3A_23 : i32
    %scan3A_25 = arith.constant 1 : i32
    %scan3A_26:2 = scf.for %scan3A_69 = %scan3A_22 to %scan3A_24 step %scan3A_25 iter_args(%scan3A_70 = %broadcast_in_dim3A_6, %scan3A_71 = %max3A) -> (vector<32x1xi32>, vector<32x1xi32>)  : i32 {
      %sub3A = arith.subi %scan3A_71, %scan3A_70 : vector<32x1xi32>
      %jit3A_72 = arith.constant 4 : i32
      %div3A = vector.broadcast %jit3A_72 : i32 to vector<32x1xi32>
      %div3A_73 = arith.divsi %sub3A, %div3A : vector<32x1xi32>
      %sign3A = arith.constant 0 : i32
      %sign3A_74 = vector.broadcast %sign3A : i32 to vector<32x1xi32>
      %sign3A_75 = arith.cmpi sgt, %sub3A, %sign3A_74 : vector<32x1xi32>
      %sign3A_76 = arith.extui %sign3A_75 : vector<32x1xi1> to vector<32x1xi32>
      %sign3A_77 = arith.constant 0 : i32
      %sign3A_78 = vector.broadcast %sign3A_77 : i32 to vector<32x1xi32>
      %sign3A_79 = arith.cmpi slt, %sub3A, %sign3A_78 : vector<32x1xi32>
      %sign3A_80 = arith.extui %sign3A_79 : vector<32x1xi1> to vector<32x1xi32>
      %sign3A_81 = arith.subi %sign3A_76, %sign3A_80 : vector<32x1xi32>
      %sign3A_82 = arith.constant 0 : i32
      %sign3A_83 = arith.cmpi sgt, %jit3A_72, %sign3A_82 : i32
      %sign3A_84 = arith.extui %sign3A_83 : i1 to i32
      %sign3A_85 = arith.constant 0 : i32
      %sign3A_86 = arith.cmpi slt, %jit3A_72, %sign3A_85 : i32
      %sign3A_87 = arith.extui %sign3A_86 : i1 to i32
      %sign3A_88 = arith.subi %sign3A_84, %sign3A_87 : i32
      %ne3A = vector.broadcast %sign3A_88 : i32 to vector<32x1xi32>
      %ne3A_89 = arith.cmpi ne, %sign3A_81, %ne3A : vector<32x1xi32>
      %rem3A = vector.broadcast %jit3A_72 : i32 to vector<32x1xi32>
      %rem3A_90 = arith.remsi %sub3A, %rem3A : vector<32x1xi32>
      %ne3A_91 = arith.constant 0 : i32
      %ne3A_92 = vector.broadcast %ne3A_91 : i32 to vector<32x1xi32>
      %ne3A_93 = arith.cmpi ne, %rem3A_90, %ne3A_92 : vector<32x1xi32>
      %and3A_94 = arith.andi %ne3A_89, %ne3A_93 : vector<32x1xi1>
      %sub3A_95 = arith.constant 1 : i32
      %sub3A_96 = vector.broadcast %sub3A_95 : i32 to vector<32x1xi32>
      %sub3A_97 = arith.subi %div3A_73, %sub3A_96 : vector<32x1xi32>
      %select_n3A_98 = arith.select %and3A_94, %sub3A_97, %div3A_73 : vector<32x1xi1>, vector<32x1xi32>
      %add3A_99 = arith.addi %scan3A_70, %select_n3A_98 : vector<32x1xi32>
      %mul3A = arith.constant 2 : i32
      %mul3A_100 = vector.broadcast %mul3A : i32 to vector<32x1xi32>
      %mul3A_101 = arith.muli %mul3A_100, %select_n3A_98 : vector<32x1xi32>
      %add3A_102 = arith.addi %scan3A_70, %mul3A_101 : vector<32x1xi32>
      %add3A_103 = arith.constant 1 : i32
      %add3A_104 = vector.broadcast %add3A_103 : i32 to vector<32x1xi32>
      %add3A_105 = arith.addi %scan3A_70, %add3A_104 : vector<32x1xi32>
      %max3A_106 = arith.maxsi %add3A_102, %add3A_105 : vector<32x1xi32>
      %mul3A_107 = arith.constant 3 : i32
      %mul3A_108 = vector.broadcast %mul3A_107 : i32 to vector<32x1xi32>
      %mul3A_109 = arith.muli %mul3A_108, %select_n3A_98 : vector<32x1xi32>
      %add3A_110 = arith.addi %scan3A_70, %mul3A_109 : vector<32x1xi32>
      %max3A_111 = arith.maxsi %add3A_110, %max3A_106 : vector<32x1xi32>
      %ge3A_112 = vector.broadcast %add3A_99 : vector<32x1xi32> to vector<32x128xi32>
      %ge3A_113 = arith.cmpi sge, %reduce_max3A_13, %ge3A_112 : vector<32x128xi32>
      %jit3A_114 = arith.constant 1.000000e+00 : f32
      %jit3A_115 = arith.constant 0.000000e+00 : f32
      %broadcast_in_dim3A_116 = vector.broadcast %jit3A_114 : f32 to vector<32x128xf32>
      %broadcast_in_dim3A_117 = vector.broadcast %jit3A_115 : f32 to vector<32x128xf32>
      %select_n3A_118 = arith.select %ge3A_113, %broadcast_in_dim3A_116, %broadcast_in_dim3A_117 : vector<32x128xi1>, vector<32x128xf32>
      %reduce_sum3A_119 = arith.constant dense<0.000000e+00> : vector<32xf32>
      %reduce_sum3A_120 = vector.multi_reduction <add>, %select_n3A_118, %reduce_sum3A_119 [1] : vector<32x128xf32> to vector<32xf32>
      %broadcast_in_dim3A_121 = vector.shape_cast %reduce_sum3A_120 : vector<32xf32> to vector<32x1xf32>
      %ge3A_122 = vector.broadcast %max3A_106 : vector<32x1xi32> to vector<32x128xi32>
      %ge3A_123 = arith.cmpi sge, %reduce_max3A_13, %ge3A_122 : vector<32x128xi32>
      %jit3A_124 = arith.constant 1.000000e+00 : f32
      %jit3A_125 = arith.constant 0.000000e+00 : f32
      %broadcast_in_dim3A_126 = vector.broadcast %jit3A_124 : f32 to vector<32x128xf32>
      %broadcast_in_dim3A_127 = vector.broadcast %jit3A_125 : f32 to vector<32x128xf32>
      %select_n3A_128 = arith.select %ge3A_123, %broadcast_in_dim3A_126, %broadcast_in_dim3A_127 : vector<32x128xi1>, vector<32x128xf32>
      %reduce_sum3A_129 = arith.constant dense<0.000000e+00> : vector<32xf32>
      %reduce_sum3A_130 = vector.multi_reduction <add>, %select_n3A_128, %reduce_sum3A_129 [1] : vector<32x128xf32> to vector<32xf32>
      %broadcast_in_dim3A_131 = vector.shape_cast %reduce_sum3A_130 : vector<32xf32> to vector<32x1xf32>
      %ge3A_132 = vector.broadcast %max3A_111 : vector<32x1xi32> to vector<32x128xi32>
      %ge3A_133 = arith.cmpi sge, %reduce_max3A_13, %ge3A_132 : vector<32x128xi32>
      %jit3A_134 = arith.constant 1.000000e+00 : f32
      %jit3A_135 = arith.constant 0.000000e+00 : f32
      %broadcast_in_dim3A_136 = vector.broadcast %jit3A_134 : f32 to vector<32x128xf32>
      %broadcast_in_dim3A_137 = vector.broadcast %jit3A_135 : f32 to vector<32x128xf32>
      %select_n3A_138 = arith.select %ge3A_133, %broadcast_in_dim3A_136, %broadcast_in_dim3A_137 : vector<32x128xi1>, vector<32x128xf32>
      %reduce_sum3A_139 = arith.constant dense<0.000000e+00> : vector<32xf32>
      %reduce_sum3A_140 = vector.multi_reduction <add>, %select_n3A_138, %reduce_sum3A_139 [1] : vector<32x128xf32> to vector<32xf32>
      %broadcast_in_dim3A_141 = vector.shape_cast %reduce_sum3A_140 : vector<32xf32> to vector<32x1xf32>
      %ge3A_142 = vector.broadcast %scan3A : f32 to vector<32x1xf32>
      %ge3A_143 = arith.cmpf oge, %broadcast_in_dim3A_121, %ge3A_142 : vector<32x1xf32>
      %select_n3A_144 = arith.select %ge3A_143, %add3A_99, %scan3A_70 : vector<32x1xi1>, vector<32x1xi32>
      %ge3A_145 = vector.broadcast %scan3A : f32 to vector<32x1xf32>
      %ge3A_146 = arith.cmpf oge, %broadcast_in_dim3A_131, %ge3A_145 : vector<32x1xf32>
      %select_n3A_147 = arith.select %ge3A_146, %max3A_106, %select_n3A_144 : vector<32x1xi1>, vector<32x1xi32>
      %ge3A_148 = vector.broadcast %scan3A : f32 to vector<32x1xf32>
      %ge3A_149 = arith.cmpf oge, %broadcast_in_dim3A_141, %ge3A_148 : vector<32x1xf32>
      %select_n3A_150 = arith.select %ge3A_149, %max3A_111, %select_n3A_147 : vector<32x1xi1>, vector<32x1xi32>
      %lt3A = vector.broadcast %scan3A : f32 to vector<32x1xf32>
      %lt3A_151 = arith.cmpf olt, %broadcast_in_dim3A_141, %lt3A : vector<32x1xf32>
      %select_n3A_152 = arith.select %lt3A_151, %max3A_111, %scan3A_71 : vector<32x1xi1>, vector<32x1xi32>
      %lt3A_153 = vector.broadcast %scan3A : f32 to vector<32x1xf32>
      %lt3A_154 = arith.cmpf olt, %broadcast_in_dim3A_131, %lt3A_153 : vector<32x1xf32>
      %select_n3A_155 = arith.select %lt3A_154, %max3A_106, %select_n3A_152 : vector<32x1xi1>, vector<32x1xi32>
      %lt3A_156 = vector.broadcast %scan3A : f32 to vector<32x1xf32>
      %lt3A_157 = arith.cmpf olt, %broadcast_in_dim3A_121, %lt3A_156 : vector<32x1xf32>
      %select_n3A_158 = arith.select %lt3A_157, %add3A_99, %select_n3A_155 : vector<32x1xi1>, vector<32x1xi32>
      scf.yield %select_n3A_150, %select_n3A_158 : vector<32x1xi32>, vector<32x1xi32>
    }
    %le3A = arith.constant 6.400000e+01 : f32
    %le3A_27 = vector.broadcast %le3A : f32 to vector<32x1xf32>
    %le3A_28 = arith.cmpf ole, %broadcast_in_dim3A_12, %le3A_27 : vector<32x1xf32>
    %jit3A_29 = arith.constant 1 : i32
    %jit3A_30 = arith.constant 0 : i32
    %broadcast_in_dim3A_31 = vector.broadcast %jit3A_29 : i32 to vector<32x1xi32>
    %broadcast_in_dim3A_32 = vector.broadcast %jit3A_30 : i32 to vector<32x1xi32>
    %select_n3A_33 = arith.select %le3A_28, %broadcast_in_dim3A_31, %broadcast_in_dim3A_32 : vector<32x1xi1>, vector<32x1xi32>
    %max3A_34 = arith.maxsi %scan3A_26#0, %broadcast_in_dim3A_6 : vector<32x1xi32>
    %while3A = arith.constant 6.400000e+01 : f32
    %while3A_35:3 = scf.while (%while3A_69 = %max3A_34, %while3A_70 = %max3A, %while3A_71 = %select_n3A_33) : (vector<32x1xi32>, vector<32x1xi32>, vector<32x1xi32>) -> (vector<32x1xi32>, vector<32x1xi32>, vector<32x1xi32>) {
      %reduce_min3A = vector.shape_cast %while3A_71 : vector<32x1xi32> to vector<1x32x1xi32>
      %reduce_min3A_72 = arith.constant dense<2147483647> : vector<1xi32>
      %reduce_min3A_73 = vector.multi_reduction <minsi>, %reduce_min3A, %reduce_min3A_72 [1, 2] : vector<1x32x1xi32> to vector<1xi32>
      %reduce_min3A_74 = vector.shape_cast %reduce_min3A_73 : vector<1xi32> to vector<1x1x1xi32>
      %reduce_min3A_75 = vector.extract %reduce_min3A_74[0, 0, 0] : i32 from vector<1x1x1xi32>
      %lt3A = arith.constant 1 : i32
      %lt3A_76 = arith.cmpi slt, %reduce_min3A_75, %lt3A : i32
      scf.condition(%lt3A_76) %while3A_69, %while3A_70, %while3A_71 : vector<32x1xi32>, vector<32x1xi32>, vector<32x1xi32>
    } do {
    ^bb0(%while3A_69: vector<32x1xi32>, %while3A_70: vector<32x1xi32>, %while3A_71: vector<32x1xi32>):
      %sub3A = arith.subi %while3A_70, %while3A_69 : vector<32x1xi32>
      %jit3A_72 = arith.constant 4 : i32
      %div3A = vector.broadcast %jit3A_72 : i32 to vector<32x1xi32>
      %div3A_73 = arith.divsi %sub3A, %div3A : vector<32x1xi32>
      %sign3A = arith.constant 0 : i32
      %sign3A_74 = vector.broadcast %sign3A : i32 to vector<32x1xi32>
      %sign3A_75 = arith.cmpi sgt, %sub3A, %sign3A_74 : vector<32x1xi32>
      %sign3A_76 = arith.extui %sign3A_75 : vector<32x1xi1> to vector<32x1xi32>
      %sign3A_77 = arith.constant 0 : i32
      %sign3A_78 = vector.broadcast %sign3A_77 : i32 to vector<32x1xi32>
      %sign3A_79 = arith.cmpi slt, %sub3A, %sign3A_78 : vector<32x1xi32>
      %sign3A_80 = arith.extui %sign3A_79 : vector<32x1xi1> to vector<32x1xi32>
      %sign3A_81 = arith.subi %sign3A_76, %sign3A_80 : vector<32x1xi32>
      %sign3A_82 = arith.constant 0 : i32
      %sign3A_83 = arith.cmpi sgt, %jit3A_72, %sign3A_82 : i32
      %sign3A_84 = arith.extui %sign3A_83 : i1 to i32
      %sign3A_85 = arith.constant 0 : i32
      %sign3A_86 = arith.cmpi slt, %jit3A_72, %sign3A_85 : i32
      %sign3A_87 = arith.extui %sign3A_86 : i1 to i32
      %sign3A_88 = arith.subi %sign3A_84, %sign3A_87 : i32
      %ne3A = vector.broadcast %sign3A_88 : i32 to vector<32x1xi32>
      %ne3A_89 = arith.cmpi ne, %sign3A_81, %ne3A : vector<32x1xi32>
      %rem3A = vector.broadcast %jit3A_72 : i32 to vector<32x1xi32>
      %rem3A_90 = arith.remsi %sub3A, %rem3A : vector<32x1xi32>
      %ne3A_91 = arith.constant 0 : i32
      %ne3A_92 = vector.broadcast %ne3A_91 : i32 to vector<32x1xi32>
      %ne3A_93 = arith.cmpi ne, %rem3A_90, %ne3A_92 : vector<32x1xi32>
      %and3A_94 = arith.andi %ne3A_89, %ne3A_93 : vector<32x1xi1>
      %sub3A_95 = arith.constant 1 : i32
      %sub3A_96 = vector.broadcast %sub3A_95 : i32 to vector<32x1xi32>
      %sub3A_97 = arith.subi %div3A_73, %sub3A_96 : vector<32x1xi32>
      %select_n3A_98 = arith.select %and3A_94, %sub3A_97, %div3A_73 : vector<32x1xi1>, vector<32x1xi32>
      %add3A_99 = arith.addi %while3A_69, %select_n3A_98 : vector<32x1xi32>
      %mul3A = arith.constant 2 : i32
      %mul3A_100 = vector.broadcast %mul3A : i32 to vector<32x1xi32>
      %mul3A_101 = arith.muli %mul3A_100, %select_n3A_98 : vector<32x1xi32>
      %add3A_102 = arith.addi %while3A_69, %mul3A_101 : vector<32x1xi32>
      %add3A_103 = arith.constant 1 : i32
      %add3A_104 = vector.broadcast %add3A_103 : i32 to vector<32x1xi32>
      %add3A_105 = arith.addi %while3A_69, %add3A_104 : vector<32x1xi32>
      %max3A_106 = arith.maxsi %add3A_102, %add3A_105 : vector<32x1xi32>
      %mul3A_107 = arith.constant 3 : i32
      %mul3A_108 = vector.broadcast %mul3A_107 : i32 to vector<32x1xi32>
      %mul3A_109 = arith.muli %mul3A_108, %select_n3A_98 : vector<32x1xi32>
      %add3A_110 = arith.addi %while3A_69, %mul3A_109 : vector<32x1xi32>
      %max3A_111 = arith.maxsi %add3A_110, %max3A_106 : vector<32x1xi32>
      %ge3A_112 = vector.broadcast %add3A_99 : vector<32x1xi32> to vector<32x32768xi32>
      %ge3A_113 = arith.cmpi sge, %xor3A, %ge3A_112 : vector<32x32768xi32>
      %jit3A_114 = arith.constant 1.000000e+00 : f32
      %jit3A_115 = arith.constant 0.000000e+00 : f32
      %broadcast_in_dim3A_116 = vector.broadcast %jit3A_114 : f32 to vector<32x32768xf32>
      %broadcast_in_dim3A_117 = vector.broadcast %jit3A_115 : f32 to vector<32x32768xf32>
      %select_n3A_118 = arith.select %ge3A_113, %broadcast_in_dim3A_116, %broadcast_in_dim3A_117 : vector<32x32768xi1>, vector<32x32768xf32>
      %reduce_sum3A_119 = arith.constant dense<0.000000e+00> : vector<32xf32>
      %reduce_sum3A_120 = vector.multi_reduction <add>, %select_n3A_118, %reduce_sum3A_119 [1] : vector<32x32768xf32> to vector<32xf32>
      %broadcast_in_dim3A_121 = vector.shape_cast %reduce_sum3A_120 : vector<32xf32> to vector<32x1xf32>
      %ge3A_122 = vector.broadcast %max3A_106 : vector<32x1xi32> to vector<32x32768xi32>
      %ge3A_123 = arith.cmpi sge, %xor3A, %ge3A_122 : vector<32x32768xi32>
      %jit3A_124 = arith.constant 1.000000e+00 : f32
      %jit3A_125 = arith.constant 0.000000e+00 : f32
      %broadcast_in_dim3A_126 = vector.broadcast %jit3A_124 : f32 to vector<32x32768xf32>
      %broadcast_in_dim3A_127 = vector.broadcast %jit3A_125 : f32 to vector<32x32768xf32>
      %select_n3A_128 = arith.select %ge3A_123, %broadcast_in_dim3A_126, %broadcast_in_dim3A_127 : vector<32x32768xi1>, vector<32x32768xf32>
      %reduce_sum3A_129 = arith.constant dense<0.000000e+00> : vector<32xf32>
      %reduce_sum3A_130 = vector.multi_reduction <add>, %select_n3A_128, %reduce_sum3A_129 [1] : vector<32x32768xf32> to vector<32xf32>
      %broadcast_in_dim3A_131 = vector.shape_cast %reduce_sum3A_130 : vector<32xf32> to vector<32x1xf32>
      %ge3A_132 = vector.broadcast %max3A_111 : vector<32x1xi32> to vector<32x32768xi32>
      %ge3A_133 = arith.cmpi sge, %xor3A, %ge3A_132 : vector<32x32768xi32>
      %jit3A_134 = arith.constant 1.000000e+00 : f32
      %jit3A_135 = arith.constant 0.000000e+00 : f32
      %broadcast_in_dim3A_136 = vector.broadcast %jit3A_134 : f32 to vector<32x32768xf32>
      %broadcast_in_dim3A_137 = vector.broadcast %jit3A_135 : f32 to vector<32x32768xf32>
      %select_n3A_138 = arith.select %ge3A_133, %broadcast_in_dim3A_136, %broadcast_in_dim3A_137 : vector<32x32768xi1>, vector<32x32768xf32>
      %reduce_sum3A_139 = arith.constant dense<0.000000e+00> : vector<32xf32>
      %reduce_sum3A_140 = vector.multi_reduction <add>, %select_n3A_138, %reduce_sum3A_139 [1] : vector<32x32768xf32> to vector<32xf32>
      %broadcast_in_dim3A_141 = vector.shape_cast %reduce_sum3A_140 : vector<32xf32> to vector<32x1xf32>
      %lt3A = arith.constant 1 : i32
      %lt3A_142 = vector.broadcast %lt3A : i32 to vector<32x1xi32>
      %lt3A_143 = arith.cmpi slt, %while3A_71, %lt3A_142 : vector<32x1xi32>
      %ge3A_144 = vector.broadcast %while3A : f32 to vector<32x1xf32>
      %ge3A_145 = arith.cmpf oge, %broadcast_in_dim3A_121, %ge3A_144 : vector<32x1xf32>
      %and3A_146 = arith.andi %lt3A_143, %ge3A_145 : vector<32x1xi1>
      %select_n3A_147 = arith.select %and3A_146, %add3A_99, %while3A_69 : vector<32x1xi1>, vector<32x1xi32>
      %ge3A_148 = vector.broadcast %while3A : f32 to vector<32x1xf32>
      %ge3A_149 = arith.cmpf oge, %broadcast_in_dim3A_131, %ge3A_148 : vector<32x1xf32>
      %and3A_150 = arith.andi %lt3A_143, %ge3A_149 : vector<32x1xi1>
      %select_n3A_151 = arith.select %and3A_150, %max3A_106, %select_n3A_147 : vector<32x1xi1>, vector<32x1xi32>
      %ge3A_152 = vector.broadcast %while3A : f32 to vector<32x1xf32>
      %ge3A_153 = arith.cmpf oge, %broadcast_in_dim3A_141, %ge3A_152 : vector<32x1xf32>
      %and3A_154 = arith.andi %lt3A_143, %ge3A_153 : vector<32x1xi1>
      %select_n3A_155 = arith.select %and3A_154, %max3A_111, %select_n3A_151 : vector<32x1xi1>, vector<32x1xi32>
      %lt3A_156 = vector.broadcast %while3A : f32 to vector<32x1xf32>
      %lt3A_157 = arith.cmpf olt, %broadcast_in_dim3A_141, %lt3A_156 : vector<32x1xf32>
      %and3A_158 = arith.andi %lt3A_143, %lt3A_157 : vector<32x1xi1>
      %select_n3A_159 = arith.select %and3A_158, %max3A_111, %while3A_70 : vector<32x1xi1>, vector<32x1xi32>
      %lt3A_160 = vector.broadcast %while3A : f32 to vector<32x1xf32>
      %lt3A_161 = arith.cmpf olt, %broadcast_in_dim3A_131, %lt3A_160 : vector<32x1xf32>
      %and3A_162 = arith.andi %lt3A_143, %lt3A_161 : vector<32x1xi1>
      %select_n3A_163 = arith.select %and3A_162, %max3A_106, %select_n3A_159 : vector<32x1xi1>, vector<32x1xi32>
      %lt3A_164 = vector.broadcast %while3A : f32 to vector<32x1xf32>
      %lt3A_165 = arith.cmpf olt, %broadcast_in_dim3A_121, %lt3A_164 : vector<32x1xf32>
      %and3A_166 = arith.andi %lt3A_143, %lt3A_165 : vector<32x1xi1>
      %select_n3A_167 = arith.select %and3A_166, %add3A_99, %select_n3A_163 : vector<32x1xi1>, vector<32x1xi32>
      %eq3A = vector.broadcast %while3A : f32 to vector<32x1xf32>
      %eq3A_168 = arith.cmpf oeq, %broadcast_in_dim3A_121, %eq3A : vector<32x1xf32>
      %and3A_169 = arith.andi %lt3A_143, %eq3A_168 : vector<32x1xi1>
      %select_n3A_170 = arith.select %and3A_169, %add3A_99, %select_n3A_155 : vector<32x1xi1>, vector<32x1xi32>
      %eq3A_171 = vector.broadcast %while3A : f32 to vector<32x1xf32>
      %eq3A_172 = arith.cmpf oeq, %broadcast_in_dim3A_131, %eq3A_171 : vector<32x1xf32>
      %and3A_173 = arith.andi %lt3A_143, %eq3A_172 : vector<32x1xi1>
      %select_n3A_174 = arith.select %and3A_173, %max3A_106, %select_n3A_170 : vector<32x1xi1>, vector<32x1xi32>
      %eq3A_175 = vector.broadcast %while3A : f32 to vector<32x1xf32>
      %eq3A_176 = arith.cmpf oeq, %broadcast_in_dim3A_141, %eq3A_175 : vector<32x1xf32>
      %and3A_177 = arith.andi %lt3A_143, %eq3A_176 : vector<32x1xi1>
      %select_n3A_178 = arith.select %and3A_177, %max3A_111, %select_n3A_174 : vector<32x1xi1>, vector<32x1xi32>
      %eq3A_179 = vector.broadcast %while3A : f32 to vector<32x1xf32>
      %eq3A_180 = arith.cmpf oeq, %broadcast_in_dim3A_121, %eq3A_179 : vector<32x1xf32>
      %eq3A_181 = vector.broadcast %while3A : f32 to vector<32x1xf32>
      %eq3A_182 = arith.cmpf oeq, %broadcast_in_dim3A_131, %eq3A_181 : vector<32x1xf32>
      %or3A = arith.ori %eq3A_180, %eq3A_182 : vector<32x1xi1>
      %eq3A_183 = vector.broadcast %while3A : f32 to vector<32x1xf32>
      %eq3A_184 = arith.cmpf oeq, %broadcast_in_dim3A_141, %eq3A_183 : vector<32x1xf32>
      %or3A_185 = arith.ori %or3A, %eq3A_184 : vector<32x1xi1>
      %sub3A_186 = arith.subi %select_n3A_167, %select_n3A_178 : vector<32x1xi32>
      %le3A_187 = arith.constant 1 : i32
      %le3A_188 = vector.broadcast %le3A_187 : i32 to vector<32x1xi32>
      %le3A_189 = arith.cmpi sle, %sub3A_186, %le3A_188 : vector<32x1xi32>
      %or3A_190 = arith.ori %or3A_185, %le3A_189 : vector<32x1xi1>
      %jit3A_191 = arith.constant 1 : i32
      %jit3A_192 = arith.constant 0 : i32
      %broadcast_in_dim3A_193 = vector.broadcast %jit3A_191 : i32 to vector<32x1xi32>
      %broadcast_in_dim3A_194 = vector.broadcast %jit3A_192 : i32 to vector<32x1xi32>
      %select_n3A_195 = arith.select %or3A_190, %broadcast_in_dim3A_193, %broadcast_in_dim3A_194 : vector<32x1xi1>, vector<32x1xi32>
      %max3A_196 = arith.maxsi %while3A_71, %select_n3A_195 : vector<32x1xi32>
      scf.yield %select_n3A_178, %select_n3A_167, %max3A_196 : vector<32x1xi32>, vector<32x1xi32>, vector<32x1xi32>
    }
    %ge3A_36 = vector.broadcast %while3A_35#0 : vector<32x1xi32> to vector<32x32768xi32>
    %ge3A_37 = arith.cmpi sge, %xor3A, %ge3A_36 : vector<32x32768xi32>
    %jit3A_38 = arith.constant 1.000000e+00 : f32
    %jit3A_39 = arith.constant 0.000000e+00 : f32
    %broadcast_in_dim3A_40 = vector.broadcast %jit3A_38 : f32 to vector<32x32768xf32>
    %broadcast_in_dim3A_41 = vector.broadcast %jit3A_39 : f32 to vector<32x32768xf32>
    %select_n3A_42 = arith.select %ge3A_37, %broadcast_in_dim3A_40, %broadcast_in_dim3A_41 : vector<32x32768xi1>, vector<32x32768xf32>
    %reduce_sum3A_43 = arith.constant dense<0.000000e+00> : vector<32xf32>
    %reduce_sum3A_44 = vector.multi_reduction <add>, %select_n3A_42, %reduce_sum3A_43 [1] : vector<32x32768xf32> to vector<32xf32>
    %broadcast_in_dim3A_45 = vector.shape_cast %reduce_sum3A_44 : vector<32xf32> to vector<32x1xf32>
    %gt3A = arith.constant 6.400000e+01 : f32
    %gt3A_46 = vector.broadcast %gt3A : f32 to vector<32x1xf32>
    %gt3A_47 = arith.cmpf ogt, %broadcast_in_dim3A_45, %gt3A_46 : vector<32x1xf32>
    %reduce_or3A = arith.constant 1.000000e+00 : f32
    %reduce_or3A_48 = arith.constant 0.000000e+00 : f32
    %reduce_or3A_49 = vector.broadcast %reduce_or3A : f32 to vector<32x1xf32>
    %reduce_or3A_50 = vector.broadcast %reduce_or3A_48 : f32 to vector<32x1xf32>
    %reduce_or3A_51 = arith.select %gt3A_47, %reduce_or3A_49, %reduce_or3A_50 : vector<32x1xi1>, vector<32x1xf32>
    %reduce_or3A_52 = vector.shape_cast %reduce_or3A_51 : vector<32x1xf32> to vector<1x32x1xf32>
    %reduce_or3A_53 = arith.constant dense<0xFF800000> : vector<1xf32>
    %reduce_or3A_54 = vector.multi_reduction <maximumf>, %reduce_or3A_52, %reduce_or3A_53 [1, 2] : vector<1x32x1xf32> to vector<1xf32>
    %reduce_or3A_55 = vector.shape_cast %reduce_or3A_54 : vector<1xf32> to vector<1x1x1xf32>
    %reduce_or3A_56 = vector.extract %reduce_or3A_55[0, 0, 0] : f32 from vector<1x1x1xf32>
    %reduce_or3A_57 = arith.constant 0.000000e+00 : f32
    %reduce_or3A_58 = arith.cmpf ogt, %reduce_or3A_56, %reduce_or3A_57 : f32
    %bitcast_convert_type3A_59 = tpu.bitcast %while3A_35#0 : vector<32x1xi32> -> vector<32x1xf32>
    %swap3A = arith.constant 0 : index
    %swap3A_60 = arith.constant 0 : index
    %swap3A_61 = vector.load %arg2[%swap3A, %swap3A_60] : memref<32x1xf32, #tpu.memory_space<vmem>>, vector<32x1xf32>
    tpu.vector_store %arg2[%swap3A, %swap3A_60], %bitcast_convert_type3A_59 {strides = array<i32>} : memref<32x1xf32, #tpu.memory_space<vmem>>, vector<32x1xf32>,
    %broadcast_in_dim3A_62 = arith.constant 32768 : i32
    %broadcast_in_dim3A_63 = vector.broadcast %broadcast_in_dim3A_62 : i32 to vector<32x1xi32>
    %swap3A_64 = arith.constant 0 : index
    %swap3A_65 = arith.constant 0 : index
    %swap3A_66 = vector.load %arg3[%swap3A_64, %swap3A_65] : memref<32x1xi32, #tpu.memory_space<vmem>>, vector<32x1xi32>
    tpu.vector_store %arg3[%swap3A_64, %swap3A_65], %broadcast_in_dim3A_63 {strides = array<i32>} : memref<32x1xi32, #tpu.memory_space<vmem>>, vector<32x1xi32>,
    %convert_element_type3A = arith.extui %reduce_or3A_58 : i1 to i32
    %cond3A = arith.constant 6.400000e+01 : f32
    %cond3A_67 = arith.constant 0 : i32
    %cond3A_68 = arith.cmpi ne, %convert_element_type3A, %cond3A_67 : i32
    scf.if %cond3A_68 {
      %gt3A_69 = vector.broadcast %cond3A : f32 to vector<32x1xf32>
      %gt3A_70 = arith.cmpf ogt, %broadcast_in_dim3A_45, %gt3A_69 : vector<32x1xf32>
      %add3A_71 = arith.constant 1 : i32
      %add3A_72 = vector.broadcast %add3A_71 : i32 to vector<32x1xi32>
      %add3A_73 = arith.addi %while3A_35#0, %add3A_72 : vector<32x1xi32>
      %ge3A_74 = vector.broadcast %add3A_73 : vector<32x1xi32> to vector<32x32768xi32>
      %ge3A_75 = arith.cmpi sge, %xor3A, %ge3A_74 : vector<32x32768xi32>
      %jit3A_76 = arith.constant 1.000000e+00 : f32
      %jit3A_77 = arith.constant 0.000000e+00 : f32
      %broadcast_in_dim3A_78 = vector.broadcast %jit3A_76 : f32 to vector<32x32768xf32>
      %broadcast_in_dim3A_79 = vector.broadcast %jit3A_77 : f32 to vector<32x32768xf32>
      %select_n3A_80 = arith.select %ge3A_75, %broadcast_in_dim3A_78, %broadcast_in_dim3A_79 : vector<32x32768xi1>, vector<32x32768xf32>
      %reduce_sum3A_81 = arith.constant dense<0.000000e+00> : vector<32xf32>
      %reduce_sum3A_82 = vector.multi_reduction <add>, %select_n3A_80, %reduce_sum3A_81 [1] : vector<32x32768xf32> to vector<32xf32>
      %broadcast_in_dim3A_83 = vector.shape_cast %reduce_sum3A_82 : vector<32xf32> to vector<32x1xf32>
      %sub3A = vector.broadcast %cond3A : f32 to vector<32x1xf32>
      %sub3A_84 = arith.subf %sub3A, %broadcast_in_dim3A_83 : vector<32x1xf32>
      %jit3A_85 = arith.constant 3.276800e+04 : f32
      %broadcast_in_dim3A_86 = vector.broadcast %jit3A_85 : f32 to vector<32x1xf32>
      %select_n3A_87 = arith.select %gt3A_70, %sub3A_84, %broadcast_in_dim3A_86 : vector<32x1xi1>, vector<32x1xf32>
      %eq3A = vector.broadcast %while3A_35#0 : vector<32x1xi32> to vector<32x32768xi32>
      %eq3A_88 = arith.cmpi eq, %xor3A, %eq3A : vector<32x32768xi32>
      %and3A_89 = vector.broadcast %gt3A_70 : vector<32x1xi1> to vector<32x32768xi1>
      %and3A_90 = arith.andi %eq3A_88, %and3A_89 : vector<32x32768xi1>
      %iota3A = tpu.iota {dimensions = array<i32: 1>} : vector<32x32768xi32>
      %broadcast_in_dim3A_91 = arith.constant 0 : i32
      %broadcast_in_dim3A_92 = vector.broadcast %broadcast_in_dim3A_91 : i32 to vector<32x1xi32>
      %broadcast_in_dim3A_93 = arith.constant 32769 : i32
      %broadcast_in_dim3A_94 = vector.broadcast %broadcast_in_dim3A_93 : i32 to vector<32x1xi32>
      %scan3A_95 = arith.constant 0 : i32
      %scan3A_96 = arith.constant 16 : i32
      %scan3A_97 = arith.addi %scan3A_95, %scan3A_96 : i32
      %scan3A_98 = arith.constant 1 : i32
      %scan3A_99:2 = scf.for %scan3A_106 = %scan3A_95 to %scan3A_97 step %scan3A_98 iter_args(%scan3A_107 = %broadcast_in_dim3A_92, %scan3A_108 = %broadcast_in_dim3A_94) -> (vector<32x1xi32>, vector<32x1xi32>)  : i32 {
        %sub3A_109 = arith.subi %scan3A_108, %scan3A_107 : vector<32x1xi32>
        %jit3A_110 = arith.constant 2 : i32
        %div3A = vector.broadcast %jit3A_110 : i32 to vector<32x1xi32>
        %div3A_111 = arith.divsi %sub3A_109, %div3A : vector<32x1xi32>
        %sign3A = arith.constant 0 : i32
        %sign3A_112 = vector.broadcast %sign3A : i32 to vector<32x1xi32>
        %sign3A_113 = arith.cmpi sgt, %sub3A_109, %sign3A_112 : vector<32x1xi32>
        %sign3A_114 = arith.extui %sign3A_113 : vector<32x1xi1> to vector<32x1xi32>
        %sign3A_115 = arith.constant 0 : i32
        %sign3A_116 = vector.broadcast %sign3A_115 : i32 to vector<32x1xi32>
        %sign3A_117 = arith.cmpi slt, %sub3A_109, %sign3A_116 : vector<32x1xi32>
        %sign3A_118 = arith.extui %sign3A_117 : vector<32x1xi1> to vector<32x1xi32>
        %sign3A_119 = arith.subi %sign3A_114, %sign3A_118 : vector<32x1xi32>
        %sign3A_120 = arith.constant 0 : i32
        %sign3A_121 = arith.cmpi sgt, %jit3A_110, %sign3A_120 : i32
        %sign3A_122 = arith.extui %sign3A_121 : i1 to i32
        %sign3A_123 = arith.constant 0 : i32
        %sign3A_124 = arith.cmpi slt, %jit3A_110, %sign3A_123 : i32
        %sign3A_125 = arith.extui %sign3A_124 : i1 to i32
        %sign3A_126 = arith.subi %sign3A_122, %sign3A_125 : i32
        %ne3A = vector.broadcast %sign3A_126 : i32 to vector<32x1xi32>
        %ne3A_127 = arith.cmpi ne, %sign3A_119, %ne3A : vector<32x1xi32>
        %rem3A = vector.broadcast %jit3A_110 : i32 to vector<32x1xi32>
        %rem3A_128 = arith.remsi %sub3A_109, %rem3A : vector<32x1xi32>
        %ne3A_129 = arith.constant 0 : i32
        %ne3A_130 = vector.broadcast %ne3A_129 : i32 to vector<32x1xi32>
        %ne3A_131 = arith.cmpi ne, %rem3A_128, %ne3A_130 : vector<32x1xi32>
        %and3A_132 = arith.andi %ne3A_127, %ne3A_131 : vector<32x1xi1>
        %sub3A_133 = arith.constant 1 : i32
        %sub3A_134 = vector.broadcast %sub3A_133 : i32 to vector<32x1xi32>
        %sub3A_135 = arith.subi %div3A_111, %sub3A_134 : vector<32x1xi32>
        %select_n3A_136 = arith.select %and3A_132, %sub3A_135, %div3A_111 : vector<32x1xi1>, vector<32x1xi32>
        %add3A_137 = arith.addi %scan3A_107, %select_n3A_136 : vector<32x1xi32>
        %lt3A = vector.broadcast %add3A_137 : vector<32x1xi32> to vector<32x32768xi32>
        %lt3A_138 = arith.cmpi slt, %iota3A, %lt3A : vector<32x32768xi32>
        %and3A_139 = arith.andi %and3A_90, %lt3A_138 : vector<32x32768xi1>
        %jit3A_140 = arith.constant 1.000000e+00 : f32
        %jit3A_141 = arith.constant 0.000000e+00 : f32
        %broadcast_in_dim3A_142 = vector.broadcast %jit3A_140 : f32 to vector<32x32768xf32>
        %broadcast_in_dim3A_143 = vector.broadcast %jit3A_141 : f32 to vector<32x32768xf32>
        %select_n3A_144 = arith.select %and3A_139, %broadcast_in_dim3A_142, %broadcast_in_dim3A_143 : vector<32x32768xi1>, vector<32x32768xf32>
        %reduce_sum3A_145 = arith.constant dense<0.000000e+00> : vector<32xf32>
        %reduce_sum3A_146 = vector.multi_reduction <add>, %select_n3A_144, %reduce_sum3A_145 [1] : vector<32x32768xf32> to vector<32xf32>
        %broadcast_in_dim3A_147 = vector.shape_cast %reduce_sum3A_146 : vector<32xf32> to vector<32x1xf32>
        %le3A_148 = arith.cmpf ole, %broadcast_in_dim3A_147, %select_n3A_87 : vector<32x1xf32>
        %select_n3A_149 = arith.select %le3A_148, %add3A_137, %scan3A_107 : vector<32x1xi1>, vector<32x1xi32>
        %select_n3A_150 = arith.select %le3A_148, %scan3A_108, %add3A_137 : vector<32x1xi1>, vector<32x1xi32>
        scf.yield %select_n3A_149, %select_n3A_150 : vector<32x1xi32>, vector<32x1xi32>
      }
      %jit3A_100 = arith.constant 32768 : i32
      %broadcast_in_dim3A_101 = vector.broadcast %jit3A_100 : i32 to vector<32x1xi32>
      %select_n3A_102 = arith.select %gt3A_70, %scan3A_99#0, %broadcast_in_dim3A_101 : vector<32x1xi1>, vector<32x1xi32>
      %swap3A_103 = arith.constant 0 : index
      %swap3A_104 = arith.constant 0 : index
      %swap3A_105 = vector.load %arg3[%swap3A_103, %swap3A_104] : memref<32x1xi32, #tpu.memory_space<vmem>>, vector<32x1xi32>
      tpu.vector_store %arg3[%swap3A_103, %swap3A_104], %select_n3A_102 {strides = array<i32>} : memref<32x1xi32, #tpu.memory_space<vmem>>, vector<32x1xi32>,
    } else {
    }
    return
  }
  func.func @transform_0(%arg0: i32) -> (i32, i32) {
    %c3_i32 = arith.constant 3 : i32
    %c0_i32 = arith.constant 0 : i32
    %c0_i32_0 = arith.constant 0 : i32
    return %c3_i32, %c0_i32 : i32, i32
  }
  func.func @transform_1(%arg0: i32) -> (i32, i32) {
    %c0_i32 = arith.constant 0 : i32
    %c0_i32_0 = arith.constant 0 : i32
    %c0_i32_1 = arith.constant 0 : i32
    return %c0_i32, %c0_i32_0 : i32, i32
  }
  func.func @transform_2(%arg0: i32) -> (i32, i32) {
    %c0_i32 = arith.constant 0 : i32
    %c0_i32_0 = arith.constant 0 : i32
    %c0_i32_1 = arith.constant 0 : i32
    return %c0_i32, %c0_i32_0 : i32, i32
  }
}

</mosaic_0001>

<sc_bundles>
// kernel: kernel.10.cloned.1.call-start
scs
__scs_entry_jumppad:
0x0: {  	(pc) =	sbr.rel $0x88, $3  }
0x1: {  	(tag) =	ssettag $0x0;
	lr =	simm.s32 $0x1  }
0x2: {  	[smem:$0x3FA0] =	sst lr;
	_ =	strace $0xD0000000  }
0x3: {  	_ = 	snop  }
0x4: {  	_ = 	snop  }
0x5: {  	_ = 	snop  }
0x6: {  	_ = 	snop  }
0x7: {  	_ = 	snop  }
__scs_overlays_trampoline_lowered:
0x8: {  	[smem:$0x3FAF] =	sst s0  }
0x9: {  	[smem:$0x3FB0] =	sst s1  }
0xa: {  	[smem:$0x3FB1] =	sst s2  }
0xb: {  	[smem:$0x3FB2] =	sst s3  }
0xc: {  	[smem:$0x3FB3] =	sst s4  }
0xd: {  	[smem:$0x3FB4] =	sst s5  }
0xe: {  	[smem:$0x3FB5] =	sst s6  }
0xf: {  	[smem:$0x3FB6] =	sst s7  }
0x10: {  	[smem:$0x3FB7] =	sst s8  }
0x11: {  	[smem:$0x3FB8] =	sst s9;
	s0 =	simm.s32 @!p0 $0x0  }
0x12: {  	s1 =	sld [smem:$0x3F9E];
	s0 =	simm.s32 @p0 $0x1  }
0x13: {  	[smem:$0x3FB9] =	sst s0;
	s0 =	simm.s32 @!p1 $0x0  }
0x14: {  	s2 =	sld [smem:$0x3F9D];
	s0 =	simm.s32 @p1 $0x1  }
0x15: {  	[smem:$0x3FBA] =	sst s0;
	s0 =	simm.s32 @!p2 $0x0  }
0x16: {  	s3 =	sld [smem:$0x3FDB];
	s0 =	simm.s32 @p2 $0x1  }
0x17: {  	s4 =	simm.s32 $0x1BF5;
	[smem:$0x3FBC] =	sst s0  }
0x18: {  	s0 =	sld [smem:$0x3F9F];
	_ =	swait.ge [sflag:s4], $0x0  }
0x19: {  	s7 =	sld [smem:$0x3FA0]  }
0x1a: {  	s8 =	sadd.s32 $0xFFFFE003, lr  }
0x1b: {  	s9 =	sadd.s32 $0xFFFFFEF7, lr;
	s5 =	simm.s32 $0xFFFFFFFF;
	p2 =	slt.u32 s8, $0xFFFFF086  }
0x1c: {  	p1 =	slt.u32 s9, $0xF7A;
	s5 =	simm.s32 @!p2 $0x0  }
0x1d: {  	s5 =	simm.s32 @p1 $0x1;
	p0 =	seq.s32 s7, s2  }
0x1e: {  	s7 =	smul.u32 @!p0 $0xF7A, s2;
	p2 =	seq.s32 @!p0 s5, $0x0  }
0x1f: {  	s9 =	smul.u32 $0xF7A, s1;
	s8 =	simm.s32 @!p0 $0x1BF5;
	p2 =	por !p2, p0  }
0x20: {  	[sflag:s8] =	ssyncset.s32 @!p0 $0xFFFFF086;
	s6 =	sadd.s32 @!p0 s3, s7;
	s7 =	simm.s32 @!p0 $0x108  }
0x21: {  	s3 =	sadd.s32 s3, s9;
	s6 =	sadd.s32 @!p0 $0x88, s6;
	s7 =	simm.s32 @p2 $0x1082  }
0x22: {  	[simem:s7], [sflag:s8] =	dma.local @!p0 [hbm:s6], $0xF7A  }
0x23: {  	s9 =	sor.u32 $0xD0000000, s2;
	s6 =	simm.s32 $0x108;
	_ =	swait.ge @!p0 [sflag:s8], $0x0  }
0x24: {  	s3 =	sadd.s32 $0x88, s3;
	s6 =	simm.s32 @!p1 $0x1082;
	[sflag:s4] =	ssyncset.s32 $0xFFFFF086  }
0x25: {  	[simem:s6], [sflag:s4] =	dma.local [hbm:s3], $0xF7A  }
0x26: {  	[smem:$0x3FA0] =	sst s1;
	(tag) =	ssettag s2;
	_ =	strace s9  }
0x27: {  	s1 =	sld [smem:$0x3FB0]  }
0x28: {  	s2 =	sld [smem:$0x3FB1]  }
0x29: {  	s4 =	sld [smem:$0x3FB3]  }
0x2a: {  	p0 =	seq.s32 s5, $0x0;
	s5 =	sld [smem:$0x3FB4]  }
0x2b: {  	s6 =	sld [smem:$0x3FB5]  }
0x2c: {  	s7 =	sld [smem:$0x3FB6]  }
0x2d: {  	s3 =	simm.s32 $0x108;
	s8 =	sld [smem:$0x3FB7]  }
0x2e: {  	s3 =	simm.s32 @!p0 $0x1082;
	s9 =	sld [smem:$0x3FB8]  }
0x2f: {  	lr =	sadd.s32 s0, s3;
	s0 =	sld [smem:$0x3FAF]  }
0x30: {  	s3 =	sld [smem:$0x3FB2]  }
0x31: {  	[smem:$0x3FBB] =	sst s10  }
0x32: {  	s10 =	sld [smem:$0x3FB9];
	_ =	sdelay $0x3  }
0x33: {  	p0 =	seq.s32 s10, $0x1;
	s10 =	sld [smem:$0x3FBB];
	_ =	sdelay $0x3  }
0x34: {  	[smem:$0x3FBB] =	sst s10  }
0x35: {  	s10 =	sld [smem:$0x3FBA];
	_ =	sdelay $0x3  }
0x36: {  	p1 =	seq.s32 s10, $0x1;
	s10 =	sld [smem:$0x3FBB];
	_ =	sdelay $0x3  }
0x37: {  	[smem:$0x3FBB] =	sst s10  }
0x38: {  	s10 =	sld [smem:$0x3FBC]  }
0x39: {  	_ = 	snop;
	(pc) =	sbr.ind lr, $3  }
0x3a: {  	_ = 	snop  }
0x3b: {  	_ = 	snop  }
0x3c: {  	p2 =	seq.s32 s10, $0x1;
	s10 =	sld [smem:$0x3FBB]  }
0x3d: {  	_ =	shalt  }
0x3e: {  	_ =	shalt  }
0x3f: {  	_ =	shalt  }
0x40: {  	_ =	shalt  }
0x41: {  	_ =	shalt  }
0x42: {  	_ =	shalt  }
0x43: {  	_ =	shalt  }
0x44: {  	_ =	shalt  }
0x45: {  	_ =	shalt  }
0x46: {  	_ =	shalt  }
0x47: {  	_ =	shalt  }
0x48: {  	_ =	shalt  }
0x49: {  	_ =	shalt  }
0x4a: {  	_ =	shalt  }
0x4b: {  	_ =	shalt  }
0x4c: {  	_ =	shalt  }
0x4d: {  	_ =	shalt  }
0x4e: {  	_ =	shalt  }
0x4f: {  	_ =	shalt  }
0x50: {  	_ =	shalt  }
0x51: {  	_ =	shalt  }
0x52: {  	_ =	shalt  }
0x53: {  	_ =	shalt  }
0x54: {  	_ =	shalt  }
0x55: {  	_ =	shalt  }
0x56: {  	_ =	shalt  }
0x57: {  	_ =	shalt  }
0x58: {  	_ =	shalt  }
0x59: {  	_ =	shalt  }
0x5a: {  	_ =	shalt  }
0x5b: {  	_ =	shalt  }
0x5c: {  	_ =	shalt  }
0x5d: {  	_ =	shalt  }
0x5e: {  	_ =	shalt  }
0x5f: {  	_ =	shalt  }
0x60: {  	_ =	shalt  }
0x61: {  	_ =	shalt  }
0x62: {  	_ =	shalt  }
0x63: {  	_ =	shalt  }
0x64: {  	_ =	shalt  }
0x65: {  	_ =	shalt  }
0x66: {  	_ =	shalt  }
0x67: {  	_ =	shalt  }
0x68: {  	_ =	shalt  }
0x69: {  	_ =	shalt  }
0x6a: {  	_ =	shalt  }
0x6b: {  	_ =	shalt  }
0x6c: {  	_ =	shalt  }
0x6d: {  	_ =	shalt  }
0x6e: {  	_ =	shalt  }
0x6f: {  	_ =	shalt  }
0x70: {  	_ =	shalt  }
0x71: {  	_ =	shalt  }
0x72: {  	_ =	shalt  }
0x73: {  	_ =	shalt  }
0x74: {  	_ =	shalt  }
0x75: {  	_ =	shalt  }
0x76: {  	_ =	shalt  }
0x77: {  	_ =	shalt  }
0x78: {  	_ =	shalt  }
0x79: {  	_ =	shalt  }
0x7a: {  	_ =	shalt  }
0x7b: {  	_ =	shalt  }
0x7c: {  	_ =	shalt  }
0x7d: {  	_ =	shalt  }
0x7e: {  	_ =	shalt  }
0x7f: {  	_ =	shalt  }
0x80: {  	_ =	shalt  }
0x81: {  	_ =	shalt  }
0x82: {  	_ =	shalt  }
0x83: {  	_ =	shalt  }
0x84: {  	_ =	shalt  }
0x85: {  	_ =	shalt  }
0x86: {  	_ =	shalt  }
0x87: {  	_ =	shalt  }
.Lfunc_end0:
.L_simem_size_0:
called_computation_lowered:
.L_overlay_start_0:
0x88: {  	s2 =	sld [smem:$0x3FD9]  }
0x89: {  	s3 =	sld [smem:$0x3FFE];
	_ =	sdelay $0x1  }
0x8a: {  	s1 =	srdreg.scid  }
0x8b: {  	s0 =	sand.u32 $0x1, s1  }
0x8c: {  	s17 =	sshll.u32 s0, $0xA;
	s2 =	sadd.s32 s3, s2  }
0x8d: {  	s2 =	sadd.s32 s2, s17  }
0x8e: {  	[smem:$0x3FC7] =	sst s2  }
0x8f: {  	_ = 	snop  }
0x90: {  	s2 =	sld [smem:$0x3FC9];
	(tm) =	ssettm $0x1  }
0x91: {  	s18 =	sld [smem:$0x3FFB];
	_ =	sdelay $0x3  }
0x92: {  	_ =	strace s18  }
0x93: {  	s3 =	sld [smem:$0x3FFC];
	_ =	sdelay $0x3  }
0x94: {  	_ =	strace s3  }
0x95: {  	s3 =	sld [smem:$0x3FFD];
	_ =	sdelay $0x3  }
0x96: {  	_ =	strace s3  }
0x97: {  	_ =	strace $0x8FFFFFFF  }
0x98: {  	s19 =	sld [smem:$0x3FDB];
	_ =	sdelay $0x1  }
0x99: {  	s4 =	simm.s32 $_scs_section_size  }
0x9a: {  	s5 =	simm.s32 $_size__tile_overlayer_lowered;
	s6 =	simm.s32 $_tile_overlayer_lowered  }
0x9b: {  	s22 =	simm.s32 $0x1BFF;
	s21 =	sshll.u32 s6, $0x1;
	s3 =	sadd.s32 s4, s19  }
0x9c: {  	s7 =	simm.s32 $0x0;
	s20 =	sshll.u32 s5, $0x1;
	s5 =	sadd.s32 s21, s3  }
0x9d: {  	[timem:s7], [sflag:s22] =	dma.local [hbm:s5], s20  }
0x9e: {  	_ =	swait.ge [sflag:s22], s20  }
0x9f: {  	s4 =	ssub.s32 $0x0, s20;
	[sflag:s22] =	ssyncset.done $0x0  }
0xa0: {  	[sflag:s22] =	ssyncadd.s32 s4;
	_ =	sdelay $0x1  }
0xa1: {  	s23 =	simm.s32 $0x1B8B  }
0xa2: {  	_ =	swait.ge [sflag:s23], $0x1  }
0xa3: {  	[sflag:s23] =	ssyncset.done $0x0  }
0xa4: {  	s25 =	simm.s32 $0x1B8E;
	s24 =	sld [smem:$0x3FFE];
	[sflag:s23] =	ssyncadd.s32 $0xFFFFFFFF  }
0xa5: {  	s26 =	simm.s32 $execute0_lowered;
	[smem:$0x3FD2] =	sst s25  }
0xa6: {  	s5 =	sshll.u32 s26, $0x1;
	_ =	strace $0x80000046;
	[dreg:$0x1] =	wrdreg $0xFFFFFFFF  }
0xa7: {  	s28 =	simm.s32 $_size_execute0_lowered;
	s3 =	sadd.s32 s3, s5;
	[dreg:$0x0] =	wrdreg $0x0  }
0xa8: {  	s5 =	sshll.u32 s28, $0x1;
	[dreg:$0x2] =	wrdreg s3  }
0xa9: {  	[dreg:$0x3] =	wrdreg s5  }
0xaa: {  	[dreg:$0x4] =	wrdreg $0xC0  }
0xab: {  	_ =	task [dreg:s7], $0x5FFFF  }
0xac: {  	[dreg:$0x1] =	wrdreg $0xFFFFFFFF  }
0xad: {  	[dreg:$0x0] =	wrdreg $0x60  }
0xae: {  	[dreg:$0x2] =	wrdreg s2  }
0xaf: {  	[dreg:$0x3] =	wrdreg s24  }
0xb0: {  	[dreg:$0x4] =	wrdreg $0x9  }
0xb1: {  	_ =	task.clear_ibuf [dreg:s7], $0x5FFFF;
	_ =	strace $0x90000046  }
0xb2: {  	s29 =	simm.s32 $0x9;
	_ =	strace $0x80000048  }
0xb3: {  	_ =	swait.ge [sflag:s29], $0x1  }
0xb4: {  	[sflag:s29] =	ssyncadd.s32 $0xFFFFFFFF  }
0xb5: {  	_ =	strace $0x90000048  }
0xb6: {  	_ =	sfence  }
0xb7: {  	s30 =	sld [smem:$0x0];
	_ =	sdelay $0x2  }
0xb8: {  	s31 =	sshll.u32 s1, $0xD;
	s1 =	sshrl.u32 s1, $0x2  }
0xb9: {  	s3 =	sand.u32 $0x4000, s31;
	s1 =	sadd.s32 s1, s30  }
0xba: {  	s0 =	sor.u32 s3, s0;
	s1 =	sshll.u32 s1, $0x11  }
0xbb: {  	s0 =	sor.u32 s1, s0  }
0xbc: {  	s0 =	sadd.s32 $0x8F2B, s0  }
0xbd: {  	[sflag:s0] =	ssyncadd.remote.s32 $0x1  }
0xbe: {  	_ =	sfence.sel $0xFFFF  }
0xbf: {  	[dreg:$0x0] =	wrdreg $0xFFFFFFFF;
	(pc) =	sbr.abs _section_cstart, $3  }
0xc0: {  	[dreg:$0x1] =	wrdreg $0xFFFFFFFF  }
0xc1: {  	_ =	task.clear_ibuf [dreg:s7], $0x2FFFF;
	_ =	strace $0x9FFFFFFF  }
0xc2: {  	(tm) =	ssettm $0x7FFFFFFF  }
0xc3: {  	_ =	shalt  }
tec
execute0_lowered:
.L_overlay_start_1:
0x0: {  	(tag) =	ssettag $0x1  }
0x1: {  	s6 =	rddreg [dreg:$0x0]  }
0x2: {  	s2 =	rddreg [dreg:$0x1];
	s3 =	srdreg.scid  }
0x3: {  	s0 =	rddreg [dreg:$0x2];
	s1 =	stileid.u32;
	s11 =	simm.s32 $0x10200  }
0x4: {  	s12 =	simm.s32 $0x80;
	s13 =	simm.s32 $0x400;
	s14 =	simm.s32 $0x8000  }
0x5: {  	s15 =	simm.s32 $0x0;
	s5 =	sand.u32 $0x1, s3;
	s3 =	simm.s32 $0x0  }
0x6: {  	s4 =	sshll.u32 s1, $0x5;
	s8 =	sshll.u32 s1, $0xD;
	s7 =	sshll.u32 s5, $0x4  }
0x7: {  	[smem:$0x7FF] =	sst s3;
	s31 =	ssub.s32 $0x2, s5;
	s4 =	sor.u32 s7, s4  }
0x8: {  	s5 =	sadd.s32 $0x200, s2;
	s9 =	sshrl.u32 s31, $0x1;
	s7 =	sor.u32 s8, s4  }
0x9: {  	_ =	strace $0x80000047;
	s8 =	ssub.s32 s31, s9;
	s7 =	sand.u32 $0x18070, s7  }
0xa: {  	s9 =	simm.s32 $0x10000;
	s8 =	smax.u32 s8, $0x1;
	s10 =	sadd.s32 s7, s2  }
0xb: {  	s6 =	sadd.s32 s6, s7;
	s7 =	sadd.s32 $0x400, s10;
	s10 =	simm.s32 $0x1  }
.LBB2_1:
0xc: {  	[tilespmem:s9], [sflag:$0x1] =	stream.linear.gather [hbm4b:s5+s3], $0x200, $0x38;
	[tilespmem:$0x10400] =	vst v63  }
0xd: {  	_ =	swait.ge [sflag:s10], $0x200  }
0xe: {  	[sflag:s10] =	ssyncset.done $0x0  }
0xf: {  	[sflag:s10] =	ssyncadd.s32 $0xFFFFFE00  }
0x10: {  	[tilespmem:s11], [sflag:$0x1] =	stream.linear.gather [hbm4b:s2+s3], $0x200, $0x38;
	[tilespmem:$0x10400] =	vst v63  }
0x11: {  	_ =	swait.ge [sflag:s10], $0x200  }
0x12: {  	[sflag:s10] =	ssyncset.done $0x0  }
0x13: {  	[sflag:s10] =	ssyncadd.s32 $0xFFFFFE00  }
0x14: {  	[tilespmem:s3], [sflag:$0x1] =	stream.strided.gather [hbm4b:s6+s12], $0x8000, s13, s12, $0x38;
	[tilespmem:$0x10400] =	vst v63  }
0x15: {  	_ =	swait.ge [sflag:s10], $0x8000  }
0x16: {  	[sflag:s10] =	ssyncset.done $0x0  }
0x17: {  	[sflag:s10] =	ssyncadd.s32 $0xFFFF8000  }
0x18: {  	v0 =	vld [tilespmem:s4+$0x10000]  }
0x19: {  	s16 =	simm.s32 $0x0;
	v1 =	vld [tilespmem:s4+$0x10200]  }
0x1a: {  	v2 =	vld [tilespmem:s16+$0x0];
	_ =	sdelay $0x3  }
0x1b: {  	v3 =	vlaneseq.u32;
	s17 =	simm.s32 $0x40  }
.LBB2_2:
0x1c: {  	s18 =	sshra.s32 s17, $0x2;
	p0 =	sne.s32 s17, $0x1FFC0;
	s17 =	sadd.s32 $0x40, s17;
	vm0 =	veq.f32 v2, v0;
	vm1 =	vlt.s32 v3, v1;
	v4 =	vmov v2  }
.Ltmp0:
0x1d: {  	v2 =	vld [tilespmem:s18+$0x0];
	vm2 =	vgt.f32 v4, v0;
	vm0 =	vmand vm1, vm0;
	(pc) =	sbr.rel @p0 .LBB2_2-.Ltmp0, $4  }
0x1e: {  	vm0 =	vmor vm2, vm0  }
0x1f: {  	v4 =	vnsel vm0, $0x0, v4  }
0x20: {  	[tilespmem:s16+$0x8000] =	vst v4;
	s16 =	smov.u32 s18  }
0x21: {  	v3 =	vadd.s32 $0x10, v3  }
0x22: {  	vm0 =	veq.f32 v2, v0;
	vm1 =	vlt.s32 v3, v1  }
0x23: {  	vm2 =	vgt.f32 v2, v0;
	vm0 =	vmand vm1, vm0  }
0x24: {  	s15 =	sadd.s32 $0x1, s15;
	vm0 =	vmor vm2, vm0  }
0x25: {  	p0 =	sne.s32 s15, s8;
	v63 =	vnsel vm0, $0x0, v2  }
.Ltmp1:
0x26: {  	[tilespmem:s16+$0x8000] =	vst v63;
	(pc) =	sbr.rel @p0 .LBB2_1-.Ltmp1, $4  }
0x27: {  	[hbm4b:s7+s12] =	stream.strided.scatter [tilespmem:s14], [sflag:$0x1], $0x8000, s13, s12, $0x38;
	[tilespmem:$0x10400] =	vst v63  }
0x28: {  	_ =	swait.ge [sflag:s10], $0x8000  }
0x29: {  	[sflag:s10] =	ssyncset.done $0x0  }
0x2a: {  	[sflag:s10] =	ssyncadd.s32 $0xFFFF8000  }
0x2b: {  	_ =	sfence.sel $0x180000  }
0x2c: {  	[bflag:$0x0] =	sbarrier.arrive $0xFFFF  }
0x2d: {  	p0 =	sne.s32 s1, $0x0;
	_ =	strace $0x90000047  }
0x2e: {  	s0 =	sadd.s32 @!p0 $0x100000, s0;
	[bflag:$0x2] =	sbarrier.arrive $0xFFFF  }
0x2f: {  	[sflag:s0] =	ssyncadd.tile.s32 @!p0 $0x1;
	_ =	shalt  }
.Lfunc_end2:
_tile_overlayer_lowered:
.L_overlay_start_2:
0x30: {  	(tag) =	ssettag $0x2  }
0x31: {  	s0 =	rddreg [dreg:$0x0];
	s2 =	stileid.u32  }
0x32: {  	s1 =	rddreg [dreg:$0x1];
	p0 =	sne.s32 s2, $0x0  }
0x33: {  	s3 =	rddreg [dreg:$0x2];
	[bflag:$0x3] =	sbarrier.arrive $0xFFFF;
	s2 =	simm.s32 @!p0 $0x1C01  }
0x34: {  	[timem:s3], [sflag:s2] =	dma.local @!p0 [hbm:s0], s1  }
0x35: {  	s0 =	simm.s32 @!p0 $0x1  }
0x36: {  	_ =	swait.ge @!p0 [sflag:s0], s1  }
0x37: {  	s1 =	ssub.s32 @!p0 $0x0, s1;
	[sflag:s0] =	ssyncset.done @!p0 $0x0  }
0x38: {  	[sflag:s0] =	ssyncadd.s32 @!p0 s1  }
0x39: {  	[bflag:$0x3] =	sbarrier.arrive $0xFFFF  }
0x3a: {  	_ =	shalt  }

// kernel: kernel.13.cloned.1.call-start
scs
__scs_entry_jumppad:
0x0: {  	(pc) =	sbr.rel $0x88, $3  }
0x1: {  	(tag) =	ssettag $0x0;
	lr =	simm.s32 $0x1  }
0x2: {  	[smem:$0x3FA0] =	sst lr;
	_ =	strace $0xD0000000  }
0x3: {  	_ = 	snop  }
0x4: {  	_ = 	snop  }
0x5: {  	_ = 	snop  }
0x6: {  	_ = 	snop  }
0x7: {  	_ = 	snop  }
__scs_overlays_trampoline_lowered:
0x8: {  	[smem:$0x3FAF] =	sst s0  }
0x9: {  	[smem:$0x3FB0] =	sst s1  }
0xa: {  	[smem:$0x3FB1] =	sst s2  }
0xb: {  	[smem:$0x3FB2] =	sst s3  }
0xc: {  	[smem:$0x3FB3] =	sst s4  }
0xd: {  	[smem:$0x3FB4] =	sst s5  }
0xe: {  	[smem:$0x3FB5] =	sst s6  }
0xf: {  	[smem:$0x3FB6] =	sst s7  }
0x10: {  	[smem:$0x3FB7] =	sst s8  }
0x11: {  	[smem:$0x3FB8] =	sst s9;
	s0 =	simm.s32 @!p0 $0x0  }
0x12: {  	s1 =	sld [smem:$0x3F9E];
	s0 =	simm.s32 @p0 $0x1  }
0x13: {  	[smem:$0x3FB9] =	sst s0;
	s0 =	simm.s32 @!p1 $0x0  }
0x14: {  	s2 =	sld [smem:$0x3F9D];
	s0 =	simm.s32 @p1 $0x1  }
0x15: {  	[smem:$0x3FBA] =	sst s0;
	s0 =	simm.s32 @!p2 $0x0  }
0x16: {  	s3 =	sld [smem:$0x3FDB];
	s0 =	simm.s32 @p2 $0x1  }
0x17: {  	s4 =	simm.s32 $0x1BF5;
	[smem:$0x3FBC] =	sst s0  }
0x18: {  	s0 =	sld [smem:$0x3F9F];
	_ =	swait.ge [sflag:s4], $0x0  }
0x19: {  	s7 =	sld [smem:$0x3FA0]  }
0x1a: {  	s8 =	sadd.s32 $0xFFFFE003, lr  }
0x1b: {  	s9 =	sadd.s32 $0xFFFFFEF7, lr;
	s5 =	simm.s32 $0xFFFFFFFF;
	p2 =	slt.u32 s8, $0xFFFFF086  }
0x1c: {  	p1 =	slt.u32 s9, $0xF7A;
	s5 =	simm.s32 @!p2 $0x0  }
0x1d: {  	s5 =	simm.s32 @p1 $0x1;
	p0 =	seq.s32 s7, s2  }
0x1e: {  	s7 =	smul.u32 @!p0 $0xF7A, s2;
	p2 =	seq.s32 @!p0 s5, $0x0  }
0x1f: {  	s9 =	smul.u32 $0xF7A, s1;
	s8 =	simm.s32 @!p0 $0x1BF5;
	p2 =	por !p2, p0  }
0x20: {  	[sflag:s8] =	ssyncset.s32 @!p0 $0xFFFFF086;
	s6 =	sadd.s32 @!p0 s3, s7;
	s7 =	simm.s32 @!p0 $0x108  }
0x21: {  	s3 =	sadd.s32 s3, s9;
	s6 =	sadd.s32 @!p0 $0x88, s6;
	s7 =	simm.s32 @p2 $0x1082  }
0x22: {  	[simem:s7], [sflag:s8] =	dma.local @!p0 [hbm:s6], $0xF7A  }
0x23: {  	s9 =	sor.u32 $0xD0000000, s2;
	s6 =	simm.s32 $0x108;
	_ =	swait.ge @!p0 [sflag:s8], $0x0  }
0x24: {  	s3 =	sadd.s32 $0x88, s3;
	s6 =	simm.s32 @!p1 $0x1082;
	[sflag:s4] =	ssyncset.s32 $0xFFFFF086  }
0x25: {  	[simem:s6], [sflag:s4] =	dma.local [hbm:s3], $0xF7A  }
0x26: {  	[smem:$0x3FA0] =	sst s1;
	(tag) =	ssettag s2;
	_ =	strace s9  }
0x27: {  	s1 =	sld [smem:$0x3FB0]  }
0x28: {  	s2 =	sld [smem:$0x3FB1]  }
0x29: {  	s4 =	sld [smem:$0x3FB3]  }
0x2a: {  	p0 =	seq.s32 s5, $0x0;
	s5 =	sld [smem:$0x3FB4]  }
0x2b: {  	s6 =	sld [smem:$0x3FB5]  }
0x2c: {  	s7 =	sld [smem:$0x3FB6]  }
0x2d: {  	s3 =	simm.s32 $0x108;
	s8 =	sld [smem:$0x3FB7]  }
0x2e: {  	s3 =	simm.s32 @!p0 $0x1082;
	s9 =	sld [smem:$0x3FB8]  }
0x2f: {  	lr =	sadd.s32 s0, s3;
	s0 =	sld [smem:$0x3FAF]  }
0x30: {  	s3 =	sld [smem:$0x3FB2]  }
0x31: {  	[smem:$0x3FBB] =	sst s10  }
0x32: {  	s10 =	sld [smem:$0x3FB9];
	_ =	sdelay $0x3  }
0x33: {  	p0 =	seq.s32 s10, $0x1;
	s10 =	sld [smem:$0x3FBB];
	_ =	sdelay $0x3  }
0x34: {  	[smem:$0x3FBB] =	sst s10  }
0x35: {  	s10 =	sld [smem:$0x3FBA];
	_ =	sdelay $0x3  }
0x36: {  	p1 =	seq.s32 s10, $0x1;
	s10 =	sld [smem:$0x3FBB];
	_ =	sdelay $0x3  }
0x37: {  	[smem:$0x3FBB] =	sst s10  }
0x38: {  	s10 =	sld [smem:$0x3FBC]  }
0x39: {  	_ = 	snop;
	(pc) =	sbr.ind lr, $3  }
0x3a: {  	_ = 	snop  }
0x3b: {  	_ = 	snop  }
0x3c: {  	p2 =	seq.s32 s10, $0x1;
	s10 =	sld [smem:$0x3FBB]  }
0x3d: {  	_ =	shalt  }
0x3e: {  	_ =	shalt  }
0x3f: {  	_ =	shalt  }
0x40: {  	_ =	shalt  }
0x41: {  	_ =	shalt  }
0x42: {  	_ =	shalt  }
0x43: {  	_ =	shalt  }
0x44: {  	_ =	shalt  }
0x45: {  	_ =	shalt  }
0x46: {  	_ =	shalt  }
0x47: {  	_ =	shalt  }
0x48: {  	_ =	shalt  }
0x49: {  	_ =	shalt  }
0x4a: {  	_ =	shalt  }
0x4b: {  	_ =	shalt  }
0x4c: {  	_ =	shalt  }
0x4d: {  	_ =	shalt  }
0x4e: {  	_ =	shalt  }
0x4f: {  	_ =	shalt  }
0x50: {  	_ =	shalt  }
0x51: {  	_ =	shalt  }
0x52: {  	_ =	shalt  }
0x53: {  	_ =	shalt  }
0x54: {  	_ =	shalt  }
0x55: {  	_ =	shalt  }
0x56: {  	_ =	shalt  }
0x57: {  	_ =	shalt  }
0x58: {  	_ =	shalt  }
0x59: {  	_ =	shalt  }
0x5a: {  	_ =	shalt  }
0x5b: {  	_ =	shalt  }
0x5c: {  	_ =	shalt  }
0x5d: {  	_ =	shalt  }
0x5e: {  	_ =	shalt  }
0x5f: {  	_ =	shalt  }
0x60: {  	_ =	shalt  }
0x61: {  	_ =	shalt  }
0x62: {  	_ =	shalt  }
0x63: {  	_ =	shalt  }
0x64: {  	_ =	shalt  }
0x65: {  	_ =	shalt  }
0x66: {  	_ =	shalt  }
0x67: {  	_ =	shalt  }
0x68: {  	_ =	shalt  }
0x69: {  	_ =	shalt  }
0x6a: {  	_ =	shalt  }
0x6b: {  	_ =	shalt  }
0x6c: {  	_ =	shalt  }
0x6d: {  	_ =	shalt  }
0x6e: {  	_ =	shalt  }
0x6f: {  	_ =	shalt  }
0x70: {  	_ =	shalt  }
0x71: {  	_ =	shalt  }
0x72: {  	_ =	shalt  }
0x73: {  	_ =	shalt  }
0x74: {  	_ =	shalt  }
0x75: {  	_ =	shalt  }
0x76: {  	_ =	shalt  }
0x77: {  	_ =	shalt  }
0x78: {  	_ =	shalt  }
0x79: {  	_ =	shalt  }
0x7a: {  	_ =	shalt  }
0x7b: {  	_ =	shalt  }
0x7c: {  	_ =	shalt  }
0x7d: {  	_ =	shalt  }
0x7e: {  	_ =	shalt  }
0x7f: {  	_ =	shalt  }
0x80: {  	_ =	shalt  }
0x81: {  	_ =	shalt  }
0x82: {  	_ =	shalt  }
0x83: {  	_ =	shalt  }
0x84: {  	_ =	shalt  }
0x85: {  	_ =	shalt  }
0x86: {  	_ =	shalt  }
0x87: {  	_ =	shalt  }
.Lfunc_end0:
.L_simem_size_0:
called_computation.1_lowered:
.L_overlay_start_0:
0x88: {  	s2 =	sld [smem:$0x3FD9]  }
0x89: {  	s3 =	sld [smem:$0x3FFE];
	_ =	sdelay $0x1  }
0x8a: {  	s1 =	srdreg.scid  }
0x8b: {  	s0 =	sand.u32 $0x1, s1  }
0x8c: {  	s17 =	sshll.u32 s0, $0xA;
	s2 =	sadd.s32 s3, s2  }
0x8d: {  	s2 =	sadd.s32 s2, s17  }
0x8e: {  	[smem:$0x3FC7] =	sst s2  }
0x8f: {  	_ = 	snop  }
0x90: {  	s18 =	sld [smem:$0x3FC9];
	(tm) =	ssettm $0x1  }
0x91: {  	s19 =	sld [smem:$0x3FFB];
	_ =	sdelay $0x3  }
0x92: {  	_ =	strace s19  }
0x93: {  	s2 =	sld [smem:$0x3FFC];
	_ =	sdelay $0x3  }
0x94: {  	_ =	strace s2  }
0x95: {  	s2 =	sld [smem:$0x3FFD];
	_ =	sdelay $0x3  }
0x96: {  	_ =	strace s2  }
0x97: {  	_ =	strace $0x8FFFFFFF  }
0x98: {  	s20 =	sld [smem:$0x3FDB];
	_ =	sdelay $0x1  }
0x99: {  	s4 =	simm.s32 $_scs_section_size  }
0x9a: {  	s5 =	simm.s32 $_size__tile_overlayer_lowered;
	s6 =	simm.s32 $_tile_overlayer_lowered  }
0x9b: {  	s7 =	simm.s32 $0x1BFF;
	s21 =	sshll.u32 s6, $0x1;
	s4 =	sadd.s32 s4, s20  }
0x9c: {  	s22 =	simm.s32 $0x0;
	s5 =	sshll.u32 s5, $0x1;
	s6 =	sadd.s32 s21, s4  }
0x9d: {  	[timem:s22], [sflag:s7] =	dma.local [hbm:s6], s5  }
0x9e: {  	_ =	swait.ge [sflag:s7], s5  }
0x9f: {  	s5 =	ssub.s32 $0x0, s5;
	[sflag:s7] =	ssyncset.done $0x0  }
0xa0: {  	[sflag:s7] =	ssyncadd.s32 s5;
	_ =	sdelay $0x1  }
0xa1: {  	s23 =	simm.s32 $0x1B8B  }
0xa2: {  	_ =	swait.ge [sflag:s23], $0x1  }
0xa3: {  	[sflag:s23] =	ssyncset.done $0x0  }
0xa4: {  	[sflag:s23] =	ssyncadd.s32 $0xFFFFFFFF  }
0xa5: {  	s5 =	sld [smem:$0x0]  }
0xa6: {  	s6 =	sand.u32 $0xFFFFFFFE, s1  }
0xa7: {  	p0 =	sne.s32 s1, s6  }
0xa8: {  	s6 =	sshll.u32 @p0 s6, $0xE  }
0xa9: {  	s6 =	sadd.s32 @p0 $0x11B8D, s6;
	s7 =	sshll.u32 @p0 s5, $0x11  }
0xaa: {  	s6 =	sor.u32 @p0 s7, s6  }
0xab: {  	[sflag:s6] =	ssyncadd.remote.s32 @p0 $0x1;
	_ =	sdelay $0x1  }
0xac: {  	s6 =	simm.s32 @p0 $0x1B8D  }
0xad: {  	_ =	swait.eq @p0 [sflag:s6], $0x1  }
0xae: {  	[sflag:s6] =	ssyncadd.s32 @p0 $0xFFFFFFFF  }
0xaf: {  	s7 =	sshll.u32 @!p0 s1, $0xE  }
0xb0: {  	s7 =	sor.u32 @!p0 $0x4000, s7;
	s6 =	simm.s32 @!p0 $0x1B8D  }
0xb1: {  	s5 =	sshll.u32 @!p0 s5, $0x11;
	s7 =	sadd.s32 @!p0 $0x11B8D, s7;
	_ =	swait.eq @!p0 [sflag:s6], $0x1  }
0xb2: {  	s5 =	sor.u32 @!p0 s5, s7;
	[sflag:s6] =	ssyncadd.s32 @!p0 $0xFFFFFFFF  }
0xb3: {  	s25 =	simm.s32 $0x1B8E;
	s24 =	sld [smem:$0x3FFE];
	[sflag:s5] =	ssyncadd.remote.s32 @!p0 $0x1  }
0xb4: {  	s26 =	simm.s32 $execute0_lowered;
	[smem:$0x3FD2] =	sst s25  }
0xb5: {  	s6 =	sshll.u32 s26, $0x1;
	_ =	strace $0x80000049;
	[dreg:$0x1] =	wrdreg $0xFFFFFFFF  }
0xb6: {  	s28 =	simm.s32 $_size_execute0_lowered;
	s4 =	sadd.s32 s4, s6;
	[dreg:$0x0] =	wrdreg $0x0  }
0xb7: {  	s6 =	sshll.u32 s28, $0x1;
	[dreg:$0x2] =	wrdreg s4  }
0xb8: {  	[dreg:$0x3] =	wrdreg s6  }
0xb9: {  	[dreg:$0x4] =	wrdreg $0xC0  }
0xba: {  	_ =	task [dreg:s22], $0x5FFFF  }
0xbb: {  	[dreg:$0x1] =	wrdreg $0xFFFFFFFF  }
0xbc: {  	[dreg:$0x0] =	wrdreg $0x60  }
0xbd: {  	[dreg:$0x2] =	wrdreg s18  }
0xbe: {  	[dreg:$0x3] =	wrdreg s24  }
0xbf: {  	[dreg:$0x4] =	wrdreg $0xA  }
0xc0: {  	_ =	task.clear_ibuf [dreg:s22], $0x5FFFF;
	_ =	strace $0x90000049  }
0xc1: {  	s29 =	simm.s32 $0xA;
	_ =	strace $0x8000004B  }
0xc2: {  	_ =	swait.ge [sflag:s29], $0x1  }
0xc3: {  	[sflag:s29] =	ssyncadd.s32 $0xFFFFFFFF  }
0xc4: {  	_ =	strace $0x9000004B  }
0xc5: {  	_ =	sfence  }
0xc6: {  	s30 =	sld [smem:$0x0];
	_ =	sdelay $0x2  }
0xc7: {  	s31 =	sshll.u32 s1, $0xD;
	s1 =	sshrl.u32 s1, $0x2  }
0xc8: {  	s4 =	sand.u32 $0x4000, s31;
	s1 =	sadd.s32 s1, s30  }
0xc9: {  	s0 =	sor.u32 s4, s0;
	s1 =	sshll.u32 s1, $0x11  }
0xca: {  	s0 =	sor.u32 s1, s0  }
0xcb: {  	s0 =	sadd.s32 $0x8F2B, s0  }
0xcc: {  	[sflag:s0] =	ssyncadd.remote.s32 $0x1  }
0xcd: {  	_ =	sfence.sel $0xFFFF  }
0xce: {  	[dreg:$0x0] =	wrdreg $0xFFFFFFFF;
	(pc) =	sbr.abs _section_cstart, $3  }
0xcf: {  	[dreg:$0x1] =	wrdreg $0xFFFFFFFF  }
0xd0: {  	_ =	task.clear_ibuf [dreg:s22], $0x2FFFF;
	_ =	strace $0x9FFFFFFF  }
0xd1: {  	(tm) =	ssettm $0x7FFFFFFF  }
tec
execute0_lowered:
.L_overlay_start_1:
0x0: {  	(tag) =	ssettag $0x1  }
0x1: {  	s6 =	rddreg [dreg:$0x0]  }
0x2: {  	s7 =	rddreg [dreg:$0x1];
	s2 =	srdreg.scid  }
0x3: {  	s0 =	rddreg [dreg:$0x2];
	s1 =	stileid.u32  }
0x4: {  	s11 =	simm.s32 $0x10200;
	s12 =	simm.s32 $0x80;
	s13 =	simm.s32 $0x400  }
0x5: {  	s14 =	simm.s32 $0x8000;
	s15 =	simm.s32 $0x0;
	s5 =	sand.u32 $0x1, s2  }
0x6: {  	s2 =	simm.s32 $0x0;
	s3 =	sshll.u32 s1, $0x5;
	s8 =	sshll.u32 s1, $0xD  }
0x7: {  	s4 =	sshll.u32 s5, $0x4;
	[smem:$0x7FF] =	sst s2;
	s9 =	ssub.s32 $0x2, s5  }
0x8: {  	s5 =	sadd.s32 $0x20400, s7;
	s3 =	sor.u32 s4, s3;
	_ =	strace $0x8000004A  }
0x9: {  	s4 =	sadd.s32 $0x20600, s7;
	s10 =	sshrl.u32 s9, $0x1;
	s8 =	sor.u32 s8, s3  }
0xa: {  	s31 =	ssub.s32 s9, s10;
	s9 =	simm.s32 $0x10000;
	s8 =	sand.u32 $0x18070, s8  }
0xb: {  	s10 =	simm.s32 $0x1;
	s6 =	sadd.s32 s8, s6;
	s7 =	sadd.s32 s8, s7  }
0xc: {  	s8 =	smax.u32 s31, $0x1;
	s6 =	sadd.s32 $0x20000, s6;
	s7 =	sadd.s32 $0x20800, s7  }
.LBB2_1:
0xd: {  	[tilespmem:s9], [sflag:$0x1] =	stream.linear.gather [hbm4b:s4+s2], $0x200, $0x38;
	[tilespmem:$0x10400] =	vst v63  }
0xe: {  	_ =	swait.ge [sflag:s10], $0x200  }
0xf: {  	[sflag:s10] =	ssyncset.done $0x0  }
0x10: {  	[sflag:s10] =	ssyncadd.s32 $0xFFFFFE00  }
0x11: {  	[tilespmem:s11], [sflag:$0x1] =	stream.linear.gather [hbm4b:s5+s2], $0x200, $0x38;
	[tilespmem:$0x10400] =	vst v63  }
0x12: {  	_ =	swait.ge [sflag:s10], $0x200  }
0x13: {  	[sflag:s10] =	ssyncset.done $0x0  }
0x14: {  	[sflag:s10] =	ssyncadd.s32 $0xFFFFFE00  }
0x15: {  	[tilespmem:s2], [sflag:$0x1] =	stream.strided.gather [hbm4b:s6+s12], $0x8000, s13, s12, $0x38;
	[tilespmem:$0x10400] =	vst v63  }
0x16: {  	_ =	swait.ge [sflag:s10], $0x8000  }
0x17: {  	[sflag:s10] =	ssyncset.done $0x0  }
0x18: {  	[sflag:s10] =	ssyncadd.s32 $0xFFFF8000  }
0x19: {  	v0 =	vld [tilespmem:s3+$0x10000]  }
0x1a: {  	s16 =	simm.s32 $0x0;
	v1 =	vld [tilespmem:s3+$0x10200]  }
0x1b: {  	v2 =	vld [tilespmem:s16+$0x0];
	_ =	sdelay $0x3  }
0x1c: {  	v3 =	vlaneseq.u32;
	s17 =	simm.s32 $0x40  }
.LBB2_2:
0x1d: {  	s18 =	sshra.s32 s17, $0x2;
	p0 =	sne.s32 s17, $0x1FFC0;
	s17 =	sadd.s32 $0x40, s17;
	vm0 =	veq.f32 v2, v0;
	vm1 =	vlt.s32 v3, v1;
	v4 =	vmov v2  }
.Ltmp0:
0x1e: {  	v2 =	vld [tilespmem:s18+$0x0];
	vm2 =	vgt.f32 v4, v0;
	vm0 =	vmand vm1, vm0;
	(pc) =	sbr.rel @p0 .LBB2_2-.Ltmp0, $4  }
0x1f: {  	vm0 =	vmor vm2, vm0  }
0x20: {  	v4 =	vnsel vm0, $0x0, v4  }
0x21: {  	[tilespmem:s16+$0x8000] =	vst v4;
	s16 =	smov.u32 s18  }
0x22: {  	v3 =	vadd.s32 $0x10, v3  }
0x23: {  	vm0 =	veq.f32 v2, v0;
	vm1 =	vlt.s32 v3, v1  }
0x24: {  	vm2 =	vgt.f32 v2, v0;
	vm0 =	vmand vm1, vm0  }
0x25: {  	s15 =	sadd.s32 $0x1, s15;
	vm0 =	vmor vm2, vm0  }
0x26: {  	p0 =	sne.s32 s15, s8;
	v63 =	vnsel vm0, $0x0, v2  }
.Ltmp1:
0x27: {  	[tilespmem:s16+$0x8000] =	vst v63;
	(pc) =	sbr.rel @p0 .LBB2_1-.Ltmp1, $4  }
0x28: {  	[hbm4b:s7+s12] =	stream.strided.scatter [tilespmem:s14], [sflag:$0x1], $0x8000, s13, s12, $0x38;
	[tilespmem:$0x10400] =	vst v63  }
0x29: {  	_ =	swait.ge [sflag:s10], $0x8000  }
0x2a: {  	[sflag:s10] =	ssyncset.done $0x0  }
0x2b: {  	[sflag:s10] =	ssyncadd.s32 $0xFFFF8000  }
0x2c: {  	_ =	sfence.sel $0x180000  }
0x2d: {  	[bflag:$0x0] =	sbarrier.arrive $0xFFFF  }
0x2e: {  	p0 =	sne.s32 s1, $0x0;
	_ =	strace $0x9000004A  }
0x2f: {  	s0 =	sadd.s32 @!p0 $0x100000, s0;
	[bflag:$0x2] =	sbarrier.arrive $0xFFFF  }
0x30: {  	[sflag:s0] =	ssyncadd.tile.s32 @!p0 $0x1;
	_ =	shalt  }
.Lfunc_end2:
_tile_overlayer_lowered:
.L_overlay_start_2:
0x31: {  	(tag) =	ssettag $0x2  }
0x32: {  	s0 =	rddreg [dreg:$0x0];
	s2 =	stileid.u32  }
0x33: {  	s1 =	rddreg [dreg:$0x1];
	p0 =	sne.s32 s2, $0x0  }
0x34: {  	s3 =	rddreg [dreg:$0x2];
	[bflag:$0x3] =	sbarrier.arrive $0xFFFF;
	s2 =	simm.s32 @!p0 $0x1C01  }
0x35: {  	[timem:s3], [sflag:s2] =	dma.local @!p0 [hbm:s0], s1  }
0x36: {  	s0 =	simm.s32 @!p0 $0x1  }
0x37: {  	_ =	swait.ge @!p0 [sflag:s0], s1  }
0x38: {  	s1 =	ssub.s32 @!p0 $0x0, s1;
	[sflag:s0] =	ssyncset.done @!p0 $0x0  }
0x39: {  	[sflag:s0] =	ssyncadd.s32 @!p0 s1  }
0x3a: {  	[bflag:$0x3] =	sbarrier.arrive $0xFFFF  }
0x3b: {  	_ =	shalt  }

// kernel: kernel.16.cloned.1.call-start
scs
__scs_entry_jumppad:
0x0: {  	(pc) =	sbr.rel $0x88, $3  }
0x1: {  	(tag) =	ssettag $0x0;
	lr =	simm.s32 $0x1  }
0x2: {  	[smem:$0x3FA0] =	sst lr;
	_ =	strace $0xD0000000  }
0x3: {  	_ = 	snop  }
0x4: {  	_ = 	snop  }
0x5: {  	_ = 	snop  }
0x6: {  	_ = 	snop  }
0x7: {  	_ = 	snop  }
__scs_overlays_trampoline_lowered:
0x8: {  	[smem:$0x3FAF] =	sst s0  }
0x9: {  	[smem:$0x3FB0] =	sst s1  }
0xa: {  	[smem:$0x3FB1] =	sst s2  }
0xb: {  	[smem:$0x3FB2] =	sst s3  }
0xc: {  	[smem:$0x3FB3] =	sst s4  }
0xd: {  	[smem:$0x3FB4] =	sst s5  }
0xe: {  	[smem:$0x3FB5] =	sst s6  }
0xf: {  	[smem:$0x3FB6] =	sst s7  }
0x10: {  	[smem:$0x3FB7] =	sst s8  }
0x11: {  	[smem:$0x3FB8] =	sst s9;
	s0 =	simm.s32 @!p0 $0x0  }
0x12: {  	s1 =	sld [smem:$0x3F9E];
	s0 =	simm.s32 @p0 $0x1  }
0x13: {  	[smem:$0x3FB9] =	sst s0;
	s0 =	simm.s32 @!p1 $0x0  }
0x14: {  	s2 =	sld [smem:$0x3F9D];
	s0 =	simm.s32 @p1 $0x1  }
0x15: {  	[smem:$0x3FBA] =	sst s0;
	s0 =	simm.s32 @!p2 $0x0  }
0x16: {  	s3 =	sld [smem:$0x3FDB];
	s0 =	simm.s32 @p2 $0x1  }
0x17: {  	s4 =	simm.s32 $0x1BF5;
	[smem:$0x3FBC] =	sst s0  }
0x18: {  	s0 =	sld [smem:$0x3F9F];
	_ =	swait.ge [sflag:s4], $0x0  }
0x19: {  	s7 =	sld [smem:$0x3FA0]  }
0x1a: {  	s8 =	sadd.s32 $0xFFFFE003, lr  }
0x1b: {  	s9 =	sadd.s32 $0xFFFFFEF7, lr;
	s5 =	simm.s32 $0xFFFFFFFF;
	p2 =	slt.u32 s8, $0xFFFFF086  }
0x1c: {  	p1 =	slt.u32 s9, $0xF7A;
	s5 =	simm.s32 @!p2 $0x0  }
0x1d: {  	s5 =	simm.s32 @p1 $0x1;
	p0 =	seq.s32 s7, s2  }
0x1e: {  	s7 =	smul.u32 @!p0 $0xF7A, s2;
	p2 =	seq.s32 @!p0 s5, $0x0  }
0x1f: {  	s9 =	smul.u32 $0xF7A, s1;
	s8 =	simm.s32 @!p0 $0x1BF5;
	p2 =	por !p2, p0  }
0x20: {  	[sflag:s8] =	ssyncset.s32 @!p0 $0xFFFFF086;
	s6 =	sadd.s32 @!p0 s3, s7;
	s7 =	simm.s32 @!p0 $0x108  }
0x21: {  	s3 =	sadd.s32 s3, s9;
	s6 =	sadd.s32 @!p0 $0x88, s6;
	s7 =	simm.s32 @p2 $0x1082  }
0x22: {  	[simem:s7], [sflag:s8] =	dma.local @!p0 [hbm:s6], $0xF7A  }
0x23: {  	s9 =	sor.u32 $0xD0000000, s2;
	s6 =	simm.s32 $0x108;
	_ =	swait.ge @!p0 [sflag:s8], $0x0  }
0x24: {  	s3 =	sadd.s32 $0x88, s3;
	s6 =	simm.s32 @!p1 $0x1082;
	[sflag:s4] =	ssyncset.s32 $0xFFFFF086  }
0x25: {  	[simem:s6], [sflag:s4] =	dma.local [hbm:s3], $0xF7A  }
0x26: {  	[smem:$0x3FA0] =	sst s1;
	(tag) =	ssettag s2;
	_ =	strace s9  }
0x27: {  	s1 =	sld [smem:$0x3FB0]  }
0x28: {  	s2 =	sld [smem:$0x3FB1]  }
0x29: {  	s4 =	sld [smem:$0x3FB3]  }
0x2a: {  	p0 =	seq.s32 s5, $0x0;
	s5 =	sld [smem:$0x3FB4]  }
0x2b: {  	s6 =	sld [smem:$0x3FB5]  }
0x2c: {  	s7 =	sld [smem:$0x3FB6]  }
0x2d: {  	s3 =	simm.s32 $0x108;
	s8 =	sld [smem:$0x3FB7]  }
0x2e: {  	s3 =	simm.s32 @!p0 $0x1082;
	s9 =	sld [smem:$0x3FB8]  }
0x2f: {  	lr =	sadd.s32 s0, s3;
	s0 =	sld [smem:$0x3FAF]  }
0x30: {  	s3 =	sld [smem:$0x3FB2]  }
0x31: {  	[smem:$0x3FBB] =	sst s10  }
0x32: {  	s10 =	sld [smem:$0x3FB9];
	_ =	sdelay $0x3  }
0x33: {  	p0 =	seq.s32 s10, $0x1;
	s10 =	sld [smem:$0x3FBB];
	_ =	sdelay $0x3  }
0x34: {  	[smem:$0x3FBB] =	sst s10  }
0x35: {  	s10 =	sld [smem:$0x3FBA];
	_ =	sdelay $0x3  }
0x36: {  	p1 =	seq.s32 s10, $0x1;
	s10 =	sld [smem:$0x3FBB];
	_ =	sdelay $0x3  }
0x37: {  	[smem:$0x3FBB] =	sst s10  }
0x38: {  	s10 =	sld [smem:$0x3FBC]  }
0x39: {  	_ = 	snop;
	(pc) =	sbr.ind lr, $3  }
0x3a: {  	_ = 	snop  }
0x3b: {  	_ = 	snop  }
0x3c: {  	p2 =	seq.s32 s10, $0x1;
	s10 =	sld [smem:$0x3FBB]  }
0x3d: {  	_ =	shalt  }
0x3e: {  	_ =	shalt  }
0x3f: {  	_ =	shalt  }
0x40: {  	_ =	shalt  }
0x41: {  	_ =	shalt  }
0x42: {  	_ =	shalt  }
0x43: {  	_ =	shalt  }
0x44: {  	_ =	shalt  }
0x45: {  	_ =	shalt  }
0x46: {  	_ =	shalt  }
0x47: {  	_ =	shalt  }
0x48: {  	_ =	shalt  }
0x49: {  	_ =	shalt  }
0x4a: {  	_ =	shalt  }
0x4b: {  	_ =	shalt  }
0x4c: {  	_ =	shalt  }
0x4d: {  	_ =	shalt  }
0x4e: {  	_ =	shalt  }
0x4f: {  	_ =	shalt  }
0x50: {  	_ =	shalt  }
0x51: {  	_ =	shalt  }
0x52: {  	_ =	shalt  }
0x53: {  	_ =	shalt  }
0x54: {  	_ =	shalt  }
0x55: {  	_ =	shalt  }
0x56: {  	_ =	shalt  }
0x57: {  	_ =	shalt  }
0x58: {  	_ =	shalt  }
0x59: {  	_ =	shalt  }
0x5a: {  	_ =	shalt  }
0x5b: {  	_ =	shalt  }
0x5c: {  	_ =	shalt  }
0x5d: {  	_ =	shalt  }
0x5e: {  	_ =	shalt  }
0x5f: {  	_ =	shalt  }
0x60: {  	_ =	shalt  }
0x61: {  	_ =	shalt  }
0x62: {  	_ =	shalt  }
0x63: {  	_ =	shalt  }
0x64: {  	_ =	shalt  }
0x65: {  	_ =	shalt  }
0x66: {  	_ =	shalt  }
0x67: {  	_ =	shalt  }
0x68: {  	_ =	shalt  }
0x69: {  	_ =	shalt  }
0x6a: {  	_ =	shalt  }
0x6b: {  	_ =	shalt  }
0x6c: {  	_ =	shalt  }
0x6d: {  	_ =	shalt  }
0x6e: {  	_ =	shalt  }
0x6f: {  	_ =	shalt  }
0x70: {  	_ =	shalt  }
0x71: {  	_ =	shalt  }
0x72: {  	_ =	shalt  }
0x73: {  	_ =	shalt  }
0x74: {  	_ =	shalt  }
0x75: {  	_ =	shalt  }
0x76: {  	_ =	shalt  }
0x77: {  	_ =	shalt  }
0x78: {  	_ =	shalt  }
0x79: {  	_ =	shalt  }
0x7a: {  	_ =	shalt  }
0x7b: {  	_ =	shalt  }
0x7c: {  	_ =	shalt  }
0x7d: {  	_ =	shalt  }
0x7e: {  	_ =	shalt  }
0x7f: {  	_ =	shalt  }
0x80: {  	_ =	shalt  }
0x81: {  	_ =	shalt  }
0x82: {  	_ =	shalt  }
0x83: {  	_ =	shalt  }
0x84: {  	_ =	shalt  }
0x85: {  	_ =	shalt  }
0x86: {  	_ =	shalt  }
0x87: {  	_ =	shalt  }
.Lfunc_end0:
.L_simem_size_0:
called_computation.2_lowered:
.L_overlay_start_0:
0x88: {  	s2 =	sld [smem:$0x3FD9]  }
0x89: {  	s3 =	sld [smem:$0x3FFE];
	_ =	sdelay $0x1  }
0x8a: {  	s1 =	srdreg.scid  }
0x8b: {  	s0 =	sand.u32 $0x1, s1  }
0x8c: {  	s17 =	sshll.u32 s0, $0xA;
	s2 =	sadd.s32 s3, s2  }
0x8d: {  	s2 =	sadd.s32 s2, s17  }
0x8e: {  	[smem:$0x3FC7] =	sst s2  }
0x8f: {  	_ = 	snop  }
0x90: {  	s18 =	sld [smem:$0x3FC9];
	(tm) =	ssettm $0x1  }
0x91: {  	s19 =	sld [smem:$0x3FFB];
	_ =	sdelay $0x3  }
0x92: {  	_ =	strace s19  }
0x93: {  	s2 =	sld [smem:$0x3FFC];
	_ =	sdelay $0x3  }
0x94: {  	_ =	strace s2  }
0x95: {  	s2 =	sld [smem:$0x3FFD];
	_ =	sdelay $0x3  }
0x96: {  	_ =	strace s2  }
0x97: {  	_ =	strace $0x8FFFFFFF  }
0x98: {  	s20 =	sld [smem:$0x3FDB];
	_ =	sdelay $0x1  }
0x99: {  	s4 =	simm.s32 $_scs_section_size  }
0x9a: {  	s5 =	simm.s32 $_size__tile_overlayer_lowered;
	s6 =	simm.s32 $_tile_overlayer_lowered  }
0x9b: {  	s7 =	simm.s32 $0x1BFF;
	s21 =	sshll.u32 s6, $0x1;
	s4 =	sadd.s32 s4, s20  }
0x9c: {  	s22 =	simm.s32 $0x0;
	s5 =	sshll.u32 s5, $0x1;
	s6 =	sadd.s32 s21, s4  }
0x9d: {  	[timem:s22], [sflag:s7] =	dma.local [hbm:s6], s5  }
0x9e: {  	_ =	swait.ge [sflag:s7], s5  }
0x9f: {  	s5 =	ssub.s32 $0x0, s5;
	[sflag:s7] =	ssyncset.done $0x0  }
0xa0: {  	[sflag:s7] =	ssyncadd.s32 s5;
	_ =	sdelay $0x1  }
0xa1: {  	s23 =	simm.s32 $0x1B8B  }
0xa2: {  	_ =	swait.ge [sflag:s23], $0x1  }
0xa3: {  	[sflag:s23] =	ssyncset.done $0x0  }
0xa4: {  	[sflag:s23] =	ssyncadd.s32 $0xFFFFFFFF  }
0xa5: {  	s5 =	sld [smem:$0x0]  }
0xa6: {  	s6 =	sand.u32 $0xFFFFFFFE, s1  }
0xa7: {  	p0 =	sne.s32 s1, s6  }
0xa8: {  	s6 =	sshll.u32 @p0 s6, $0xE  }
0xa9: {  	s6 =	sadd.s32 @p0 $0x11B8D, s6;
	s7 =	sshll.u32 @p0 s5, $0x11  }
0xaa: {  	s6 =	sor.u32 @p0 s7, s6  }
0xab: {  	[sflag:s6] =	ssyncadd.remote.s32 @p0 $0x1;
	_ =	sdelay $0x1  }
0xac: {  	s6 =	simm.s32 @p0 $0x1B8D  }
0xad: {  	_ =	swait.eq @p0 [sflag:s6], $0x1  }
0xae: {  	[sflag:s6] =	ssyncadd.s32 @p0 $0xFFFFFFFF  }
0xaf: {  	s7 =	sshll.u32 @!p0 s1, $0xE  }
0xb0: {  	s7 =	sor.u32 @!p0 $0x4000, s7;
	s6 =	simm.s32 @!p0 $0x1B8D  }
0xb1: {  	s5 =	sshll.u32 @!p0 s5, $0x11;
	s7 =	sadd.s32 @!p0 $0x11B8D, s7;
	_ =	swait.eq @!p0 [sflag:s6], $0x1  }
0xb2: {  	s5 =	sor.u32 @!p0 s5, s7;
	[sflag:s6] =	ssyncadd.s32 @!p0 $0xFFFFFFFF  }
0xb3: {  	s25 =	simm.s32 $0x1B8E;
	s24 =	sld [smem:$0x3FFE];
	[sflag:s5] =	ssyncadd.remote.s32 @!p0 $0x1  }
0xb4: {  	s26 =	simm.s32 $execute0_lowered;
	[smem:$0x3FD2] =	sst s25  }
0xb5: {  	s6 =	sshll.u32 s26, $0x1;
	_ =	strace $0x8000004C;
	[dreg:$0x1] =	wrdreg $0xFFFFFFFF  }
0xb6: {  	s28 =	simm.s32 $_size_execute0_lowered;
	s4 =	sadd.s32 s4, s6;
	[dreg:$0x0] =	wrdreg $0x0  }
0xb7: {  	s6 =	sshll.u32 s28, $0x1;
	[dreg:$0x2] =	wrdreg s4  }
0xb8: {  	[dreg:$0x3] =	wrdreg s6  }
0xb9: {  	[dreg:$0x4] =	wrdreg $0xC0  }
0xba: {  	_ =	task [dreg:s22], $0x5FFFF  }
0xbb: {  	[dreg:$0x1] =	wrdreg $0xFFFFFFFF  }
0xbc: {  	[dreg:$0x0] =	wrdreg $0x60  }
0xbd: {  	[dreg:$0x2] =	wrdreg s18  }
0xbe: {  	[dreg:$0x3] =	wrdreg s24  }
0xbf: {  	[dreg:$0x4] =	wrdreg $0xB  }
0xc0: {  	_ =	task.clear_ibuf [dreg:s22], $0x5FFFF;
	_ =	strace $0x9000004C  }
0xc1: {  	s29 =	simm.s32 $0xB;
	_ =	strace $0x8000004E  }
0xc2: {  	_ =	swait.ge [sflag:s29], $0x1  }
0xc3: {  	[sflag:s29] =	ssyncadd.s32 $0xFFFFFFFF  }
0xc4: {  	_ =	strace $0x9000004E  }
0xc5: {  	_ =	sfence  }
0xc6: {  	s30 =	sld [smem:$0x0];
	_ =	sdelay $0x2  }
0xc7: {  	s31 =	sshll.u32 s1, $0xD;
	s1 =	sshrl.u32 s1, $0x2  }
0xc8: {  	s4 =	sand.u32 $0x4000, s31;
	s1 =	sadd.s32 s1, s30  }
0xc9: {  	s0 =	sor.u32 s4, s0;
	s1 =	sshll.u32 s1, $0x11  }
0xca: {  	s0 =	sor.u32 s1, s0  }
0xcb: {  	s0 =	sadd.s32 $0x8F2B, s0  }
0xcc: {  	[sflag:s0] =	ssyncadd.remote.s32 $0x1  }
0xcd: {  	_ =	sfence.sel $0xFFFF  }
0xce: {  	[dreg:$0x0] =	wrdreg $0xFFFFFFFF;
	(pc) =	sbr.abs _section_cstart, $3  }
0xcf: {  	[dreg:$0x1] =	wrdreg $0xFFFFFFFF  }
0xd0: {  	_ =	task.clear_ibuf [dreg:s22], $0x2FFFF;
	_ =	strace $0x9FFFFFFF  }
0xd1: {  	(tm) =	ssettm $0x7FFFFFFF  }
tec
execute0_lowered:
.L_overlay_start_1:
0x0: {  	(tag) =	ssettag $0x1  }
0x1: {  	s6 =	rddreg [dreg:$0x0]  }
0x2: {  	s7 =	rddreg [dreg:$0x1];
	s2 =	srdreg.scid  }
0x3: {  	s0 =	rddreg [dreg:$0x2];
	s1 =	stileid.u32  }
0x4: {  	s11 =	simm.s32 $0x10200;
	s12 =	simm.s32 $0x80;
	s13 =	simm.s32 $0x400  }
0x5: {  	s14 =	simm.s32 $0x8000;
	s15 =	simm.s32 $0x0;
	s5 =	sand.u32 $0x1, s2  }
0x6: {  	s2 =	simm.s32 $0x0;
	s3 =	sshll.u32 s1, $0x5;
	s8 =	sshll.u32 s1, $0xD  }
0x7: {  	s4 =	sshll.u32 s5, $0x4;
	[smem:$0x7FF] =	sst s2;
	s9 =	ssub.s32 $0x2, s5  }
0x8: {  	s5 =	sadd.s32 $0x40800, s7;
	s3 =	sor.u32 s4, s3;
	_ =	strace $0x8000004D  }
0x9: {  	s4 =	sadd.s32 $0x40A00, s7;
	s10 =	sshrl.u32 s9, $0x1;
	s8 =	sor.u32 s8, s3  }
0xa: {  	s31 =	ssub.s32 s9, s10;
	s9 =	simm.s32 $0x10000;
	s8 =	sand.u32 $0x18070, s8  }
0xb: {  	s10 =	simm.s32 $0x1;
	s6 =	sadd.s32 s8, s6;
	s7 =	sadd.s32 s8, s7  }
0xc: {  	s8 =	smax.u32 s31, $0x1;
	s6 =	sadd.s32 $0x40000, s6;
	s7 =	sadd.s32 $0x40C00, s7  }
.LBB2_1:
0xd: {  	[tilespmem:s9], [sflag:$0x1] =	stream.linear.gather [hbm4b:s4+s2], $0x200, $0x38;
	[tilespmem:$0x10400] =	vst v63  }
0xe: {  	_ =	swait.ge [sflag:s10], $0x200  }
0xf: {  	[sflag:s10] =	ssyncset.done $0x0  }
0x10: {  	[sflag:s10] =	ssyncadd.s32 $0xFFFFFE00  }
0x11: {  	[tilespmem:s11], [sflag:$0x1] =	stream.linear.gather [hbm4b:s5+s2], $0x200, $0x38;
	[tilespmem:$0x10400] =	vst v63  }
0x12: {  	_ =	swait.ge [sflag:s10], $0x200  }
0x13: {  	[sflag:s10] =	ssyncset.done $0x0  }
0x14: {  	[sflag:s10] =	ssyncadd.s32 $0xFFFFFE00  }
0x15: {  	[tilespmem:s2], [sflag:$0x1] =	stream.strided.gather [hbm4b:s6+s12], $0x8000, s13, s12, $0x38;
	[tilespmem:$0x10400] =	vst v63  }
0x16: {  	_ =	swait.ge [sflag:s10], $0x8000  }
0x17: {  	[sflag:s10] =	ssyncset.done $0x0  }
0x18: {  	[sflag:s10] =	ssyncadd.s32 $0xFFFF8000  }
0x19: {  	v0 =	vld [tilespmem:s3+$0x10000]  }
0x1a: {  	s16 =	simm.s32 $0x0;
	v1 =	vld [tilespmem:s3+$0x10200]  }
0x1b: {  	v2 =	vld [tilespmem:s16+$0x0];
	_ =	sdelay $0x3  }
0x1c: {  	v3 =	vlaneseq.u32;
	s17 =	simm.s32 $0x40  }
.LBB2_2:
0x1d: {  	s18 =	sshra.s32 s17, $0x2;
	p0 =	sne.s32 s17, $0x1FFC0;
	s17 =	sadd.s32 $0x40, s17;
	vm0 =	veq.f32 v2, v0;
	vm1 =	vlt.s32 v3, v1;
	v4 =	vmov v2  }
.Ltmp0:
0x1e: {  	v2 =	vld [tilespmem:s18+$0x0];
	vm2 =	vgt.f32 v4, v0;
	vm0 =	vmand vm1, vm0;
	(pc) =	sbr.rel @p0 .LBB2_2-.Ltmp0, $4  }
0x1f: {  	vm0 =	vmor vm2, vm0  }
0x20: {  	v4 =	vnsel vm0, $0x0, v4  }
0x21: {  	[tilespmem:s16+$0x8000] =	vst v4;
	s16 =	smov.u32 s18  }
0x22: {  	v3 =	vadd.s32 $0x10, v3  }
0x23: {  	vm0 =	veq.f32 v2, v0;
	vm1 =	vlt.s32 v3, v1  }
0x24: {  	vm2 =	vgt.f32 v2, v0;
	vm0 =	vmand vm1, vm0  }
0x25: {  	s15 =	sadd.s32 $0x1, s15;
	vm0 =	vmor vm2, vm0  }
0x26: {  	p0 =	sne.s32 s15, s8;
	v63 =	vnsel vm0, $0x0, v2  }
.Ltmp1:
0x27: {  	[tilespmem:s16+$0x8000] =	vst v63;
	(pc) =	sbr.rel @p0 .LBB2_1-.Ltmp1, $4  }
0x28: {  	[hbm4b:s7+s12] =	stream.strided.scatter [tilespmem:s14], [sflag:$0x1], $0x8000, s13, s12, $0x38;
	[tilespmem:$0x10400] =	vst v63  }
0x29: {  	_ =	swait.ge [sflag:s10], $0x8000  }
0x2a: {  	[sflag:s10] =	ssyncset.done $0x0  }
0x2b: {  	[sflag:s10] =	ssyncadd.s32 $0xFFFF8000  }
0x2c: {  	_ =	sfence.sel $0x180000  }
0x2d: {  	[bflag:$0x0] =	sbarrier.arrive $0xFFFF  }
0x2e: {  	p0 =	sne.s32 s1, $0x0;
	_ =	strace $0x9000004D  }
0x2f: {  	s0 =	sadd.s32 @!p0 $0x100000, s0;
	[bflag:$0x2] =	sbarrier.arrive $0xFFFF  }
0x30: {  	[sflag:s0] =	ssyncadd.tile.s32 @!p0 $0x1;
	_ =	shalt  }
.Lfunc_end2:
_tile_overlayer_lowered:
.L_overlay_start_2:
0x31: {  	(tag) =	ssettag $0x2  }
0x32: {  	s0 =	rddreg [dreg:$0x0];
	s2 =	stileid.u32  }
0x33: {  	s1 =	rddreg [dreg:$0x1];
	p0 =	sne.s32 s2, $0x0  }
0x34: {  	s3 =	rddreg [dreg:$0x2];
	[bflag:$0x3] =	sbarrier.arrive $0xFFFF;
	s2 =	simm.s32 @!p0 $0x1C01  }
0x35: {  	[timem:s3], [sflag:s2] =	dma.local @!p0 [hbm:s0], s1  }
0x36: {  	s0 =	simm.s32 @!p0 $0x1  }
0x37: {  	_ =	swait.ge @!p0 [sflag:s0], s1  }
0x38: {  	s1 =	ssub.s32 @!p0 $0x0, s1;
	[sflag:s0] =	ssyncset.done @!p0 $0x0  }
0x39: {  	[sflag:s0] =	ssyncadd.s32 @!p0 s1  }
0x3a: {  	[bflag:$0x3] =	sbarrier.arrive $0xFFFF  }
0x3b: {  	_ =	shalt  }

// kernel: kernel.19.cloned.1.call-start
scs
__scs_entry_jumppad:
0x0: {  	(pc) =	sbr.rel $0x88, $3  }
0x1: {  	(tag) =	ssettag $0x0;
	lr =	simm.s32 $0x1  }
0x2: {  	[smem:$0x3FA0] =	sst lr;
	_ =	strace $0xD0000000  }
0x3: {  	_ = 	snop  }
0x4: {  	_ = 	snop  }
0x5: {  	_ = 	snop  }
0x6: {  	_ = 	snop  }
0x7: {  	_ = 	snop  }
__scs_overlays_trampoline_lowered:
0x8: {  	[smem:$0x3FAF] =	sst s0  }
0x9: {  	[smem:$0x3FB0] =	sst s1  }
0xa: {  	[smem:$0x3FB1] =	sst s2  }
0xb: {  	[smem:$0x3FB2] =	sst s3  }
0xc: {  	[smem:$0x3FB3] =	sst s4  }
0xd: {  	[smem:$0x3FB4] =	sst s5  }
0xe: {  	[smem:$0x3FB5] =	sst s6  }
0xf: {  	[smem:$0x3FB6] =	sst s7  }
0x10: {  	[smem:$0x3FB7] =	sst s8  }
0x11: {  	[smem:$0x3FB8] =	sst s9;
	s0 =	simm.s32 @!p0 $0x0  }
0x12: {  	s1 =	sld [smem:$0x3F9E];
	s0 =	simm.s32 @p0 $0x1  }
0x13: {  	[smem:$0x3FB9] =	sst s0;
	s0 =	simm.s32 @!p1 $0x0  }
0x14: {  	s2 =	sld [smem:$0x3F9D];
	s0 =	simm.s32 @p1 $0x1  }
0x15: {  	[smem:$0x3FBA] =	sst s0;
	s0 =	simm.s32 @!p2 $0x0  }
0x16: {  	s3 =	sld [smem:$0x3FDB];
	s0 =	simm.s32 @p2 $0x1  }
0x17: {  	s4 =	simm.s32 $0x1BF5;
	[smem:$0x3FBC] =	sst s0  }
0x18: {  	s0 =	sld [smem:$0x3F9F];
	_ =	swait.ge [sflag:s4], $0x0  }
0x19: {  	s7 =	sld [smem:$0x3FA0]  }
0x1a: {  	s8 =	sadd.s32 $0xFFFFE003, lr  }
0x1b: {  	s9 =	sadd.s32 $0xFFFFFEF7, lr;
	s5 =	simm.s32 $0xFFFFFFFF;
	p2 =	slt.u32 s8, $0xFFFFF086  }
0x1c: {  	p1 =	slt.u32 s9, $0xF7A;
	s5 =	simm.s32 @!p2 $0x0  }
0x1d: {  	s5 =	simm.s32 @p1 $0x1;
	p0 =	seq.s32 s7, s2  }
0x1e: {  	s7 =	smul.u32 @!p0 $0xF7A, s2;
	p2 =	seq.s32 @!p0 s5, $0x0  }
0x1f: {  	s9 =	smul.u32 $0xF7A, s1;
	s8 =	simm.s32 @!p0 $0x1BF5;
	p2 =	por !p2, p0  }
0x20: {  	[sflag:s8] =	ssyncset.s32 @!p0 $0xFFFFF086;
	s6 =	sadd.s32 @!p0 s3, s7;
	s7 =	simm.s32 @!p0 $0x108  }
0x21: {  	s3 =	sadd.s32 s3, s9;
	s6 =	sadd.s32 @!p0 $0x88, s6;
	s7 =	simm.s32 @p2 $0x1082  }
0x22: {  	[simem:s7], [sflag:s8] =	dma.local @!p0 [hbm:s6], $0xF7A  }
0x23: {  	s9 =	sor.u32 $0xD0000000, s2;
	s6 =	simm.s32 $0x108;
	_ =	swait.ge @!p0 [sflag:s8], $0x0  }
0x24: {  	s3 =	sadd.s32 $0x88, s3;
	s6 =	simm.s32 @!p1 $0x1082;
	[sflag:s4] =	ssyncset.s32 $0xFFFFF086  }
0x25: {  	[simem:s6], [sflag:s4] =	dma.local [hbm:s3], $0xF7A  }
0x26: {  	[smem:$0x3FA0] =	sst s1;
	(tag) =	ssettag s2;
	_ =	strace s9  }
0x27: {  	s1 =	sld [smem:$0x3FB0]  }
0x28: {  	s2 =	sld [smem:$0x3FB1]  }
0x29: {  	s4 =	sld [smem:$0x3FB3]  }
0x2a: {  	p0 =	seq.s32 s5, $0x0;
	s5 =	sld [smem:$0x3FB4]  }
0x2b: {  	s6 =	sld [smem:$0x3FB5]  }
0x2c: {  	s7 =	sld [smem:$0x3FB6]  }
0x2d: {  	s3 =	simm.s32 $0x108;
	s8 =	sld [smem:$0x3FB7]  }
0x2e: {  	s3 =	simm.s32 @!p0 $0x1082;
	s9 =	sld [smem:$0x3FB8]  }
0x2f: {  	lr =	sadd.s32 s0, s3;
	s0 =	sld [smem:$0x3FAF]  }
0x30: {  	s3 =	sld [smem:$0x3FB2]  }
0x31: {  	[smem:$0x3FBB] =	sst s10  }
0x32: {  	s10 =	sld [smem:$0x3FB9];
	_ =	sdelay $0x3  }
0x33: {  	p0 =	seq.s32 s10, $0x1;
	s10 =	sld [smem:$0x3FBB];
	_ =	sdelay $0x3  }
0x34: {  	[smem:$0x3FBB] =	sst s10  }
0x35: {  	s10 =	sld [smem:$0x3FBA];
	_ =	sdelay $0x3  }
0x36: {  	p1 =	seq.s32 s10, $0x1;
	s10 =	sld [smem:$0x3FBB];
	_ =	sdelay $0x3  }
0x37: {  	[smem:$0x3FBB] =	sst s10  }
0x38: {  	s10 =	sld [smem:$0x3FBC]  }
0x39: {  	_ = 	snop;
	(pc) =	sbr.ind lr, $3  }
0x3a: {  	_ = 	snop  }
0x3b: {  	_ = 	snop  }
0x3c: {  	p2 =	seq.s32 s10, $0x1;
	s10 =	sld [smem:$0x3FBB]  }
0x3d: {  	_ =	shalt  }
0x3e: {  	_ =	shalt  }
0x3f: {  	_ =	shalt  }
0x40: {  	_ =	shalt  }
0x41: {  	_ =	shalt  }
0x42: {  	_ =	shalt  }
0x43: {  	_ =	shalt  }
0x44: {  	_ =	shalt  }
0x45: {  	_ =	shalt  }
0x46: {  	_ =	shalt  }
0x47: {  	_ =	shalt  }
0x48: {  	_ =	shalt  }
0x49: {  	_ =	shalt  }
0x4a: {  	_ =	shalt  }
0x4b: {  	_ =	shalt  }
0x4c: {  	_ =	shalt  }
0x4d: {  	_ =	shalt  }
0x4e: {  	_ =	shalt  }
0x4f: {  	_ =	shalt  }
0x50: {  	_ =	shalt  }
0x51: {  	_ =	shalt  }
0x52: {  	_ =	shalt  }
0x53: {  	_ =	shalt  }
0x54: {  	_ =	shalt  }
0x55: {  	_ =	shalt  }
0x56: {  	_ =	shalt  }
0x57: {  	_ =	shalt  }
0x58: {  	_ =	shalt  }
0x59: {  	_ =	shalt  }
0x5a: {  	_ =	shalt  }
0x5b: {  	_ =	shalt  }
0x5c: {  	_ =	shalt  }
0x5d: {  	_ =	shalt  }
0x5e: {  	_ =	shalt  }
0x5f: {  	_ =	shalt  }
0x60: {  	_ =	shalt  }
0x61: {  	_ =	shalt  }
0x62: {  	_ =	shalt  }
0x63: {  	_ =	shalt  }
0x64: {  	_ =	shalt  }
0x65: {  	_ =	shalt  }
0x66: {  	_ =	shalt  }
0x67: {  	_ =	shalt  }
0x68: {  	_ =	shalt  }
0x69: {  	_ =	shalt  }
0x6a: {  	_ =	shalt  }
0x6b: {  	_ =	shalt  }
0x6c: {  	_ =	shalt  }
0x6d: {  	_ =	shalt  }
0x6e: {  	_ =	shalt  }
0x6f: {  	_ =	shalt  }
0x70: {  	_ =	shalt  }
0x71: {  	_ =	shalt  }
0x72: {  	_ =	shalt  }
0x73: {  	_ =	shalt  }
0x74: {  	_ =	shalt  }
0x75: {  	_ =	shalt  }
0x76: {  	_ =	shalt  }
0x77: {  	_ =	shalt  }
0x78: {  	_ =	shalt  }
0x79: {  	_ =	shalt  }
0x7a: {  	_ =	shalt  }
0x7b: {  	_ =	shalt  }
0x7c: {  	_ =	shalt  }
0x7d: {  	_ =	shalt  }
0x7e: {  	_ =	shalt  }
0x7f: {  	_ =	shalt  }
0x80: {  	_ =	shalt  }
0x81: {  	_ =	shalt  }
0x82: {  	_ =	shalt  }
0x83: {  	_ =	shalt  }
0x84: {  	_ =	shalt  }
0x85: {  	_ =	shalt  }
0x86: {  	_ =	shalt  }
0x87: {  	_ =	shalt  }
.Lfunc_end0:
.L_simem_size_0:
called_computation.3_lowered:
.L_overlay_start_0:
0x88: {  	s2 =	sld [smem:$0x3FD9]  }
0x89: {  	s3 =	sld [smem:$0x3FFE];
	_ =	sdelay $0x1  }
0x8a: {  	s1 =	srdreg.scid  }
0x8b: {  	s0 =	sand.u32 $0x1, s1  }
0x8c: {  	s17 =	sshll.u32 s0, $0xA;
	s2 =	sadd.s32 s3, s2  }
0x8d: {  	s2 =	sadd.s32 s2, s17  }
0x8e: {  	[smem:$0x3FC7] =	sst s2  }
0x8f: {  	_ = 	snop  }
0x90: {  	s18 =	sld [smem:$0x3FC9]  }
0x91: {  	s4 =	sld [smem:$0x3FD0];
	(tm) =	ssettm $0x1  }
0x92: {  	s19 =	sld [smem:$0x3FFB];
	_ =	sdelay $0x3  }
0x93: {  	_ =	strace s19  }
0x94: {  	s2 =	sld [smem:$0x3FFC];
	_ =	sdelay $0x3  }
0x95: {  	_ =	strace s2  }
0x96: {  	s2 =	sld [smem:$0x3FFD];
	_ =	sdelay $0x3  }
0x97: {  	_ =	strace s2  }
0x98: {  	_ =	strace $0x8FFFFFFF  }
0x99: {  	s20 =	sld [smem:$0x3FDB];
	_ =	sdelay $0x1  }
0x9a: {  	s5 =	simm.s32 $_scs_section_size  }
0x9b: {  	s6 =	simm.s32 $_size__tile_overlayer_lowered;
	s7 =	simm.s32 $_tile_overlayer_lowered  }
0x9c: {  	s8 =	simm.s32 $0x1BFF;
	s21 =	sshll.u32 s7, $0x1;
	s5 =	sadd.s32 s5, s20  }
0x9d: {  	s22 =	simm.s32 $0x0;
	s6 =	sshll.u32 s6, $0x1;
	s7 =	sadd.s32 s21, s5  }
0x9e: {  	[timem:s22], [sflag:s8] =	dma.local [hbm:s7], s6  }
0x9f: {  	_ =	swait.ge [sflag:s8], s6  }
0xa0: {  	s6 =	ssub.s32 $0x0, s6;
	[sflag:s8] =	ssyncset.done $0x0  }
0xa1: {  	[sflag:s8] =	ssyncadd.s32 s6;
	_ =	sdelay $0x1  }
0xa2: {  	s23 =	simm.s32 $0x1B8B  }
0xa3: {  	_ =	swait.ge [sflag:s23], $0x1  }
0xa4: {  	[sflag:s23] =	ssyncset.done $0x0  }
0xa5: {  	[sflag:s23] =	ssyncadd.s32 $0xFFFFFFFF  }
0xa6: {  	s6 =	sld [smem:$0x0]  }
0xa7: {  	s7 =	sand.u32 $0xFFFFFFFE, s1  }
0xa8: {  	p0 =	sne.s32 s1, s7  }
0xa9: {  	s7 =	sshll.u32 @p0 s7, $0xE  }
0xaa: {  	s7 =	sadd.s32 @p0 $0x11B8D, s7;
	s8 =	sshll.u32 @p0 s6, $0x11  }
0xab: {  	s7 =	sor.u32 @p0 s8, s7  }
0xac: {  	[sflag:s7] =	ssyncadd.remote.s32 @p0 $0x1;
	_ =	sdelay $0x1  }
0xad: {  	s7 =	simm.s32 @p0 $0x1B8D  }
0xae: {  	_ =	swait.eq @p0 [sflag:s7], $0x1  }
0xaf: {  	[sflag:s7] =	ssyncadd.s32 @p0 $0xFFFFFFFF  }
0xb0: {  	s8 =	sshll.u32 @!p0 s1, $0xE  }
0xb1: {  	s8 =	sor.u32 @!p0 $0x4000, s8;
	s7 =	simm.s32 @!p0 $0x1B8D  }
0xb2: {  	s6 =	sshll.u32 @!p0 s6, $0x11;
	s8 =	sadd.s32 @!p0 $0x11B8D, s8;
	_ =	swait.eq @!p0 [sflag:s7], $0x1  }
0xb3: {  	s6 =	sor.u32 @!p0 s6, s8;
	[sflag:s7] =	ssyncadd.s32 @!p0 $0xFFFFFFFF  }
0xb4: {  	s25 =	simm.s32 $0x1B8E;
	s24 =	sld [smem:$0x3FFE];
	[sflag:s6] =	ssyncadd.remote.s32 @!p0 $0x1  }
0xb5: {  	s26 =	simm.s32 $execute0_lowered;
	[smem:$0x3FD2] =	sst s25  }
0xb6: {  	s7 =	sshll.u32 s26, $0x1;
	_ =	strace $0x8000004F;
	[dreg:$0x1] =	wrdreg $0xFFFFFFFF  }
0xb7: {  	s28 =	simm.s32 $_size_execute0_lowered;
	s5 =	sadd.s32 s5, s7;
	[dreg:$0x0] =	wrdreg $0x0  }
0xb8: {  	s7 =	sshll.u32 s28, $0x1;
	[dreg:$0x2] =	wrdreg s5  }
0xb9: {  	[dreg:$0x3] =	wrdreg s7  }
0xba: {  	[dreg:$0x4] =	wrdreg $0xC0  }
0xbb: {  	_ =	task [dreg:s22], $0x5FFFF  }
0xbc: {  	[dreg:$0x1] =	wrdreg $0xFFFFFFFF  }
0xbd: {  	[dreg:$0x0] =	wrdreg $0x60  }
0xbe: {  	[dreg:$0x2] =	wrdreg s18  }
0xbf: {  	[dreg:$0x3] =	wrdreg s4  }
0xc0: {  	[dreg:$0x4] =	wrdreg s24  }
0xc1: {  	[dreg:$0x5] =	wrdreg $0xC  }
0xc2: {  	_ =	task.clear_ibuf [dreg:s22], $0x6FFFF;
	_ =	strace $0x9000004F  }
0xc3: {  	s29 =	simm.s32 $0xC;
	_ =	strace $0x80000051  }
0xc4: {  	_ =	swait.ge [sflag:s29], $0x1  }
0xc5: {  	[sflag:s29] =	ssyncadd.s32 $0xFFFFFFFF  }
0xc6: {  	_ =	strace $0x90000051  }
0xc7: {  	_ =	sfence  }
0xc8: {  	s30 =	sld [smem:$0x0];
	_ =	sdelay $0x2  }
0xc9: {  	s31 =	sshll.u32 s1, $0xD;
	s1 =	sshrl.u32 s1, $0x2  }
0xca: {  	s4 =	sand.u32 $0x4000, s31;
	s1 =	sadd.s32 s1, s30  }
0xcb: {  	s0 =	sor.u32 s4, s0;
	s1 =	sshll.u32 s1, $0x11  }
0xcc: {  	s0 =	sor.u32 s1, s0  }
0xcd: {  	s0 =	sadd.s32 $0x8F2B, s0  }
0xce: {  	[sflag:s0] =	ssyncadd.remote.s32 $0x1  }
0xcf: {  	_ =	sfence.sel $0xFFFF  }
0xd0: {  	[dreg:$0x0] =	wrdreg $0xFFFFFFFF;
	(pc) =	sbr.abs _section_cstart, $3  }
0xd1: {  	[dreg:$0x1] =	wrdreg $0xFFFFFFFF  }
0xd2: {  	_ =	task.clear_ibuf [dreg:s22], $0x2FFFF;
	_ =	strace $0x9FFFFFFF  }
0xd3: {  	(tm) =	ssettm $0x7FFFFFFF  }
tec
execute0_lowered:
.L_overlay_start_1:
0x0: {  	(tag) =	ssettag $0x1  }
0x1: {  	s6 =	rddreg [dreg:$0x0]  }
0x2: {  	s2 =	rddreg [dreg:$0x1];
	s0 =	srdreg.scid  }
0x3: {  	s7 =	rddreg [dreg:$0x2];
	s1 =	stileid.u32  }
0x4: {  	s3 =	simm.s32 $0x0;
	s11 =	simm.s32 $0x10200;
	s12 =	simm.s32 $0x80  }
0x5: {  	s13 =	simm.s32 $0x400;
	s14 =	simm.s32 $0x8000;
	s15 =	simm.s32 $0x0  }
0x6: {  	s5 =	sand.u32 $0x1, s0;
	s0 =	rddreg [dreg:$0x3];
	s4 =	sshll.u32 s1, $0x5  }
0x7: {  	s9 =	sshll.u32 s1, $0xD;
	[smem:$0x7FF] =	sst s3;
	s8 =	sshll.u32 s5, $0x4  }
0x8: {  	_ =	strace $0x80000050;
	s30 =	ssub.s32 $0x2, s5;
	s4 =	sor.u32 s8, s4  }
0x9: {  	s5 =	sadd.s32 $0x60C00, s7;
	s10 =	sshrl.u32 s30, $0x1;
	s8 =	sor.u32 s9, s4  }
0xa: {  	s31 =	ssub.s32 s30, s10;
	s9 =	simm.s32 $0x10000;
	s8 =	sand.u32 $0x18070, s8  }
0xb: {  	s10 =	simm.s32 $0x1;
	s6 =	sadd.s32 s8, s6;
	s7 =	sadd.s32 s8, s7  }
0xc: {  	s8 =	smax.u32 s31, $0x1;
	s6 =	sadd.s32 $0x60000, s6;
	s7 =	sadd.s32 $0x60E00, s7  }
.LBB2_1:
0xd: {  	[tilespmem:s9], [sflag:$0x1] =	stream.linear.gather [hbm4b:s2+s3], $0x200, $0x38;
	[tilespmem:$0x10400] =	vst v63  }
0xe: {  	_ =	swait.ge [sflag:s10], $0x200  }
0xf: {  	[sflag:s10] =	ssyncset.done $0x0  }
0x10: {  	[sflag:s10] =	ssyncadd.s32 $0xFFFFFE00  }
0x11: {  	[tilespmem:s11], [sflag:$0x1] =	stream.linear.gather [hbm4b:s5+s3], $0x200, $0x38;
	[tilespmem:$0x10400] =	vst v63  }
0x12: {  	_ =	swait.ge [sflag:s10], $0x200  }
0x13: {  	[sflag:s10] =	ssyncset.done $0x0  }
0x14: {  	[sflag:s10] =	ssyncadd.s32 $0xFFFFFE00  }
0x15: {  	[tilespmem:s3], [sflag:$0x1] =	stream.strided.gather [hbm4b:s6+s12], $0x8000, s13, s12, $0x38;
	[tilespmem:$0x10400] =	vst v63  }
0x16: {  	_ =	swait.ge [sflag:s10], $0x8000  }
0x17: {  	[sflag:s10] =	ssyncset.done $0x0  }
0x18: {  	[sflag:s10] =	ssyncadd.s32 $0xFFFF8000  }
0x19: {  	v0 =	vld [tilespmem:s4+$0x10000]  }
0x1a: {  	s16 =	simm.s32 $0x0;
	v1 =	vld [tilespmem:s4+$0x10200]  }
0x1b: {  	v2 =	vld [tilespmem:s16+$0x0];
	_ =	sdelay $0x3  }
0x1c: {  	v3 =	vlaneseq.u32;
	s17 =	simm.s32 $0x40  }
.LBB2_2:
0x1d: {  	s18 =	sshra.s32 s17, $0x2;
	p0 =	sne.s32 s17, $0x1FFC0;
	s17 =	sadd.s32 $0x40, s17;
	vm0 =	veq.f32 v2, v0;
	vm1 =	vlt.s32 v3, v1;
	v4 =	vmov v2  }
.Ltmp0:
0x1e: {  	v2 =	vld [tilespmem:s18+$0x0];
	vm2 =	vgt.f32 v4, v0;
	vm0 =	vmand vm1, vm0;
	(pc) =	sbr.rel @p0 .LBB2_2-.Ltmp0, $4  }
0x1f: {  	vm0 =	vmor vm2, vm0  }
0x20: {  	v4 =	vnsel vm0, $0x0, v4  }
0x21: {  	[tilespmem:s16+$0x8000] =	vst v4;
	s16 =	smov.u32 s18  }
0x22: {  	v3 =	vadd.s32 $0x10, v3  }
0x23: {  	vm0 =	veq.f32 v2, v0;
	vm1 =	vlt.s32 v3, v1  }
0x24: {  	vm2 =	vgt.f32 v2, v0;
	vm0 =	vmand vm1, vm0  }
0x25: {  	s15 =	sadd.s32 $0x1, s15;
	vm0 =	vmor vm2, vm0  }
0x26: {  	p0 =	sne.s32 s15, s8;
	v63 =	vnsel vm0, $0x0, v2  }
.Ltmp1:
0x27: {  	[tilespmem:s16+$0x8000] =	vst v63;
	(pc) =	sbr.rel @p0 .LBB2_1-.Ltmp1, $4  }
0x28: {  	[hbm4b:s7+s12] =	stream.strided.scatter [tilespmem:s14], [sflag:$0x1], $0x8000, s13, s12, $0x38;
	[tilespmem:$0x10400] =	vst v63  }
0x29: {  	_ =	swait.ge [sflag:s10], $0x8000  }
0x2a: {  	[sflag:s10] =	ssyncset.done $0x0  }
0x2b: {  	[sflag:s10] =	ssyncadd.s32 $0xFFFF8000  }
0x2c: {  	_ =	sfence.sel $0x180000  }
0x2d: {  	[bflag:$0x0] =	sbarrier.arrive $0xFFFF  }
0x2e: {  	p0 =	sne.s32 s1, $0x0;
	_ =	strace $0x90000050  }
0x2f: {  	s0 =	sadd.s32 @!p0 $0x100000, s0;
	[bflag:$0x2] =	sbarrier.arrive $0xFFFF  }
0x30: {  	[sflag:s0] =	ssyncadd.tile.s32 @!p0 $0x1;
	_ =	shalt  }
.Lfunc_end2:
_tile_overlayer_lowered:
.L_overlay_start_2:
0x31: {  	(tag) =	ssettag $0x2  }
0x32: {  	s0 =	rddreg [dreg:$0x0];
	s2 =	stileid.u32  }
0x33: {  	s1 =	rddreg [dreg:$0x1];
	p0 =	sne.s32 s2, $0x0  }
0x34: {  	s3 =	rddreg [dreg:$0x2];
	[bflag:$0x3] =	sbarrier.arrive $0xFFFF;
	s2 =	simm.s32 @!p0 $0x1C01  }
0x35: {  	[timem:s3], [sflag:s2] =	dma.local @!p0 [hbm:s0], s1  }
0x36: {  	s0 =	simm.s32 @!p0 $0x1  }
0x37: {  	_ =	swait.ge @!p0 [sflag:s0], s1  }
0x38: {  	s1 =	ssub.s32 @!p0 $0x0, s1;
	[sflag:s0] =	ssyncset.done @!p0 $0x0  }
0x39: {  	[sflag:s0] =	ssyncadd.s32 @!p0 s1  }
0x3a: {  	[bflag:$0x3] =	sbarrier.arrive $0xFFFF  }
0x3b: {  	_ =	shalt  }

</sc_bundles>
